<compile_context>
chip_gen: v7x
topology: tpu7x:2x2x1
jax: 0.10.2.dev20260603
libtpu: 0.0.44.dev20260713+nightly
codegen_flags: <defaults>
</compile_context>

<pallas_src>
import functools

import jax
import jax.numpy as jnp
from jax import lax
from jax.experimental import pallas as pl
from jax.experimental.pallas import tpu as pltpu
from jax.experimental.pallas import tpu_sc as plsc

jax.config.update("jax_enable_x64", True)

_FACTOR = 13.605693122994 * 0.5291772105638411

_NC = 2
_NS = 16
_NW = _NC * _NS
_L = 16
_CE = 2000
_NCH = 100
_NB = 5


def _make_sc_call(N, E):
    EPW = E // _NW
    assert EPW == _NCH * _CE

    mesh = plsc.VectorSubcoreMesh(core_axis_name="c", subcore_axis_name="s")

    @functools.partial(
        pl.kernel,
        out_type=jax.ShapeDtypeStruct((_NW, _L), jnp.float32),
        mesh=mesh,
        scratch_types=(
            [pltpu.VMEM((N,), jnp.float32)]
            + [pltpu.VMEM((_CE,), jnp.int32) for _ in range(_NB)]
            + [pltpu.VMEM((_CE,), jnp.float32) for _ in range(_NB)]
            + [pltpu.VMEM((_L,), jnp.float32)]
            + [pltpu.SemaphoreType.DMA for _ in range(_NB)]
            + [pltpu.SemaphoreType.DMA]
        ),
        compiler_params=pltpu.CompilerParams(needs_layout_passes=False),
    )
    def sc_fn(q_hbm, t_hbm, nb_hbm, out_hbm, *refs):
        q_v = refs[0]
        nb_bufs = refs[1:1 + _NB]
        t_bufs = refs[1 + _NB:1 + 2 * _NB]
        acc_v = refs[1 + 2 * _NB]
        sems = refs[2 + 2 * _NB:2 + 3 * _NB]
        semt = refs[2 + 3 * _NB]
        wid = lax.axis_index("s") * _NC + lax.axis_index("c")
        base = wid * EPW

        off = pl.multiple_of(((wid * (N // _NW)) & ~7) + 8, 8)
        pltpu.async_copy(q_hbm.at[pl.ds(off, N - off)],
                         q_v.at[pl.ds(off, N - off)], semt)
        pltpu.async_copy(q_hbm.at[pl.ds(0, off)], q_v.at[pl.ds(0, off)], semt)

        def start_chunk(c, b):
            e0 = base + c * _CE
            pltpu.async_copy(nb_hbm.at[pl.ds(e0, _CE)], nb_bufs[b], sems[b])
            pltpu.async_copy(t_hbm.at[pl.ds(e0, _CE)], t_bufs[b], sems[b])

        def wait_chunk(b):
            pltpu.make_async_copy(nb_hbm.at[pl.ds(0, _CE)],
                                  nb_bufs[b], sems[b]).wait()
            pltpu.make_async_copy(t_hbm.at[pl.ds(0, _CE)],
                                  t_bufs[b], sems[b]).wait()

        def process_chunk(b, acc):
            nb_v = nb_bufs[b]
            t_v = t_bufs[b]

            def vec_body(v, acc):
                off = v * (5 * _L)
                for u in range(5):
                    idx = nb_v[pl.ds(off + u * _L, _L)]
                    tv = t_v[pl.ds(off + u * _L, _L)]
                    qj = plsc.load_gather(q_v, [idx])
                    acc = acc + qj * tv
                return acc

            return lax.fori_loop(jnp.int32(0), jnp.int32(_CE // (5 * _L)),
                                 vec_body, acc, unroll=False)

        for b in range(_NB):
            start_chunk(b, b)
        pltpu.make_async_copy(q_hbm.at[pl.ds(0, N - off)],
                              q_v.at[pl.ds(0, N - off)], semt).wait()
        pltpu.make_async_copy(q_hbm.at[pl.ds(0, off)],
                              q_v.at[pl.ds(0, off)], semt).wait()

        def body(k, acc):
            g = _NB * k
            for b in range(_NB):
                wait_chunk(b)
                acc = process_chunk(b, acc)
                start_chunk(g + _NB + b, b)
            return acc

        acc = lax.fori_loop(jnp.int32(0), jnp.int32(_NCH // _NB - 1),
                            body, jnp.zeros((_L,), jnp.float32))
        for b in range(_NB):
            wait_chunk(b)
            acc = process_chunk(b, acc)

        acc_v[...] = acc
        pltpu.sync_copy(acc_v, out_hbm.at[wid])

    return sc_fn


@jax.jit
def kernel(charges, d_ij_lr, nbmat_lr):
    B, N, M = d_ij_lr.shape
    E = N * M
    assert E == _NW * _NCH * _CE
    q = charges[0]
    t = (charges[:, :, None] / d_ij_lr).reshape(E)
    nbl = lax.convert_element_type(nbmat_lr, jnp.int32).reshape(E)
    partials = _make_sc_call(N, E)(q, t, nbl)
    e = _FACTOR * jnp.sum(partials.astype(jnp.float64))
    return e.reshape(B)

# --- scband reference (transcript-rebuilt; emitter-appended) ---
"""Pipeline reference for scband-lrcoulomb-18580028522574 (READ-ONLY COPY).

The authoritative reference and input builder live on the scoring server;
editing this copy changes nothing except your own understanding.
"""

import jax, jax.numpy as jnp
import numpy as np
jax.config.update("jax_enable_x64", True)

# constants.half_Hartree * constants.Bohr (eV * Angstrom)
FACTOR = 13.605693122994 * 0.5291772105638411


def setup_inputs(seed: int = 0) -> dict:
    key = jax.random.key(seed)
    k1, k2, k3 = jax.random.split(key, 3)
    B, N, M = 1, 100000, 64
    # per-atom partial charges
    charges = jax.random.normal(k1, (B, N), dtype=jnp.float32) * 0.3
    # precomputed LR pair distances, kept away from 0 to avoid 1/d blowup
    d_ij_lr = jax.random.uniform(k2, (B, N, M), dtype=jnp.float32) * 9.0 + 1.0
    # LR neighbor matrix: for atom i, indices of its M neighbors (all valid, no padding)
    nbmat_lr = jax.random.randint(k3, (B, N, M), 0, N, dtype=jnp.int64)
    return {"charges": charges, "d_ij_lr": d_ij_lr, "nbmat_lr": nbmat_lr}


def reference(charges, d_ij_lr, nbmat_lr):
    # LRCoulomb.forward with method='simple', subtract_sr=False.
    # nbops.get_ij: q_i = q[..., :, None]; q_j = gather of q along atom dim via nbmat.
    q_i = charges[:, :, None]                                   # [B, N, 1]
    q_j = jax.vmap(lambda q, nb: jnp.take(q, nb, axis=0))(charges, nbmat_lr)  # [B, N, M]
    q_ij = q_i * q_j
    e_ij = q_ij / d_ij_lr                                       # [B, N, M]
    # nbops.mask_ij_: all neighbor slots are valid here (no padding), so identity.
    # sum over neighbors with float64 accumulation (torch sum(dtype=float64))
    e_i = jnp.sum(e_ij.astype(jnp.float64), axis=-1)            # [B, N]
    # nbops.mol_sum: sum over atoms per molecule
    e = FACTOR * jnp.sum(e_i, axis=-1)                          # [B]
    return e

if __name__ == "__main__":
    import jax
    _d = setup_inputs()
    print(jax.jit(kernel)(*tuple(_d.values())))

</pallas_src>

<mosaic_0001>
#map = affine_map<(d0, d1) -> (0)>
#map1 = affine_map<(d0, d1) -> (0, 0)>
module attributes {stable_mosaic.version = 14 : i64} {
  func.func @sc_fn(%arg0: i32, %arg1: i32, %arg2: memref<100000xf32, #tpu.memory_space<hbm>>, %arg3: memref<6400000xf32, #tpu.memory_space<hbm>>, %arg4: memref<6400000xi32, #tpu.memory_space<hbm>>, %arg5: memref<32x16xf32, #tpu.memory_space<hbm>>, %arg6: memref<100000xf32, #tpu.memory_space<vmem>>, %arg7: memref<2000xi32, #tpu.memory_space<vmem>>, %arg8: memref<2000xi32, #tpu.memory_space<vmem>>, %arg9: memref<2000xi32, #tpu.memory_space<vmem>>, %arg10: memref<2000xi32, #tpu.memory_space<vmem>>, %arg11: memref<2000xi32, #tpu.memory_space<vmem>>, %arg12: memref<2000xf32, #tpu.memory_space<vmem>>, %arg13: memref<2000xf32, #tpu.memory_space<vmem>>, %arg14: memref<2000xf32, #tpu.memory_space<vmem>>, %arg15: memref<2000xf32, #tpu.memory_space<vmem>>, %arg16: memref<2000xf32, #tpu.memory_space<vmem>>, %arg17: memref<16xf32, #tpu.memory_space<vmem>>, %arg18: memref<!tpu.dma_semaphore, #tpu.memory_space<semaphore_mem>>, %arg19: memref<!tpu.dma_semaphore, #tpu.memory_space<semaphore_mem>>, %arg20: memref<!tpu.dma_semaphore, #tpu.memory_space<semaphore_mem>>, %arg21: memref<!tpu.dma_semaphore, #tpu.memory_space<semaphore_mem>>, %arg22: memref<!tpu.dma_semaphore, #tpu.memory_space<semaphore_mem>>, %arg23: memref<!tpu.dma_semaphore, #tpu.memory_space<semaphore_mem>>) attributes {dimension_semantics = [#tpu.dimension_semantics<core_parallel>, #tpu.dimension_semantics<subcore_parallel>], iteration_bounds = array<i64: 2, 16>, scalar_prefetch = 0 : i64, scratch_operands = 18 : i64, tpu.core_type = #tpu.core_type<sc_vector_subcore>, window_params = [{transform_indices = #map}, {transform_indices = #map}, {transform_indices = #map}, {transform_indices = #map1}]} {
    %mul3A = arith.constant 2 : i32
    %mul3A_0 = arith.muli %arg1, %mul3A : i32
    %add3A = arith.addi %mul3A_0, %arg0 : i32
    %mul3A_1 = arith.constant 200000 : i32
    %mul3A_2 = arith.muli %add3A, %mul3A_1 : i32
    %mul3A_3 = arith.constant 3125 : i32
    %mul3A_4 = arith.muli %add3A, %mul3A_3 : i32
    %and3A = arith.constant -8 : i32
    %and3A_5 = arith.andi %mul3A_4, %and3A : i32
    %add3A_6 = arith.constant 8 : i32
    %add3A_7 = arith.addi %and3A_5, %add3A_6 : i32
    %multiple_of3A = tpu.assume_multiple %add3A_7, 8 : i32
    %sub3A = arith.constant 100000 : i32
    %sub3A_8 = arith.subi %sub3A, %multiple_of3A : i32
    %sub3A_9 = arith.constant 100000 : i32
    %sub3A_10 = arith.subi %sub3A_9, %multiple_of3A : i32
    %dma_start3A = tpu.memref_slice %arg6[%multiple_of3A] <%sub3A_10> : memref<100000xf32, #tpu.memory_space<vmem>> -> memref<?xf32, #tpu.memory_space<vmem>>
    %dma_start3A_11 = tpu.memref_slice %arg2[%multiple_of3A] <%sub3A_8> : memref<100000xf32, #tpu.memory_space<hbm>> -> memref<?xf32, #tpu.memory_space<hbm>>
    %dma_start3A_12 = tpu.memref_slice %arg6[%multiple_of3A] <%sub3A_10> : memref<100000xf32, #tpu.memory_space<vmem>> -> memref<?xf32, #tpu.memory_space<vmem>>
    %dma_start3A_13 = tpu.memref_slice %arg2[%multiple_of3A] <%sub3A_8> : memref<100000xf32, #tpu.memory_space<hbm>> -> memref<?xf32, #tpu.memory_space<hbm>>
    tpu.enqueue_dma source(%dma_start3A_13 : memref<?xf32, #tpu.memory_space<hbm>>) target(%dma_start3A_12 : memref<?xf32, #tpu.memory_space<vmem>>) target_semaphore(%arg23 : memref<!tpu.dma_semaphore, #tpu.memory_space<semaphore_mem>>)
    %dma_start3A_14 = arith.constant 0 : i32
    %dma_start3A_15 = tpu.memref_slice %arg6[%dma_start3A_14] <%multiple_of3A> : memref<100000xf32, #tpu.memory_space<vmem>> -> memref<?xf32, #tpu.memory_space<vmem>>
    %dma_start3A_16 = arith.constant 0 : i32
    %dma_start3A_17 = tpu.memref_slice %arg2[%dma_start3A_16] <%multiple_of3A> : memref<100000xf32, #tpu.memory_space<hbm>> -> memref<?xf32, #tpu.memory_space<hbm>>
    %dma_start3A_18 = arith.constant 0 : i32
    %dma_start3A_19 = tpu.memref_slice %arg6[%dma_start3A_18] <%multiple_of3A> : memref<100000xf32, #tpu.memory_space<vmem>> -> memref<?xf32, #tpu.memory_space<vmem>>
    %dma_start3A_20 = arith.constant 0 : i32
    %dma_start3A_21 = tpu.memref_slice %arg2[%dma_start3A_20] <%multiple_of3A> : memref<100000xf32, #tpu.memory_space<hbm>> -> memref<?xf32, #tpu.memory_space<hbm>>
    tpu.enqueue_dma source(%dma_start3A_21 : memref<?xf32, #tpu.memory_space<hbm>>) target(%dma_start3A_19 : memref<?xf32, #tpu.memory_space<vmem>>) target_semaphore(%arg23 : memref<!tpu.dma_semaphore, #tpu.memory_space<semaphore_mem>>)
    %add3A_22 = arith.constant 0 : i32
    %add3A_23 = arith.addi %mul3A_2, %add3A_22 : i32
    %dma_start3A_24 = tpu.memref_slice %arg4[%add3A_23] : memref<6400000xi32, #tpu.memory_space<hbm>> -> memref<2000xi32, #tpu.memory_space<hbm>>
    %dma_start3A_25 = tpu.memref_slice %arg4[%add3A_23] : memref<6400000xi32, #tpu.memory_space<hbm>> -> memref<2000xi32, #tpu.memory_space<hbm>>
    tpu.enqueue_dma source(%dma_start3A_25 : memref<2000xi32, #tpu.memory_space<hbm>>) target(%arg7 : memref<2000xi32, #tpu.memory_space<vmem>>) target_semaphore(%arg18 : memref<!tpu.dma_semaphore, #tpu.memory_space<semaphore_mem>>)
    %dma_start3A_26 = tpu.memref_slice %arg3[%add3A_23] : memref<6400000xf32, #tpu.memory_space<hbm>> -> memref<2000xf32, #tpu.memory_space<hbm>>
    %dma_start3A_27 = tpu.memref_slice %arg3[%add3A_23] : memref<6400000xf32, #tpu.memory_space<hbm>> -> memref<2000xf32, #tpu.memory_space<hbm>>
    tpu.enqueue_dma source(%dma_start3A_27 : memref<2000xf32, #tpu.memory_space<hbm>>) target(%arg12 : memref<2000xf32, #tpu.memory_space<vmem>>) target_semaphore(%arg18 : memref<!tpu.dma_semaphore, #tpu.memory_space<semaphore_mem>>)
    %add3A_28 = arith.constant 2000 : i32
    %add3A_29 = arith.addi %mul3A_2, %add3A_28 : i32
    %dma_start3A_30 = tpu.memref_slice %arg4[%add3A_29] : memref<6400000xi32, #tpu.memory_space<hbm>> -> memref<2000xi32, #tpu.memory_space<hbm>>
    %dma_start3A_31 = tpu.memref_slice %arg4[%add3A_29] : memref<6400000xi32, #tpu.memory_space<hbm>> -> memref<2000xi32, #tpu.memory_space<hbm>>
    tpu.enqueue_dma source(%dma_start3A_31 : memref<2000xi32, #tpu.memory_space<hbm>>) target(%arg8 : memref<2000xi32, #tpu.memory_space<vmem>>) target_semaphore(%arg19 : memref<!tpu.dma_semaphore, #tpu.memory_space<semaphore_mem>>)
    %dma_start3A_32 = tpu.memref_slice %arg3[%add3A_29] : memref<6400000xf32, #tpu.memory_space<hbm>> -> memref<2000xf32, #tpu.memory_space<hbm>>
    %dma_start3A_33 = tpu.memref_slice %arg3[%add3A_29] : memref<6400000xf32, #tpu.memory_space<hbm>> -> memref<2000xf32, #tpu.memory_space<hbm>>
    tpu.enqueue_dma source(%dma_start3A_33 : memref<2000xf32, #tpu.memory_space<hbm>>) target(%arg13 : memref<2000xf32, #tpu.memory_space<vmem>>) target_semaphore(%arg19 : memref<!tpu.dma_semaphore, #tpu.memory_space<semaphore_mem>>)
    %add3A_34 = arith.constant 4000 : i32
    %add3A_35 = arith.addi %mul3A_2, %add3A_34 : i32
    %dma_start3A_36 = tpu.memref_slice %arg4[%add3A_35] : memref<6400000xi32, #tpu.memory_space<hbm>> -> memref<2000xi32, #tpu.memory_space<hbm>>
    %dma_start3A_37 = tpu.memref_slice %arg4[%add3A_35] : memref<6400000xi32, #tpu.memory_space<hbm>> -> memref<2000xi32, #tpu.memory_space<hbm>>
    tpu.enqueue_dma source(%dma_start3A_37 : memref<2000xi32, #tpu.memory_space<hbm>>) target(%arg9 : memref<2000xi32, #tpu.memory_space<vmem>>) target_semaphore(%arg20 : memref<!tpu.dma_semaphore, #tpu.memory_space<semaphore_mem>>)
    %dma_start3A_38 = tpu.memref_slice %arg3[%add3A_35] : memref<6400000xf32, #tpu.memory_space<hbm>> -> memref<2000xf32, #tpu.memory_space<hbm>>
    %dma_start3A_39 = tpu.memref_slice %arg3[%add3A_35] : memref<6400000xf32, #tpu.memory_space<hbm>> -> memref<2000xf32, #tpu.memory_space<hbm>>
    tpu.enqueue_dma source(%dma_start3A_39 : memref<2000xf32, #tpu.memory_space<hbm>>) target(%arg14 : memref<2000xf32, #tpu.memory_space<vmem>>) target_semaphore(%arg20 : memref<!tpu.dma_semaphore, #tpu.memory_space<semaphore_mem>>)
    %add3A_40 = arith.constant 6000 : i32
    %add3A_41 = arith.addi %mul3A_2, %add3A_40 : i32
    %dma_start3A_42 = tpu.memref_slice %arg4[%add3A_41] : memref<6400000xi32, #tpu.memory_space<hbm>> -> memref<2000xi32, #tpu.memory_space<hbm>>
    %dma_start3A_43 = tpu.memref_slice %arg4[%add3A_41] : memref<6400000xi32, #tpu.memory_space<hbm>> -> memref<2000xi32, #tpu.memory_space<hbm>>
    tpu.enqueue_dma source(%dma_start3A_43 : memref<2000xi32, #tpu.memory_space<hbm>>) target(%arg10 : memref<2000xi32, #tpu.memory_space<vmem>>) target_semaphore(%arg21 : memref<!tpu.dma_semaphore, #tpu.memory_space<semaphore_mem>>)
    %dma_start3A_44 = tpu.memref_slice %arg3[%add3A_41] : memref<6400000xf32, #tpu.memory_space<hbm>> -> memref<2000xf32, #tpu.memory_space<hbm>>
    %dma_start3A_45 = tpu.memref_slice %arg3[%add3A_41] : memref<6400000xf32, #tpu.memory_space<hbm>> -> memref<2000xf32, #tpu.memory_space<hbm>>
    tpu.enqueue_dma source(%dma_start3A_45 : memref<2000xf32, #tpu.memory_space<hbm>>) target(%arg15 : memref<2000xf32, #tpu.memory_space<vmem>>) target_semaphore(%arg21 : memref<!tpu.dma_semaphore, #tpu.memory_space<semaphore_mem>>)
    %add3A_46 = arith.constant 8000 : i32
    %add3A_47 = arith.addi %mul3A_2, %add3A_46 : i32
    %dma_start3A_48 = tpu.memref_slice %arg4[%add3A_47] : memref<6400000xi32, #tpu.memory_space<hbm>> -> memref<2000xi32, #tpu.memory_space<hbm>>
    %dma_start3A_49 = tpu.memref_slice %arg4[%add3A_47] : memref<6400000xi32, #tpu.memory_space<hbm>> -> memref<2000xi32, #tpu.memory_space<hbm>>
    tpu.enqueue_dma source(%dma_start3A_49 : memref<2000xi32, #tpu.memory_space<hbm>>) target(%arg11 : memref<2000xi32, #tpu.memory_space<vmem>>) target_semaphore(%arg22 : memref<!tpu.dma_semaphore, #tpu.memory_space<semaphore_mem>>)
    %dma_start3A_50 = tpu.memref_slice %arg3[%add3A_47] : memref<6400000xf32, #tpu.memory_space<hbm>> -> memref<2000xf32, #tpu.memory_space<hbm>>
    %dma_start3A_51 = tpu.memref_slice %arg3[%add3A_47] : memref<6400000xf32, #tpu.memory_space<hbm>> -> memref<2000xf32, #tpu.memory_space<hbm>>
    tpu.enqueue_dma source(%dma_start3A_51 : memref<2000xf32, #tpu.memory_space<hbm>>) target(%arg16 : memref<2000xf32, #tpu.memory_space<vmem>>) target_semaphore(%arg22 : memref<!tpu.dma_semaphore, #tpu.memory_space<semaphore_mem>>)
    %sub3A_52 = arith.constant 100000 : i32
    %sub3A_53 = arith.subi %sub3A_52, %multiple_of3A : i32
    %sub3A_54 = arith.constant 100000 : i32
    %sub3A_55 = arith.subi %sub3A_54, %multiple_of3A : i32
    %dma_wait3A = arith.constant 0 : i32
    %dma_wait3A_56 = tpu.memref_slice %arg6[%dma_wait3A] <%sub3A_55> : memref<100000xf32, #tpu.memory_space<vmem>> -> memref<?xf32, #tpu.memory_space<vmem>>
    %dma_wait3A_57 = arith.constant 0 : i32
    %dma_wait3A_58 = tpu.memref_slice %arg2[%dma_wait3A_57] <%sub3A_53> : memref<100000xf32, #tpu.memory_space<hbm>> -> memref<?xf32, #tpu.memory_space<hbm>>
    %dma_wait3A_59 = arith.constant 0 : i32
    %dma_wait3A_60 = tpu.memref_slice %arg6[%dma_wait3A_59] <%sub3A_55> : memref<100000xf32, #tpu.memory_space<vmem>> -> memref<?xf32, #tpu.memory_space<vmem>>
    %dma_wait3A_61 = arith.constant 0 : i32
    %dma_wait3A_62 = tpu.memref_slice %arg2[%dma_wait3A_61] <%sub3A_53> : memref<100000xf32, #tpu.memory_space<hbm>> -> memref<?xf32, #tpu.memory_space<hbm>>
    tpu.wait_dma2 semaphore(%arg23 : memref<!tpu.dma_semaphore, #tpu.memory_space<semaphore_mem>>) src(%dma_wait3A_62 : memref<?xf32, #tpu.memory_space<hbm>>) dst(%dma_wait3A_60 : memref<?xf32, #tpu.memory_space<vmem>>)
    %dma_wait3A_63 = arith.constant 0 : i32
    %dma_wait3A_64 = tpu.memref_slice %arg6[%dma_wait3A_63] <%multiple_of3A> : memref<100000xf32, #tpu.memory_space<vmem>> -> memref<?xf32, #tpu.memory_space<vmem>>
    %dma_wait3A_65 = arith.constant 0 : i32
    %dma_wait3A_66 = tpu.memref_slice %arg2[%dma_wait3A_65] <%multiple_of3A> : memref<100000xf32, #tpu.memory_space<hbm>> -> memref<?xf32, #tpu.memory_space<hbm>>
    %dma_wait3A_67 = arith.constant 0 : i32
    %dma_wait3A_68 = tpu.memref_slice %arg6[%dma_wait3A_67] <%multiple_of3A> : memref<100000xf32, #tpu.memory_space<vmem>> -> memref<?xf32, #tpu.memory_space<vmem>>
    %dma_wait3A_69 = arith.constant 0 : i32
    %dma_wait3A_70 = tpu.memref_slice %arg2[%dma_wait3A_69] <%multiple_of3A> : memref<100000xf32, #tpu.memory_space<hbm>> -> memref<?xf32, #tpu.memory_space<hbm>>
    tpu.wait_dma2 semaphore(%arg23 : memref<!tpu.dma_semaphore, #tpu.memory_space<semaphore_mem>>) src(%dma_wait3A_70 : memref<?xf32, #tpu.memory_space<hbm>>) dst(%dma_wait3A_68 : memref<?xf32, #tpu.memory_space<vmem>>)
    %broadcast_in_dim3A = arith.constant 0.000000e+00 : f32
    %broadcast_in_dim3A_71 = vector.broadcast %broadcast_in_dim3A : f32 to vector<16xf32>
    %while3A = arith.constant 0 : i32
    %while3A_72 = arith.constant 19 : i32
    %while3A_73 = arith.subi %while3A_72, %while3A : i32
    %while3A_74 = arith.addi %while3A, %while3A_73 : i32
    %while3A_75 = arith.constant 1 : i32
    %while3A_76 = arith.divsi %while3A_73, %while3A_75 : i32
    %while3A_77 = arith.muli %while3A_76, %while3A_75 : i32
    %while3A_78 = arith.addi %while3A, %while3A_77 : i32
    %while3A_79 = arith.constant 1 : i32
    %while3A_80 = scf.for %while3A_184 = %while3A to %while3A_78 step %while3A_79 iter_args(%while3A_185 = %broadcast_in_dim3A_71) -> (vector<16xf32>)  : i32 {
      %mul3A_186 = arith.constant 5 : i32
      %mul3A_187 = arith.muli %mul3A_186, %while3A_184 : i32
      %dma_wait3A_188 = arith.constant 0 : i32
      %dma_wait3A_189 = tpu.memref_slice %arg4[%dma_wait3A_188] : memref<6400000xi32, #tpu.memory_space<hbm>> -> memref<2000xi32, #tpu.memory_space<hbm>>
      %dma_wait3A_190 = arith.constant 0 : i32
      %dma_wait3A_191 = tpu.memref_slice %arg4[%dma_wait3A_190] : memref<6400000xi32, #tpu.memory_space<hbm>> -> memref<2000xi32, #tpu.memory_space<hbm>>
      tpu.wait_dma2 semaphore(%arg18 : memref<!tpu.dma_semaphore, #tpu.memory_space<semaphore_mem>>) src(%dma_wait3A_191 : memref<2000xi32, #tpu.memory_space<hbm>>) dst(%arg7 : memref<2000xi32, #tpu.memory_space<vmem>>)
      %dma_wait3A_192 = arith.constant 0 : i32
      %dma_wait3A_193 = tpu.memref_slice %arg3[%dma_wait3A_192] : memref<6400000xf32, #tpu.memory_space<hbm>> -> memref<2000xf32, #tpu.memory_space<hbm>>
      %dma_wait3A_194 = arith.constant 0 : i32
      %dma_wait3A_195 = tpu.memref_slice %arg3[%dma_wait3A_194] : memref<6400000xf32, #tpu.memory_space<hbm>> -> memref<2000xf32, #tpu.memory_space<hbm>>
      tpu.wait_dma2 semaphore(%arg18 : memref<!tpu.dma_semaphore, #tpu.memory_space<semaphore_mem>>) src(%dma_wait3A_195 : memref<2000xf32, #tpu.memory_space<hbm>>) dst(%arg12 : memref<2000xf32, #tpu.memory_space<vmem>>)
      %while3A_196 = arith.constant 0 : i32
      %while3A_197 = arith.constant 25 : i32
      %while3A_198 = arith.subi %while3A_197, %while3A_196 : i32
      %while3A_199 = arith.addi %while3A_196, %while3A_198 : i32
      %while3A_200 = arith.constant 1 : i32
      %while3A_201 = arith.divsi %while3A_198, %while3A_200 : i32
      %while3A_202 = arith.muli %while3A_201, %while3A_200 : i32
      %while3A_203 = arith.addi %while3A_196, %while3A_202 : i32
      %while3A_204 = arith.constant 1 : i32
      %while3A_205 = scf.for %while3A_343 = %while3A_196 to %while3A_203 step %while3A_204 iter_args(%while3A_344 = %while3A_185) -> (vector<16xf32>)  : i32 {
        %mul3A_345 = arith.constant 80 : i32
        %mul3A_346 = arith.muli %while3A_343, %mul3A_345 : i32
        %add3A_347 = arith.constant 0 : i32
        %add3A_348 = arith.addi %mul3A_346, %add3A_347 : i32
        %get3A = arith.index_cast %add3A_348 : i32 to index
        %get3A_349 = tpu.vector_load %arg7[%get3A] {strides = array<i32>} : memref<2000xi32, #tpu.memory_space<vmem>>, vector<16xi32>,
        %add3A_350 = arith.constant 0 : i32
        %add3A_351 = arith.addi %mul3A_346, %add3A_350 : i32
        %get3A_352 = arith.index_cast %add3A_351 : i32 to index
        %get3A_353 = tpu.vector_load %arg12[%get3A_352] {strides = array<i32>} : memref<2000xf32, #tpu.memory_space<vmem>>, vector<16xf32>,
        %gather3A = tpu.vector_load_idx %arg6[%get3A_349] : memref<100000xf32, #tpu.memory_space<vmem>>[vector<16xi32>], vector<16xf32>,
        %mul3A_354 = arith.mulf %gather3A, %get3A_353 : vector<16xf32>
        %add3A_355 = arith.addf %while3A_344, %mul3A_354 : vector<16xf32>
        %add3A_356 = arith.constant 16 : i32
        %add3A_357 = arith.addi %mul3A_346, %add3A_356 : i32
        %get3A_358 = arith.index_cast %add3A_357 : i32 to index
        %get3A_359 = tpu.vector_load %arg7[%get3A_358] {strides = array<i32>} : memref<2000xi32, #tpu.memory_space<vmem>>, vector<16xi32>,
        %add3A_360 = arith.constant 16 : i32
        %add3A_361 = arith.addi %mul3A_346, %add3A_360 : i32
        %get3A_362 = arith.index_cast %add3A_361 : i32 to index
        %get3A_363 = tpu.vector_load %arg12[%get3A_362] {strides = array<i32>} : memref<2000xf32, #tpu.memory_space<vmem>>, vector<16xf32>,
        %gather3A_364 = tpu.vector_load_idx %arg6[%get3A_359] : memref<100000xf32, #tpu.memory_space<vmem>>[vector<16xi32>], vector<16xf32>,
        %mul3A_365 = arith.mulf %gather3A_364, %get3A_363 : vector<16xf32>
        %add3A_366 = arith.addf %add3A_355, %mul3A_365 : vector<16xf32>
        %add3A_367 = arith.constant 32 : i32
        %add3A_368 = arith.addi %mul3A_346, %add3A_367 : i32
        %get3A_369 = arith.index_cast %add3A_368 : i32 to index
        %get3A_370 = tpu.vector_load %arg7[%get3A_369] {strides = array<i32>} : memref<2000xi32, #tpu.memory_space<vmem>>, vector<16xi32>,
        %add3A_371 = arith.constant 32 : i32
        %add3A_372 = arith.addi %mul3A_346, %add3A_371 : i32
        %get3A_373 = arith.index_cast %add3A_372 : i32 to index
        %get3A_374 = tpu.vector_load %arg12[%get3A_373] {strides = array<i32>} : memref<2000xf32, #tpu.memory_space<vmem>>, vector<16xf32>,
        %gather3A_375 = tpu.vector_load_idx %arg6[%get3A_370] : memref<100000xf32, #tpu.memory_space<vmem>>[vector<16xi32>], vector<16xf32>,
        %mul3A_376 = arith.mulf %gather3A_375, %get3A_374 : vector<16xf32>
        %add3A_377 = arith.addf %add3A_366, %mul3A_376 : vector<16xf32>
        %add3A_378 = arith.constant 48 : i32
        %add3A_379 = arith.addi %mul3A_346, %add3A_378 : i32
        %get3A_380 = arith.index_cast %add3A_379 : i32 to index
        %get3A_381 = tpu.vector_load %arg7[%get3A_380] {strides = array<i32>} : memref<2000xi32, #tpu.memory_space<vmem>>, vector<16xi32>,
        %add3A_382 = arith.constant 48 : i32
        %add3A_383 = arith.addi %mul3A_346, %add3A_382 : i32
        %get3A_384 = arith.index_cast %add3A_383 : i32 to index
        %get3A_385 = tpu.vector_load %arg12[%get3A_384] {strides = array<i32>} : memref<2000xf32, #tpu.memory_space<vmem>>, vector<16xf32>,
        %gather3A_386 = tpu.vector_load_idx %arg6[%get3A_381] : memref<100000xf32, #tpu.memory_space<vmem>>[vector<16xi32>], vector<16xf32>,
        %mul3A_387 = arith.mulf %gather3A_386, %get3A_385 : vector<16xf32>
        %add3A_388 = arith.addf %add3A_377, %mul3A_387 : vector<16xf32>
        %add3A_389 = arith.constant 64 : i32
        %add3A_390 = arith.addi %mul3A_346, %add3A_389 : i32
        %get3A_391 = arith.index_cast %add3A_390 : i32 to index
        %get3A_392 = tpu.vector_load %arg7[%get3A_391] {strides = array<i32>} : memref<2000xi32, #tpu.memory_space<vmem>>, vector<16xi32>,
        %add3A_393 = arith.constant 64 : i32
        %add3A_394 = arith.addi %mul3A_346, %add3A_393 : i32
        %get3A_395 = arith.index_cast %add3A_394 : i32 to index
        %get3A_396 = tpu.vector_load %arg12[%get3A_395] {strides = array<i32>} : memref<2000xf32, #tpu.memory_space<vmem>>, vector<16xf32>,
        %gather3A_397 = tpu.vector_load_idx %arg6[%get3A_392] : memref<100000xf32, #tpu.memory_space<vmem>>[vector<16xi32>], vector<16xf32>,
        %mul3A_398 = arith.mulf %gather3A_397, %get3A_396 : vector<16xf32>
        %add3A_399 = arith.addf %add3A_388, %mul3A_398 : vector<16xf32>
        scf.yield %add3A_399 : vector<16xf32>
      }
      %while3A_206 = arith.constant 1 : i32
      %while3A_207 = scf.for %while3A_343 = %while3A_203 to %while3A_199 step %while3A_206 iter_args(%while3A_344 = %while3A_205) -> (vector<16xf32>)  : i32 {
        %mul3A_345 = arith.constant 80 : i32
        %mul3A_346 = arith.muli %while3A_343, %mul3A_345 : i32
        %add3A_347 = arith.constant 0 : i32
        %add3A_348 = arith.addi %mul3A_346, %add3A_347 : i32
        %get3A = arith.index_cast %add3A_348 : i32 to index
        %get3A_349 = tpu.vector_load %arg7[%get3A] {strides = array<i32>} : memref<2000xi32, #tpu.memory_space<vmem>>, vector<16xi32>,
        %add3A_350 = arith.constant 0 : i32
        %add3A_351 = arith.addi %mul3A_346, %add3A_350 : i32
        %get3A_352 = arith.index_cast %add3A_351 : i32 to index
        %get3A_353 = tpu.vector_load %arg12[%get3A_352] {strides = array<i32>} : memref<2000xf32, #tpu.memory_space<vmem>>, vector<16xf32>,
        %gather3A = tpu.vector_load_idx %arg6[%get3A_349] : memref<100000xf32, #tpu.memory_space<vmem>>[vector<16xi32>], vector<16xf32>,
        %mul3A_354 = arith.mulf %gather3A, %get3A_353 : vector<16xf32>
        %add3A_355 = arith.addf %while3A_344, %mul3A_354 : vector<16xf32>
        %add3A_356 = arith.constant 16 : i32
        %add3A_357 = arith.addi %mul3A_346, %add3A_356 : i32
        %get3A_358 = arith.index_cast %add3A_357 : i32 to index
        %get3A_359 = tpu.vector_load %arg7[%get3A_358] {strides = array<i32>} : memref<2000xi32, #tpu.memory_space<vmem>>, vector<16xi32>,
        %add3A_360 = arith.constant 16 : i32
        %add3A_361 = arith.addi %mul3A_346, %add3A_360 : i32
        %get3A_362 = arith.index_cast %add3A_361 : i32 to index
        %get3A_363 = tpu.vector_load %arg12[%get3A_362] {strides = array<i32>} : memref<2000xf32, #tpu.memory_space<vmem>>, vector<16xf32>,
        %gather3A_364 = tpu.vector_load_idx %arg6[%get3A_359] : memref<100000xf32, #tpu.memory_space<vmem>>[vector<16xi32>], vector<16xf32>,
        %mul3A_365 = arith.mulf %gather3A_364, %get3A_363 : vector<16xf32>
        %add3A_366 = arith.addf %add3A_355, %mul3A_365 : vector<16xf32>
        %add3A_367 = arith.constant 32 : i32
        %add3A_368 = arith.addi %mul3A_346, %add3A_367 : i32
        %get3A_369 = arith.index_cast %add3A_368 : i32 to index
        %get3A_370 = tpu.vector_load %arg7[%get3A_369] {strides = array<i32>} : memref<2000xi32, #tpu.memory_space<vmem>>, vector<16xi32>,
        %add3A_371 = arith.constant 32 : i32
        %add3A_372 = arith.addi %mul3A_346, %add3A_371 : i32
        %get3A_373 = arith.index_cast %add3A_372 : i32 to index
        %get3A_374 = tpu.vector_load %arg12[%get3A_373] {strides = array<i32>} : memref<2000xf32, #tpu.memory_space<vmem>>, vector<16xf32>,
        %gather3A_375 = tpu.vector_load_idx %arg6[%get3A_370] : memref<100000xf32, #tpu.memory_space<vmem>>[vector<16xi32>], vector<16xf32>,
        %mul3A_376 = arith.mulf %gather3A_375, %get3A_374 : vector<16xf32>
        %add3A_377 = arith.addf %add3A_366, %mul3A_376 : vector<16xf32>
        %add3A_378 = arith.constant 48 : i32
        %add3A_379 = arith.addi %mul3A_346, %add3A_378 : i32
        %get3A_380 = arith.index_cast %add3A_379 : i32 to index
        %get3A_381 = tpu.vector_load %arg7[%get3A_380] {strides = array<i32>} : memref<2000xi32, #tpu.memory_space<vmem>>, vector<16xi32>,
        %add3A_382 = arith.constant 48 : i32
        %add3A_383 = arith.addi %mul3A_346, %add3A_382 : i32
        %get3A_384 = arith.index_cast %add3A_383 : i32 to index
        %get3A_385 = tpu.vector_load %arg12[%get3A_384] {strides = array<i32>} : memref<2000xf32, #tpu.memory_space<vmem>>, vector<16xf32>,
        %gather3A_386 = tpu.vector_load_idx %arg6[%get3A_381] : memref<100000xf32, #tpu.memory_space<vmem>>[vector<16xi32>], vector<16xf32>,
        %mul3A_387 = arith.mulf %gather3A_386, %get3A_385 : vector<16xf32>
        %add3A_388 = arith.addf %add3A_377, %mul3A_387 : vector<16xf32>
        %add3A_389 = arith.constant 64 : i32
        %add3A_390 = arith.addi %mul3A_346, %add3A_389 : i32
        %get3A_391 = arith.index_cast %add3A_390 : i32 to index
        %get3A_392 = tpu.vector_load %arg7[%get3A_391] {strides = array<i32>} : memref<2000xi32, #tpu.memory_space<vmem>>, vector<16xi32>,
        %add3A_393 = arith.constant 64 : i32
        %add3A_394 = arith.addi %mul3A_346, %add3A_393 : i32
        %get3A_395 = arith.index_cast %add3A_394 : i32 to index
        %get3A_396 = tpu.vector_load %arg12[%get3A_395] {strides = array<i32>} : memref<2000xf32, #tpu.memory_space<vmem>>, vector<16xf32>,
        %gather3A_397 = tpu.vector_load_idx %arg6[%get3A_392] : memref<100000xf32, #tpu.memory_space<vmem>>[vector<16xi32>], vector<16xf32>,
        %mul3A_398 = arith.mulf %gather3A_397, %get3A_396 : vector<16xf32>
        %add3A_399 = arith.addf %add3A_388, %mul3A_398 : vector<16xf32>
        scf.yield %add3A_399 : vector<16xf32>
      }
      %add3A_208 = arith.constant 5 : i32
      %add3A_209 = arith.addi %mul3A_187, %add3A_208 : i32
      %add3A_210 = arith.constant 0 : i32
      %add3A_211 = arith.addi %add3A_209, %add3A_210 : i32
      %mul3A_212 = arith.constant 2000 : i32
      %mul3A_213 = arith.muli %add3A_211, %mul3A_212 : i32
      %add3A_214 = arith.addi %mul3A_2, %mul3A_213 : i32
      %dma_start3A_215 = tpu.memref_slice %arg4[%add3A_214] : memref<6400000xi32, #tpu.memory_space<hbm>> -> memref<2000xi32, #tpu.memory_space<hbm>>
      %dma_start3A_216 = tpu.memref_slice %arg4[%add3A_214] : memref<6400000xi32, #tpu.memory_space<hbm>> -> memref<2000xi32, #tpu.memory_space<hbm>>
      tpu.enqueue_dma source(%dma_start3A_216 : memref<2000xi32, #tpu.memory_space<hbm>>) target(%arg7 : memref<2000xi32, #tpu.memory_space<vmem>>) target_semaphore(%arg18 : memref<!tpu.dma_semaphore, #tpu.memory_space<semaphore_mem>>)
      %dma_start3A_217 = tpu.memref_slice %arg3[%add3A_214] : memref<6400000xf32, #tpu.memory_space<hbm>> -> memref<2000xf32, #tpu.memory_space<hbm>>
      %dma_start3A_218 = tpu.memref_slice %arg3[%add3A_214] : memref<6400000xf32, #tpu.memory_space<hbm>> -> memref<2000xf32, #tpu.memory_space<hbm>>
      tpu.enqueue_dma source(%dma_start3A_218 : memref<2000xf32, #tpu.memory_space<hbm>>) target(%arg12 : memref<2000xf32, #tpu.memory_space<vmem>>) target_semaphore(%arg18 : memref<!tpu.dma_semaphore, #tpu.memory_space<semaphore_mem>>)
      %dma_wait3A_219 = arith.constant 0 : i32
      %dma_wait3A_220 = tpu.memref_slice %arg4[%dma_wait3A_219] : memref<6400000xi32, #tpu.memory_space<hbm>> -> memref<2000xi32, #tpu.memory_space<hbm>>
      %dma_wait3A_221 = arith.constant 0 : i32
      %dma_wait3A_222 = tpu.memref_slice %arg4[%dma_wait3A_221] : memref<6400000xi32, #tpu.memory_space<hbm>> -> memref<2000xi32, #tpu.memory_space<hbm>>
      tpu.wait_dma2 semaphore(%arg19 : memref<!tpu.dma_semaphore, #tpu.memory_space<semaphore_mem>>) src(%dma_wait3A_222 : memref<2000xi32, #tpu.memory_space<hbm>>) dst(%arg8 : memref<2000xi32, #tpu.memory_space<vmem>>)
      %dma_wait3A_223 = arith.constant 0 : i32
      %dma_wait3A_224 = tpu.memref_slice %arg3[%dma_wait3A_223] : memref<6400000xf32, #tpu.memory_space<hbm>> -> memref<2000xf32, #tpu.memory_space<hbm>>
      %dma_wait3A_225 = arith.constant 0 : i32
      %dma_wait3A_226 = tpu.memref_slice %arg3[%dma_wait3A_225] : memref<6400000xf32, #tpu.memory_space<hbm>> -> memref<2000xf32, #tpu.memory_space<hbm>>
      tpu.wait_dma2 semaphore(%arg19 : memref<!tpu.dma_semaphore, #tpu.memory_space<semaphore_mem>>) src(%dma_wait3A_226 : memref<2000xf32, #tpu.memory_space<hbm>>) dst(%arg13 : memref<2000xf32, #tpu.memory_space<vmem>>)
      %while3A_227 = arith.constant 0 : i32
      %while3A_228 = arith.constant 25 : i32
      %while3A_229 = arith.subi %while3A_228, %while3A_227 : i32
      %while3A_230 = arith.addi %while3A_227, %while3A_229 : i32
      %while3A_231 = arith.constant 1 : i32
      %while3A_232 = arith.divsi %while3A_229, %while3A_231 : i32
      %while3A_233 = arith.muli %while3A_232, %while3A_231 : i32
      %while3A_234 = arith.addi %while3A_227, %while3A_233 : i32
      %while3A_235 = arith.constant 1 : i32
      %while3A_236 = scf.for %while3A_343 = %while3A_227 to %while3A_234 step %while3A_235 iter_args(%while3A_344 = %while3A_207) -> (vector<16xf32>)  : i32 {
        %mul3A_345 = arith.constant 80 : i32
        %mul3A_346 = arith.muli %while3A_343, %mul3A_345 : i32
        %add3A_347 = arith.constant 0 : i32
        %add3A_348 = arith.addi %mul3A_346, %add3A_347 : i32
        %get3A = arith.index_cast %add3A_348 : i32 to index
        %get3A_349 = tpu.vector_load %arg8[%get3A] {strides = array<i32>} : memref<2000xi32, #tpu.memory_space<vmem>>, vector<16xi32>,
        %add3A_350 = arith.constant 0 : i32
        %add3A_351 = arith.addi %mul3A_346, %add3A_350 : i32
        %get3A_352 = arith.index_cast %add3A_351 : i32 to index
        %get3A_353 = tpu.vector_load %arg13[%get3A_352] {strides = array<i32>} : memref<2000xf32, #tpu.memory_space<vmem>>, vector<16xf32>,
        %gather3A = tpu.vector_load_idx %arg6[%get3A_349] : memref<100000xf32, #tpu.memory_space<vmem>>[vector<16xi32>], vector<16xf32>,
        %mul3A_354 = arith.mulf %gather3A, %get3A_353 : vector<16xf32>
        %add3A_355 = arith.addf %while3A_344, %mul3A_354 : vector<16xf32>
        %add3A_356 = arith.constant 16 : i32
        %add3A_357 = arith.addi %mul3A_346, %add3A_356 : i32
        %get3A_358 = arith.index_cast %add3A_357 : i32 to index
        %get3A_359 = tpu.vector_load %arg8[%get3A_358] {strides = array<i32>} : memref<2000xi32, #tpu.memory_space<vmem>>, vector<16xi32>,
        %add3A_360 = arith.constant 16 : i32
        %add3A_361 = arith.addi %mul3A_346, %add3A_360 : i32
        %get3A_362 = arith.index_cast %add3A_361 : i32 to index
        %get3A_363 = tpu.vector_load %arg13[%get3A_362] {strides = array<i32>} : memref<2000xf32, #tpu.memory_space<vmem>>, vector<16xf32>,
        %gather3A_364 = tpu.vector_load_idx %arg6[%get3A_359] : memref<100000xf32, #tpu.memory_space<vmem>>[vector<16xi32>], vector<16xf32>,
        %mul3A_365 = arith.mulf %gather3A_364, %get3A_363 : vector<16xf32>
        %add3A_366 = arith.addf %add3A_355, %mul3A_365 : vector<16xf32>
        %add3A_367 = arith.constant 32 : i32
        %add3A_368 = arith.addi %mul3A_346, %add3A_367 : i32
        %get3A_369 = arith.index_cast %add3A_368 : i32 to index
        %get3A_370 = tpu.vector_load %arg8[%get3A_369] {strides = array<i32>} : memref<2000xi32, #tpu.memory_space<vmem>>, vector<16xi32>,
        %add3A_371 = arith.constant 32 : i32
        %add3A_372 = arith.addi %mul3A_346, %add3A_371 : i32
        %get3A_373 = arith.index_cast %add3A_372 : i32 to index
        %get3A_374 = tpu.vector_load %arg13[%get3A_373] {strides = array<i32>} : memref<2000xf32, #tpu.memory_space<vmem>>, vector<16xf32>,
        %gather3A_375 = tpu.vector_load_idx %arg6[%get3A_370] : memref<100000xf32, #tpu.memory_space<vmem>>[vector<16xi32>], vector<16xf32>,
        %mul3A_376 = arith.mulf %gather3A_375, %get3A_374 : vector<16xf32>
        %add3A_377 = arith.addf %add3A_366, %mul3A_376 : vector<16xf32>
        %add3A_378 = arith.constant 48 : i32
        %add3A_379 = arith.addi %mul3A_346, %add3A_378 : i32
        %get3A_380 = arith.index_cast %add3A_379 : i32 to index
        %get3A_381 = tpu.vector_load %arg8[%get3A_380] {strides = array<i32>} : memref<2000xi32, #tpu.memory_space<vmem>>, vector<16xi32>,
        %add3A_382 = arith.constant 48 : i32
        %add3A_383 = arith.addi %mul3A_346, %add3A_382 : i32
        %get3A_384 = arith.index_cast %add3A_383 : i32 to index
        %get3A_385 = tpu.vector_load %arg13[%get3A_384] {strides = array<i32>} : memref<2000xf32, #tpu.memory_space<vmem>>, vector<16xf32>,
        %gather3A_386 = tpu.vector_load_idx %arg6[%get3A_381] : memref<100000xf32, #tpu.memory_space<vmem>>[vector<16xi32>], vector<16xf32>,
        %mul3A_387 = arith.mulf %gather3A_386, %get3A_385 : vector<16xf32>
        %add3A_388 = arith.addf %add3A_377, %mul3A_387 : vector<16xf32>
        %add3A_389 = arith.constant 64 : i32
        %add3A_390 = arith.addi %mul3A_346, %add3A_389 : i32
        %get3A_391 = arith.index_cast %add3A_390 : i32 to index
        %get3A_392 = tpu.vector_load %arg8[%get3A_391] {strides = array<i32>} : memref<2000xi32, #tpu.memory_space<vmem>>, vector<16xi32>,
        %add3A_393 = arith.constant 64 : i32
        %add3A_394 = arith.addi %mul3A_346, %add3A_393 : i32
        %get3A_395 = arith.index_cast %add3A_394 : i32 to index
        %get3A_396 = tpu.vector_load %arg13[%get3A_395] {strides = array<i32>} : memref<2000xf32, #tpu.memory_space<vmem>>, vector<16xf32>,
        %gather3A_397 = tpu.vector_load_idx %arg6[%get3A_392] : memref<100000xf32, #tpu.memory_space<vmem>>[vector<16xi32>], vector<16xf32>,
        %mul3A_398 = arith.mulf %gather3A_397, %get3A_396 : vector<16xf32>
        %add3A_399 = arith.addf %add3A_388, %mul3A_398 : vector<16xf32>
        scf.yield %add3A_399 : vector<16xf32>
      }
      %while3A_237 = arith.constant 1 : i32
      %while3A_238 = scf.for %while3A_343 = %while3A_234 to %while3A_230 step %while3A_237 iter_args(%while3A_344 = %while3A_236) -> (vector<16xf32>)  : i32 {
        %mul3A_345 = arith.constant 80 : i32
        %mul3A_346 = arith.muli %while3A_343, %mul3A_345 : i32
        %add3A_347 = arith.constant 0 : i32
        %add3A_348 = arith.addi %mul3A_346, %add3A_347 : i32
        %get3A = arith.index_cast %add3A_348 : i32 to index
        %get3A_349 = tpu.vector_load %arg8[%get3A] {strides = array<i32>} : memref<2000xi32, #tpu.memory_space<vmem>>, vector<16xi32>,
        %add3A_350 = arith.constant 0 : i32
        %add3A_351 = arith.addi %mul3A_346, %add3A_350 : i32
        %get3A_352 = arith.index_cast %add3A_351 : i32 to index
        %get3A_353 = tpu.vector_load %arg13[%get3A_352] {strides = array<i32>} : memref<2000xf32, #tpu.memory_space<vmem>>, vector<16xf32>,
        %gather3A = tpu.vector_load_idx %arg6[%get3A_349] : memref<100000xf32, #tpu.memory_space<vmem>>[vector<16xi32>], vector<16xf32>,
        %mul3A_354 = arith.mulf %gather3A, %get3A_353 : vector<16xf32>
        %add3A_355 = arith.addf %while3A_344, %mul3A_354 : vector<16xf32>
        %add3A_356 = arith.constant 16 : i32
        %add3A_357 = arith.addi %mul3A_346, %add3A_356 : i32
        %get3A_358 = arith.index_cast %add3A_357 : i32 to index
        %get3A_359 = tpu.vector_load %arg8[%get3A_358] {strides = array<i32>} : memref<2000xi32, #tpu.memory_space<vmem>>, vector<16xi32>,
        %add3A_360 = arith.constant 16 : i32
        %add3A_361 = arith.addi %mul3A_346, %add3A_360 : i32
        %get3A_362 = arith.index_cast %add3A_361 : i32 to index
        %get3A_363 = tpu.vector_load %arg13[%get3A_362] {strides = array<i32>} : memref<2000xf32, #tpu.memory_space<vmem>>, vector<16xf32>,
        %gather3A_364 = tpu.vector_load_idx %arg6[%get3A_359] : memref<100000xf32, #tpu.memory_space<vmem>>[vector<16xi32>], vector<16xf32>,
        %mul3A_365 = arith.mulf %gather3A_364, %get3A_363 : vector<16xf32>
        %add3A_366 = arith.addf %add3A_355, %mul3A_365 : vector<16xf32>
        %add3A_367 = arith.constant 32 : i32
        %add3A_368 = arith.addi %mul3A_346, %add3A_367 : i32
        %get3A_369 = arith.index_cast %add3A_368 : i32 to index
        %get3A_370 = tpu.vector_load %arg8[%get3A_369] {strides = array<i32>} : memref<2000xi32, #tpu.memory_space<vmem>>, vector<16xi32>,
        %add3A_371 = arith.constant 32 : i32
        %add3A_372 = arith.addi %mul3A_346, %add3A_371 : i32
        %get3A_373 = arith.index_cast %add3A_372 : i32 to index
        %get3A_374 = tpu.vector_load %arg13[%get3A_373] {strides = array<i32>} : memref<2000xf32, #tpu.memory_space<vmem>>, vector<16xf32>,
        %gather3A_375 = tpu.vector_load_idx %arg6[%get3A_370] : memref<100000xf32, #tpu.memory_space<vmem>>[vector<16xi32>], vector<16xf32>,
        %mul3A_376 = arith.mulf %gather3A_375, %get3A_374 : vector<16xf32>
        %add3A_377 = arith.addf %add3A_366, %mul3A_376 : vector<16xf32>
        %add3A_378 = arith.constant 48 : i32
        %add3A_379 = arith.addi %mul3A_346, %add3A_378 : i32
        %get3A_380 = arith.index_cast %add3A_379 : i32 to index
        %get3A_381 = tpu.vector_load %arg8[%get3A_380] {strides = array<i32>} : memref<2000xi32, #tpu.memory_space<vmem>>, vector<16xi32>,
        %add3A_382 = arith.constant 48 : i32
        %add3A_383 = arith.addi %mul3A_346, %add3A_382 : i32
        %get3A_384 = arith.index_cast %add3A_383 : i32 to index
        %get3A_385 = tpu.vector_load %arg13[%get3A_384] {strides = array<i32>} : memref<2000xf32, #tpu.memory_space<vmem>>, vector<16xf32>,
        %gather3A_386 = tpu.vector_load_idx %arg6[%get3A_381] : memref<100000xf32, #tpu.memory_space<vmem>>[vector<16xi32>], vector<16xf32>,
        %mul3A_387 = arith.mulf %gather3A_386, %get3A_385 : vector<16xf32>
        %add3A_388 = arith.addf %add3A_377, %mul3A_387 : vector<16xf32>
        %add3A_389 = arith.constant 64 : i32
        %add3A_390 = arith.addi %mul3A_346, %add3A_389 : i32
        %get3A_391 = arith.index_cast %add3A_390 : i32 to index
        %get3A_392 = tpu.vector_load %arg8[%get3A_391] {strides = array<i32>} : memref<2000xi32, #tpu.memory_space<vmem>>, vector<16xi32>,
        %add3A_393 = arith.constant 64 : i32
        %add3A_394 = arith.addi %mul3A_346, %add3A_393 : i32
        %get3A_395 = arith.index_cast %add3A_394 : i32 to index
        %get3A_396 = tpu.vector_load %arg13[%get3A_395] {strides = array<i32>} : memref<2000xf32, #tpu.memory_space<vmem>>, vector<16xf32>,
        %gather3A_397 = tpu.vector_load_idx %arg6[%get3A_392] : memref<100000xf32, #tpu.memory_space<vmem>>[vector<16xi32>], vector<16xf32>,
        %mul3A_398 = arith.mulf %gather3A_397, %get3A_396 : vector<16xf32>
        %add3A_399 = arith.addf %add3A_388, %mul3A_398 : vector<16xf32>
        scf.yield %add3A_399 : vector<16xf32>
      }
      %add3A_239 = arith.constant 5 : i32
      %add3A_240 = arith.addi %mul3A_187, %add3A_239 : i32
      %add3A_241 = arith.constant 1 : i32
      %add3A_242 = arith.addi %add3A_240, %add3A_241 : i32
      %mul3A_243 = arith.constant 2000 : i32
      %mul3A_244 = arith.muli %add3A_242, %mul3A_243 : i32
      %add3A_245 = arith.addi %mul3A_2, %mul3A_244 : i32
      %dma_start3A_246 = tpu.memref_slice %arg4[%add3A_245] : memref<6400000xi32, #tpu.memory_space<hbm>> -> memref<2000xi32, #tpu.memory_space<hbm>>
      %dma_start3A_247 = tpu.memref_slice %arg4[%add3A_245] : memref<6400000xi32, #tpu.memory_space<hbm>> -> memref<2000xi32, #tpu.memory_space<hbm>>
      tpu.enqueue_dma source(%dma_start3A_247 : memref<2000xi32, #tpu.memory_space<hbm>>) target(%arg8 : memref<2000xi32, #tpu.memory_space<vmem>>) target_semaphore(%arg19 : memref<!tpu.dma_semaphore, #tpu.memory_space<semaphore_mem>>)
      %dma_start3A_248 = tpu.memref_slice %arg3[%add3A_245] : memref<6400000xf32, #tpu.memory_space<hbm>> -> memref<2000xf32, #tpu.memory_space<hbm>>
      %dma_start3A_249 = tpu.memref_slice %arg3[%add3A_245] : memref<6400000xf32, #tpu.memory_space<hbm>> -> memref<2000xf32, #tpu.memory_space<hbm>>
      tpu.enqueue_dma source(%dma_start3A_249 : memref<2000xf32, #tpu.memory_space<hbm>>) target(%arg13 : memref<2000xf32, #tpu.memory_space<vmem>>) target_semaphore(%arg19 : memref<!tpu.dma_semaphore, #tpu.memory_space<semaphore_mem>>)
      %dma_wait3A_250 = arith.constant 0 : i32
      %dma_wait3A_251 = tpu.memref_slice %arg4[%dma_wait3A_250] : memref<6400000xi32, #tpu.memory_space<hbm>> -> memref<2000xi32, #tpu.memory_space<hbm>>
      %dma_wait3A_252 = arith.constant 0 : i32
      %dma_wait3A_253 = tpu.memref_slice %arg4[%dma_wait3A_252] : memref<6400000xi32, #tpu.memory_space<hbm>> -> memref<2000xi32, #tpu.memory_space<hbm>>
      tpu.wait_dma2 semaphore(%arg20 : memref<!tpu.dma_semaphore, #tpu.memory_space<semaphore_mem>>) src(%dma_wait3A_253 : memref<2000xi32, #tpu.memory_space<hbm>>) dst(%arg9 : memref<2000xi32, #tpu.memory_space<vmem>>)
      %dma_wait3A_254 = arith.constant 0 : i32
      %dma_wait3A_255 = tpu.memref_slice %arg3[%dma_wait3A_254] : memref<6400000xf32, #tpu.memory_space<hbm>> -> memref<2000xf32, #tpu.memory_space<hbm>>
      %dma_wait3A_256 = arith.constant 0 : i32
      %dma_wait3A_257 = tpu.memref_slice %arg3[%dma_wait3A_256] : memref<6400000xf32, #tpu.memory_space<hbm>> -> memref<2000xf32, #tpu.memory_space<hbm>>
      tpu.wait_dma2 semaphore(%arg20 : memref<!tpu.dma_semaphore, #tpu.memory_space<semaphore_mem>>) src(%dma_wait3A_257 : memref<2000xf32, #tpu.memory_space<hbm>>) dst(%arg14 : memref<2000xf32, #tpu.memory_space<vmem>>)
      %while3A_258 = arith.constant 0 : i32
      %while3A_259 = arith.constant 25 : i32
      %while3A_260 = arith.subi %while3A_259, %while3A_258 : i32
      %while3A_261 = arith.addi %while3A_258, %while3A_260 : i32
      %while3A_262 = arith.constant 1 : i32
      %while3A_263 = arith.divsi %while3A_260, %while3A_262 : i32
      %while3A_264 = arith.muli %while3A_263, %while3A_262 : i32
      %while3A_265 = arith.addi %while3A_258, %while3A_264 : i32
      %while3A_266 = arith.constant 1 : i32
      %while3A_267 = scf.for %while3A_343 = %while3A_258 to %while3A_265 step %while3A_266 iter_args(%while3A_344 = %while3A_238) -> (vector<16xf32>)  : i32 {
        %mul3A_345 = arith.constant 80 : i32
        %mul3A_346 = arith.muli %while3A_343, %mul3A_345 : i32
        %add3A_347 = arith.constant 0 : i32
        %add3A_348 = arith.addi %mul3A_346, %add3A_347 : i32
        %get3A = arith.index_cast %add3A_348 : i32 to index
        %get3A_349 = tpu.vector_load %arg9[%get3A] {strides = array<i32>} : memref<2000xi32, #tpu.memory_space<vmem>>, vector<16xi32>,
        %add3A_350 = arith.constant 0 : i32
        %add3A_351 = arith.addi %mul3A_346, %add3A_350 : i32
        %get3A_352 = arith.index_cast %add3A_351 : i32 to index
        %get3A_353 = tpu.vector_load %arg14[%get3A_352] {strides = array<i32>} : memref<2000xf32, #tpu.memory_space<vmem>>, vector<16xf32>,
        %gather3A = tpu.vector_load_idx %arg6[%get3A_349] : memref<100000xf32, #tpu.memory_space<vmem>>[vector<16xi32>], vector<16xf32>,
        %mul3A_354 = arith.mulf %gather3A, %get3A_353 : vector<16xf32>
        %add3A_355 = arith.addf %while3A_344, %mul3A_354 : vector<16xf32>
        %add3A_356 = arith.constant 16 : i32
        %add3A_357 = arith.addi %mul3A_346, %add3A_356 : i32
        %get3A_358 = arith.index_cast %add3A_357 : i32 to index
        %get3A_359 = tpu.vector_load %arg9[%get3A_358] {strides = array<i32>} : memref<2000xi32, #tpu.memory_space<vmem>>, vector<16xi32>,
        %add3A_360 = arith.constant 16 : i32
        %add3A_361 = arith.addi %mul3A_346, %add3A_360 : i32
        %get3A_362 = arith.index_cast %add3A_361 : i32 to index
        %get3A_363 = tpu.vector_load %arg14[%get3A_362] {strides = array<i32>} : memref<2000xf32, #tpu.memory_space<vmem>>, vector<16xf32>,
        %gather3A_364 = tpu.vector_load_idx %arg6[%get3A_359] : memref<100000xf32, #tpu.memory_space<vmem>>[vector<16xi32>], vector<16xf32>,
        %mul3A_365 = arith.mulf %gather3A_364, %get3A_363 : vector<16xf32>
        %add3A_366 = arith.addf %add3A_355, %mul3A_365 : vector<16xf32>
        %add3A_367 = arith.constant 32 : i32
        %add3A_368 = arith.addi %mul3A_346, %add3A_367 : i32
        %get3A_369 = arith.index_cast %add3A_368 : i32 to index
        %get3A_370 = tpu.vector_load %arg9[%get3A_369] {strides = array<i32>} : memref<2000xi32, #tpu.memory_space<vmem>>, vector<16xi32>,
        %add3A_371 = arith.constant 32 : i32
        %add3A_372 = arith.addi %mul3A_346, %add3A_371 : i32
        %get3A_373 = arith.index_cast %add3A_372 : i32 to index
        %get3A_374 = tpu.vector_load %arg14[%get3A_373] {strides = array<i32>} : memref<2000xf32, #tpu.memory_space<vmem>>, vector<16xf32>,
        %gather3A_375 = tpu.vector_load_idx %arg6[%get3A_370] : memref<100000xf32, #tpu.memory_space<vmem>>[vector<16xi32>], vector<16xf32>,
        %mul3A_376 = arith.mulf %gather3A_375, %get3A_374 : vector<16xf32>
        %add3A_377 = arith.addf %add3A_366, %mul3A_376 : vector<16xf32>
        %add3A_378 = arith.constant 48 : i32
        %add3A_379 = arith.addi %mul3A_346, %add3A_378 : i32
        %get3A_380 = arith.index_cast %add3A_379 : i32 to index
        %get3A_381 = tpu.vector_load %arg9[%get3A_380] {strides = array<i32>} : memref<2000xi32, #tpu.memory_space<vmem>>, vector<16xi32>,
        %add3A_382 = arith.constant 48 : i32
        %add3A_383 = arith.addi %mul3A_346, %add3A_382 : i32
        %get3A_384 = arith.index_cast %add3A_383 : i32 to index
        %get3A_385 = tpu.vector_load %arg14[%get3A_384] {strides = array<i32>} : memref<2000xf32, #tpu.memory_space<vmem>>, vector<16xf32>,
        %gather3A_386 = tpu.vector_load_idx %arg6[%get3A_381] : memref<100000xf32, #tpu.memory_space<vmem>>[vector<16xi32>], vector<16xf32>,
        %mul3A_387 = arith.mulf %gather3A_386, %get3A_385 : vector<16xf32>
        %add3A_388 = arith.addf %add3A_377, %mul3A_387 : vector<16xf32>
        %add3A_389 = arith.constant 64 : i32
        %add3A_390 = arith.addi %mul3A_346, %add3A_389 : i32
        %get3A_391 = arith.index_cast %add3A_390 : i32 to index
        %get3A_392 = tpu.vector_load %arg9[%get3A_391] {strides = array<i32>} : memref<2000xi32, #tpu.memory_space<vmem>>, vector<16xi32>,
        %add3A_393 = arith.constant 64 : i32
        %add3A_394 = arith.addi %mul3A_346, %add3A_393 : i32
        %get3A_395 = arith.index_cast %add3A_394 : i32 to index
        %get3A_396 = tpu.vector_load %arg14[%get3A_395] {strides = array<i32>} : memref<2000xf32, #tpu.memory_space<vmem>>, vector<16xf32>,
        %gather3A_397 = tpu.vector_load_idx %arg6[%get3A_392] : memref<100000xf32, #tpu.memory_space<vmem>>[vector<16xi32>], vector<16xf32>,
        %mul3A_398 = arith.mulf %gather3A_397, %get3A_396 : vector<16xf32>
        %add3A_399 = arith.addf %add3A_388, %mul3A_398 : vector<16xf32>
        scf.yield %add3A_399 : vector<16xf32>
      }
      %while3A_268 = arith.constant 1 : i32
      %while3A_269 = scf.for %while3A_343 = %while3A_265 to %while3A_261 step %while3A_268 iter_args(%while3A_344 = %while3A_267) -> (vector<16xf32>)  : i32 {
        %mul3A_345 = arith.constant 80 : i32
        %mul3A_346 = arith.muli %while3A_343, %mul3A_345 : i32
        %add3A_347 = arith.constant 0 : i32
        %add3A_348 = arith.addi %mul3A_346, %add3A_347 : i32
        %get3A = arith.index_cast %add3A_348 : i32 to index
        %get3A_349 = tpu.vector_load %arg9[%get3A] {strides = array<i32>} : memref<2000xi32, #tpu.memory_space<vmem>>, vector<16xi32>,
        %add3A_350 = arith.constant 0 : i32
        %add3A_351 = arith.addi %mul3A_346, %add3A_350 : i32
        %get3A_352 = arith.index_cast %add3A_351 : i32 to index
        %get3A_353 = tpu.vector_load %arg14[%get3A_352] {strides = array<i32>} : memref<2000xf32, #tpu.memory_space<vmem>>, vector<16xf32>,
        %gather3A = tpu.vector_load_idx %arg6[%get3A_349] : memref<100000xf32, #tpu.memory_space<vmem>>[vector<16xi32>], vector<16xf32>,
        %mul3A_354 = arith.mulf %gather3A, %get3A_353 : vector<16xf32>
        %add3A_355 = arith.addf %while3A_344, %mul3A_354 : vector<16xf32>
        %add3A_356 = arith.constant 16 : i32
        %add3A_357 = arith.addi %mul3A_346, %add3A_356 : i32
        %get3A_358 = arith.index_cast %add3A_357 : i32 to index
        %get3A_359 = tpu.vector_load %arg9[%get3A_358] {strides = array<i32>} : memref<2000xi32, #tpu.memory_space<vmem>>, vector<16xi32>,
        %add3A_360 = arith.constant 16 : i32
        %add3A_361 = arith.addi %mul3A_346, %add3A_360 : i32
        %get3A_362 = arith.index_cast %add3A_361 : i32 to index
        %get3A_363 = tpu.vector_load %arg14[%get3A_362] {strides = array<i32>} : memref<2000xf32, #tpu.memory_space<vmem>>, vector<16xf32>,
        %gather3A_364 = tpu.vector_load_idx %arg6[%get3A_359] : memref<100000xf32, #tpu.memory_space<vmem>>[vector<16xi32>], vector<16xf32>,
        %mul3A_365 = arith.mulf %gather3A_364, %get3A_363 : vector<16xf32>
        %add3A_366 = arith.addf %add3A_355, %mul3A_365 : vector<16xf32>
        %add3A_367 = arith.constant 32 : i32
        %add3A_368 = arith.addi %mul3A_346, %add3A_367 : i32
        %get3A_369 = arith.index_cast %add3A_368 : i32 to index
        %get3A_370 = tpu.vector_load %arg9[%get3A_369] {strides = array<i32>} : memref<2000xi32, #tpu.memory_space<vmem>>, vector<16xi32>,
        %add3A_371 = arith.constant 32 : i32
        %add3A_372 = arith.addi %mul3A_346, %add3A_371 : i32
        %get3A_373 = arith.index_cast %add3A_372 : i32 to index
        %get3A_374 = tpu.vector_load %arg14[%get3A_373] {strides = array<i32>} : memref<2000xf32, #tpu.memory_space<vmem>>, vector<16xf32>,
        %gather3A_375 = tpu.vector_load_idx %arg6[%get3A_370] : memref<100000xf32, #tpu.memory_space<vmem>>[vector<16xi32>], vector<16xf32>,
        %mul3A_376 = arith.mulf %gather3A_375, %get3A_374 : vector<16xf32>
        %add3A_377 = arith.addf %add3A_366, %mul3A_376 : vector<16xf32>
        %add3A_378 = arith.constant 48 : i32
        %add3A_379 = arith.addi %mul3A_346, %add3A_378 : i32
        %get3A_380 = arith.index_cast %add3A_379 : i32 to index
        %get3A_381 = tpu.vector_load %arg9[%get3A_380] {strides = array<i32>} : memref<2000xi32, #tpu.memory_space<vmem>>, vector<16xi32>,
        %add3A_382 = arith.constant 48 : i32
        %add3A_383 = arith.addi %mul3A_346, %add3A_382 : i32
        %get3A_384 = arith.index_cast %add3A_383 : i32 to index
        %get3A_385 = tpu.vector_load %arg14[%get3A_384] {strides = array<i32>} : memref<2000xf32, #tpu.memory_space<vmem>>, vector<16xf32>,
        %gather3A_386 = tpu.vector_load_idx %arg6[%get3A_381] : memref<100000xf32, #tpu.memory_space<vmem>>[vector<16xi32>], vector<16xf32>,
        %mul3A_387 = arith.mulf %gather3A_386, %get3A_385 : vector<16xf32>
        %add3A_388 = arith.addf %add3A_377, %mul3A_387 : vector<16xf32>
        %add3A_389 = arith.constant 64 : i32
        %add3A_390 = arith.addi %mul3A_346, %add3A_389 : i32
        %get3A_391 = arith.index_cast %add3A_390 : i32 to index
        %get3A_392 = tpu.vector_load %arg9[%get3A_391] {strides = array<i32>} : memref<2000xi32, #tpu.memory_space<vmem>>, vector<16xi32>,
        %add3A_393 = arith.constant 64 : i32
        %add3A_394 = arith.addi %mul3A_346, %add3A_393 : i32
        %get3A_395 = arith.index_cast %add3A_394 : i32 to index
        %get3A_396 = tpu.vector_load %arg14[%get3A_395] {strides = array<i32>} : memref<2000xf32, #tpu.memory_space<vmem>>, vector<16xf32>,
        %gather3A_397 = tpu.vector_load_idx %arg6[%get3A_392] : memref<100000xf32, #tpu.memory_space<vmem>>[vector<16xi32>], vector<16xf32>,
        %mul3A_398 = arith.mulf %gather3A_397, %get3A_396 : vector<16xf32>
        %add3A_399 = arith.addf %add3A_388, %mul3A_398 : vector<16xf32>
        scf.yield %add3A_399 : vector<16xf32>
      }
      %add3A_270 = arith.constant 5 : i32
      %add3A_271 = arith.addi %mul3A_187, %add3A_270 : i32
      %add3A_272 = arith.constant 2 : i32
      %add3A_273 = arith.addi %add3A_271, %add3A_272 : i32
      %mul3A_274 = arith.constant 2000 : i32
      %mul3A_275 = arith.muli %add3A_273, %mul3A_274 : i32
      %add3A_276 = arith.addi %mul3A_2, %mul3A_275 : i32
      %dma_start3A_277 = tpu.memref_slice %arg4[%add3A_276] : memref<6400000xi32, #tpu.memory_space<hbm>> -> memref<2000xi32, #tpu.memory_space<hbm>>
      %dma_start3A_278 = tpu.memref_slice %arg4[%add3A_276] : memref<6400000xi32, #tpu.memory_space<hbm>> -> memref<2000xi32, #tpu.memory_space<hbm>>
      tpu.enqueue_dma source(%dma_start3A_278 : memref<2000xi32, #tpu.memory_space<hbm>>) target(%arg9 : memref<2000xi32, #tpu.memory_space<vmem>>) target_semaphore(%arg20 : memref<!tpu.dma_semaphore, #tpu.memory_space<semaphore_mem>>)
      %dma_start3A_279 = tpu.memref_slice %arg3[%add3A_276] : memref<6400000xf32, #tpu.memory_space<hbm>> -> memref<2000xf32, #tpu.memory_space<hbm>>
      %dma_start3A_280 = tpu.memref_slice %arg3[%add3A_276] : memref<6400000xf32, #tpu.memory_space<hbm>> -> memref<2000xf32, #tpu.memory_space<hbm>>
      tpu.enqueue_dma source(%dma_start3A_280 : memref<2000xf32, #tpu.memory_space<hbm>>) target(%arg14 : memref<2000xf32, #tpu.memory_space<vmem>>) target_semaphore(%arg20 : memref<!tpu.dma_semaphore, #tpu.memory_space<semaphore_mem>>)
      %dma_wait3A_281 = arith.constant 0 : i32
      %dma_wait3A_282 = tpu.memref_slice %arg4[%dma_wait3A_281] : memref<6400000xi32, #tpu.memory_space<hbm>> -> memref<2000xi32, #tpu.memory_space<hbm>>
      %dma_wait3A_283 = arith.constant 0 : i32
      %dma_wait3A_284 = tpu.memref_slice %arg4[%dma_wait3A_283] : memref<6400000xi32, #tpu.memory_space<hbm>> -> memref<2000xi32, #tpu.memory_space<hbm>>
      tpu.wait_dma2 semaphore(%arg21 : memref<!tpu.dma_semaphore, #tpu.memory_space<semaphore_mem>>) src(%dma_wait3A_284 : memref<2000xi32, #tpu.memory_space<hbm>>) dst(%arg10 : memref<2000xi32, #tpu.memory_space<vmem>>)
      %dma_wait3A_285 = arith.constant 0 : i32
      %dma_wait3A_286 = tpu.memref_slice %arg3[%dma_wait3A_285] : memref<6400000xf32, #tpu.memory_space<hbm>> -> memref<2000xf32, #tpu.memory_space<hbm>>
      %dma_wait3A_287 = arith.constant 0 : i32
      %dma_wait3A_288 = tpu.memref_slice %arg3[%dma_wait3A_287] : memref<6400000xf32, #tpu.memory_space<hbm>> -> memref<2000xf32, #tpu.memory_space<hbm>>
      tpu.wait_dma2 semaphore(%arg21 : memref<!tpu.dma_semaphore, #tpu.memory_space<semaphore_mem>>) src(%dma_wait3A_288 : memref<2000xf32, #tpu.memory_space<hbm>>) dst(%arg15 : memref<2000xf32, #tpu.memory_space<vmem>>)
      %while3A_289 = arith.constant 0 : i32
      %while3A_290 = arith.constant 25 : i32
      %while3A_291 = arith.subi %while3A_290, %while3A_289 : i32
      %while3A_292 = arith.addi %while3A_289, %while3A_291 : i32
      %while3A_293 = arith.constant 1 : i32
      %while3A_294 = arith.divsi %while3A_291, %while3A_293 : i32
      %while3A_295 = arith.muli %while3A_294, %while3A_293 : i32
      %while3A_296 = arith.addi %while3A_289, %while3A_295 : i32
      %while3A_297 = arith.constant 1 : i32
      %while3A_298 = scf.for %while3A_343 = %while3A_289 to %while3A_296 step %while3A_297 iter_args(%while3A_344 = %while3A_269) -> (vector<16xf32>)  : i32 {
        %mul3A_345 = arith.constant 80 : i32
        %mul3A_346 = arith.muli %while3A_343, %mul3A_345 : i32
        %add3A_347 = arith.constant 0 : i32
        %add3A_348 = arith.addi %mul3A_346, %add3A_347 : i32
        %get3A = arith.index_cast %add3A_348 : i32 to index
        %get3A_349 = tpu.vector_load %arg10[%get3A] {strides = array<i32>} : memref<2000xi32, #tpu.memory_space<vmem>>, vector<16xi32>,
        %add3A_350 = arith.constant 0 : i32
        %add3A_351 = arith.addi %mul3A_346, %add3A_350 : i32
        %get3A_352 = arith.index_cast %add3A_351 : i32 to index
        %get3A_353 = tpu.vector_load %arg15[%get3A_352] {strides = array<i32>} : memref<2000xf32, #tpu.memory_space<vmem>>, vector<16xf32>,
        %gather3A = tpu.vector_load_idx %arg6[%get3A_349] : memref<100000xf32, #tpu.memory_space<vmem>>[vector<16xi32>], vector<16xf32>,
        %mul3A_354 = arith.mulf %gather3A, %get3A_353 : vector<16xf32>
        %add3A_355 = arith.addf %while3A_344, %mul3A_354 : vector<16xf32>
        %add3A_356 = arith.constant 16 : i32
        %add3A_357 = arith.addi %mul3A_346, %add3A_356 : i32
        %get3A_358 = arith.index_cast %add3A_357 : i32 to index
        %get3A_359 = tpu.vector_load %arg10[%get3A_358] {strides = array<i32>} : memref<2000xi32, #tpu.memory_space<vmem>>, vector<16xi32>,
        %add3A_360 = arith.constant 16 : i32
        %add3A_361 = arith.addi %mul3A_346, %add3A_360 : i32
        %get3A_362 = arith.index_cast %add3A_361 : i32 to index
        %get3A_363 = tpu.vector_load %arg15[%get3A_362] {strides = array<i32>} : memref<2000xf32, #tpu.memory_space<vmem>>, vector<16xf32>,
        %gather3A_364 = tpu.vector_load_idx %arg6[%get3A_359] : memref<100000xf32, #tpu.memory_space<vmem>>[vector<16xi32>], vector<16xf32>,
        %mul3A_365 = arith.mulf %gather3A_364, %get3A_363 : vector<16xf32>
        %add3A_366 = arith.addf %add3A_355, %mul3A_365 : vector<16xf32>
        %add3A_367 = arith.constant 32 : i32
        %add3A_368 = arith.addi %mul3A_346, %add3A_367 : i32
        %get3A_369 = arith.index_cast %add3A_368 : i32 to index
        %get3A_370 = tpu.vector_load %arg10[%get3A_369] {strides = array<i32>} : memref<2000xi32, #tpu.memory_space<vmem>>, vector<16xi32>,
        %add3A_371 = arith.constant 32 : i32
        %add3A_372 = arith.addi %mul3A_346, %add3A_371 : i32
        %get3A_373 = arith.index_cast %add3A_372 : i32 to index
        %get3A_374 = tpu.vector_load %arg15[%get3A_373] {strides = array<i32>} : memref<2000xf32, #tpu.memory_space<vmem>>, vector<16xf32>,
        %gather3A_375 = tpu.vector_load_idx %arg6[%get3A_370] : memref<100000xf32, #tpu.memory_space<vmem>>[vector<16xi32>], vector<16xf32>,
        %mul3A_376 = arith.mulf %gather3A_375, %get3A_374 : vector<16xf32>
        %add3A_377 = arith.addf %add3A_366, %mul3A_376 : vector<16xf32>
        %add3A_378 = arith.constant 48 : i32
        %add3A_379 = arith.addi %mul3A_346, %add3A_378 : i32
        %get3A_380 = arith.index_cast %add3A_379 : i32 to index
        %get3A_381 = tpu.vector_load %arg10[%get3A_380] {strides = array<i32>} : memref<2000xi32, #tpu.memory_space<vmem>>, vector<16xi32>,
        %add3A_382 = arith.constant 48 : i32
        %add3A_383 = arith.addi %mul3A_346, %add3A_382 : i32
        %get3A_384 = arith.index_cast %add3A_383 : i32 to index
        %get3A_385 = tpu.vector_load %arg15[%get3A_384] {strides = array<i32>} : memref<2000xf32, #tpu.memory_space<vmem>>, vector<16xf32>,
        %gather3A_386 = tpu.vector_load_idx %arg6[%get3A_381] : memref<100000xf32, #tpu.memory_space<vmem>>[vector<16xi32>], vector<16xf32>,
        %mul3A_387 = arith.mulf %gather3A_386, %get3A_385 : vector<16xf32>
        %add3A_388 = arith.addf %add3A_377, %mul3A_387 : vector<16xf32>
        %add3A_389 = arith.constant 64 : i32
        %add3A_390 = arith.addi %mul3A_346, %add3A_389 : i32
        %get3A_391 = arith.index_cast %add3A_390 : i32 to index
        %get3A_392 = tpu.vector_load %arg10[%get3A_391] {strides = array<i32>} : memref<2000xi32, #tpu.memory_space<vmem>>, vector<16xi32>,
        %add3A_393 = arith.constant 64 : i32
        %add3A_394 = arith.addi %mul3A_346, %add3A_393 : i32
        %get3A_395 = arith.index_cast %add3A_394 : i32 to index
        %get3A_396 = tpu.vector_load %arg15[%get3A_395] {strides = array<i32>} : memref<2000xf32, #tpu.memory_space<vmem>>, vector<16xf32>,
        %gather3A_397 = tpu.vector_load_idx %arg6[%get3A_392] : memref<100000xf32, #tpu.memory_space<vmem>>[vector<16xi32>], vector<16xf32>,
        %mul3A_398 = arith.mulf %gather3A_397, %get3A_396 : vector<16xf32>
        %add3A_399 = arith.addf %add3A_388, %mul3A_398 : vector<16xf32>
        scf.yield %add3A_399 : vector<16xf32>
      }
      %while3A_299 = arith.constant 1 : i32
      %while3A_300 = scf.for %while3A_343 = %while3A_296 to %while3A_292 step %while3A_299 iter_args(%while3A_344 = %while3A_298) -> (vector<16xf32>)  : i32 {
        %mul3A_345 = arith.constant 80 : i32
        %mul3A_346 = arith.muli %while3A_343, %mul3A_345 : i32
        %add3A_347 = arith.constant 0 : i32
        %add3A_348 = arith.addi %mul3A_346, %add3A_347 : i32
        %get3A = arith.index_cast %add3A_348 : i32 to index
        %get3A_349 = tpu.vector_load %arg10[%get3A] {strides = array<i32>} : memref<2000xi32, #tpu.memory_space<vmem>>, vector<16xi32>,
        %add3A_350 = arith.constant 0 : i32
        %add3A_351 = arith.addi %mul3A_346, %add3A_350 : i32
        %get3A_352 = arith.index_cast %add3A_351 : i32 to index
        %get3A_353 = tpu.vector_load %arg15[%get3A_352] {strides = array<i32>} : memref<2000xf32, #tpu.memory_space<vmem>>, vector<16xf32>,
        %gather3A = tpu.vector_load_idx %arg6[%get3A_349] : memref<100000xf32, #tpu.memory_space<vmem>>[vector<16xi32>], vector<16xf32>,
        %mul3A_354 = arith.mulf %gather3A, %get3A_353 : vector<16xf32>
        %add3A_355 = arith.addf %while3A_344, %mul3A_354 : vector<16xf32>
        %add3A_356 = arith.constant 16 : i32
        %add3A_357 = arith.addi %mul3A_346, %add3A_356 : i32
        %get3A_358 = arith.index_cast %add3A_357 : i32 to index
        %get3A_359 = tpu.vector_load %arg10[%get3A_358] {strides = array<i32>} : memref<2000xi32, #tpu.memory_space<vmem>>, vector<16xi32>,
        %add3A_360 = arith.constant 16 : i32
        %add3A_361 = arith.addi %mul3A_346, %add3A_360 : i32
        %get3A_362 = arith.index_cast %add3A_361 : i32 to index
        %get3A_363 = tpu.vector_load %arg15[%get3A_362] {strides = array<i32>} : memref<2000xf32, #tpu.memory_space<vmem>>, vector<16xf32>,
        %gather3A_364 = tpu.vector_load_idx %arg6[%get3A_359] : memref<100000xf32, #tpu.memory_space<vmem>>[vector<16xi32>], vector<16xf32>,
        %mul3A_365 = arith.mulf %gather3A_364, %get3A_363 : vector<16xf32>
        %add3A_366 = arith.addf %add3A_355, %mul3A_365 : vector<16xf32>
        %add3A_367 = arith.constant 32 : i32
        %add3A_368 = arith.addi %mul3A_346, %add3A_367 : i32
        %get3A_369 = arith.index_cast %add3A_368 : i32 to index
        %get3A_370 = tpu.vector_load %arg10[%get3A_369] {strides = array<i32>} : memref<2000xi32, #tpu.memory_space<vmem>>, vector<16xi32>,
        %add3A_371 = arith.constant 32 : i32
        %add3A_372 = arith.addi %mul3A_346, %add3A_371 : i32
        %get3A_373 = arith.index_cast %add3A_372 : i32 to index
        %get3A_374 = tpu.vector_load %arg15[%get3A_373] {strides = array<i32>} : memref<2000xf32, #tpu.memory_space<vmem>>, vector<16xf32>,
        %gather3A_375 = tpu.vector_load_idx %arg6[%get3A_370] : memref<100000xf32, #tpu.memory_space<vmem>>[vector<16xi32>], vector<16xf32>,
        %mul3A_376 = arith.mulf %gather3A_375, %get3A_374 : vector<16xf32>
        %add3A_377 = arith.addf %add3A_366, %mul3A_376 : vector<16xf32>
        %add3A_378 = arith.constant 48 : i32
        %add3A_379 = arith.addi %mul3A_346, %add3A_378 : i32
        %get3A_380 = arith.index_cast %add3A_379 : i32 to index
        %get3A_381 = tpu.vector_load %arg10[%get3A_380] {strides = array<i32>} : memref<2000xi32, #tpu.memory_space<vmem>>, vector<16xi32>,
        %add3A_382 = arith.constant 48 : i32
        %add3A_383 = arith.addi %mul3A_346, %add3A_382 : i32
        %get3A_384 = arith.index_cast %add3A_383 : i32 to index
        %get3A_385 = tpu.vector_load %arg15[%get3A_384] {strides = array<i32>} : memref<2000xf32, #tpu.memory_space<vmem>>, vector<16xf32>,
        %gather3A_386 = tpu.vector_load_idx %arg6[%get3A_381] : memref<100000xf32, #tpu.memory_space<vmem>>[vector<16xi32>], vector<16xf32>,
        %mul3A_387 = arith.mulf %gather3A_386, %get3A_385 : vector<16xf32>
        %add3A_388 = arith.addf %add3A_377, %mul3A_387 : vector<16xf32>
        %add3A_389 = arith.constant 64 : i32
        %add3A_390 = arith.addi %mul3A_346, %add3A_389 : i32
        %get3A_391 = arith.index_cast %add3A_390 : i32 to index
        %get3A_392 = tpu.vector_load %arg10[%get3A_391] {strides = array<i32>} : memref<2000xi32, #tpu.memory_space<vmem>>, vector<16xi32>,
        %add3A_393 = arith.constant 64 : i32
        %add3A_394 = arith.addi %mul3A_346, %add3A_393 : i32
        %get3A_395 = arith.index_cast %add3A_394 : i32 to index
        %get3A_396 = tpu.vector_load %arg15[%get3A_395] {strides = array<i32>} : memref<2000xf32, #tpu.memory_space<vmem>>, vector<16xf32>,
        %gather3A_397 = tpu.vector_load_idx %arg6[%get3A_392] : memref<100000xf32, #tpu.memory_space<vmem>>[vector<16xi32>], vector<16xf32>,
        %mul3A_398 = arith.mulf %gather3A_397, %get3A_396 : vector<16xf32>
        %add3A_399 = arith.addf %add3A_388, %mul3A_398 : vector<16xf32>
        scf.yield %add3A_399 : vector<16xf32>
      }
      %add3A_301 = arith.constant 5 : i32
      %add3A_302 = arith.addi %mul3A_187, %add3A_301 : i32
      %add3A_303 = arith.constant 3 : i32
      %add3A_304 = arith.addi %add3A_302, %add3A_303 : i32
      %mul3A_305 = arith.constant 2000 : i32
      %mul3A_306 = arith.muli %add3A_304, %mul3A_305 : i32
      %add3A_307 = arith.addi %mul3A_2, %mul3A_306 : i32
      %dma_start3A_308 = tpu.memref_slice %arg4[%add3A_307] : memref<6400000xi32, #tpu.memory_space<hbm>> -> memref<2000xi32, #tpu.memory_space<hbm>>
      %dma_start3A_309 = tpu.memref_slice %arg4[%add3A_307] : memref<6400000xi32, #tpu.memory_space<hbm>> -> memref<2000xi32, #tpu.memory_space<hbm>>
      tpu.enqueue_dma source(%dma_start3A_309 : memref<2000xi32, #tpu.memory_space<hbm>>) target(%arg10 : memref<2000xi32, #tpu.memory_space<vmem>>) target_semaphore(%arg21 : memref<!tpu.dma_semaphore, #tpu.memory_space<semaphore_mem>>)
      %dma_start3A_310 = tpu.memref_slice %arg3[%add3A_307] : memref<6400000xf32, #tpu.memory_space<hbm>> -> memref<2000xf32, #tpu.memory_space<hbm>>
      %dma_start3A_311 = tpu.memref_slice %arg3[%add3A_307] : memref<6400000xf32, #tpu.memory_space<hbm>> -> memref<2000xf32, #tpu.memory_space<hbm>>
      tpu.enqueue_dma source(%dma_start3A_311 : memref<2000xf32, #tpu.memory_space<hbm>>) target(%arg15 : memref<2000xf32, #tpu.memory_space<vmem>>) target_semaphore(%arg21 : memref<!tpu.dma_semaphore, #tpu.memory_space<semaphore_mem>>)
      %dma_wait3A_312 = arith.constant 0 : i32
      %dma_wait3A_313 = tpu.memref_slice %arg4[%dma_wait3A_312] : memref<6400000xi32, #tpu.memory_space<hbm>> -> memref<2000xi32, #tpu.memory_space<hbm>>
      %dma_wait3A_314 = arith.constant 0 : i32
      %dma_wait3A_315 = tpu.memref_slice %arg4[%dma_wait3A_314] : memref<6400000xi32, #tpu.memory_space<hbm>> -> memref<2000xi32, #tpu.memory_space<hbm>>
      tpu.wait_dma2 semaphore(%arg22 : memref<!tpu.dma_semaphore, #tpu.memory_space<semaphore_mem>>) src(%dma_wait3A_315 : memref<2000xi32, #tpu.memory_space<hbm>>) dst(%arg11 : memref<2000xi32, #tpu.memory_space<vmem>>)
      %dma_wait3A_316 = arith.constant 0 : i32
      %dma_wait3A_317 = tpu.memref_slice %arg3[%dma_wait3A_316] : memref<6400000xf32, #tpu.memory_space<hbm>> -> memref<2000xf32, #tpu.memory_space<hbm>>
      %dma_wait3A_318 = arith.constant 0 : i32
      %dma_wait3A_319 = tpu.memref_slice %arg3[%dma_wait3A_318] : memref<6400000xf32, #tpu.memory_space<hbm>> -> memref<2000xf32, #tpu.memory_space<hbm>>
      tpu.wait_dma2 semaphore(%arg22 : memref<!tpu.dma_semaphore, #tpu.memory_space<semaphore_mem>>) src(%dma_wait3A_319 : memref<2000xf32, #tpu.memory_space<hbm>>) dst(%arg16 : memref<2000xf32, #tpu.memory_space<vmem>>)
      %while3A_320 = arith.constant 0 : i32
      %while3A_321 = arith.constant 25 : i32
      %while3A_322 = arith.subi %while3A_321, %while3A_320 : i32
      %while3A_323 = arith.addi %while3A_320, %while3A_322 : i32
      %while3A_324 = arith.constant 1 : i32
      %while3A_325 = arith.divsi %while3A_322, %while3A_324 : i32
      %while3A_326 = arith.muli %while3A_325, %while3A_324 : i32
      %while3A_327 = arith.addi %while3A_320, %while3A_326 : i32
      %while3A_328 = arith.constant 1 : i32
      %while3A_329 = scf.for %while3A_343 = %while3A_320 to %while3A_327 step %while3A_328 iter_args(%while3A_344 = %while3A_300) -> (vector<16xf32>)  : i32 {
        %mul3A_345 = arith.constant 80 : i32
        %mul3A_346 = arith.muli %while3A_343, %mul3A_345 : i32
        %add3A_347 = arith.constant 0 : i32
        %add3A_348 = arith.addi %mul3A_346, %add3A_347 : i32
        %get3A = arith.index_cast %add3A_348 : i32 to index
        %get3A_349 = tpu.vector_load %arg11[%get3A] {strides = array<i32>} : memref<2000xi32, #tpu.memory_space<vmem>>, vector<16xi32>,
        %add3A_350 = arith.constant 0 : i32
        %add3A_351 = arith.addi %mul3A_346, %add3A_350 : i32
        %get3A_352 = arith.index_cast %add3A_351 : i32 to index
        %get3A_353 = tpu.vector_load %arg16[%get3A_352] {strides = array<i32>} : memref<2000xf32, #tpu.memory_space<vmem>>, vector<16xf32>,
        %gather3A = tpu.vector_load_idx %arg6[%get3A_349] : memref<100000xf32, #tpu.memory_space<vmem>>[vector<16xi32>], vector<16xf32>,
        %mul3A_354 = arith.mulf %gather3A, %get3A_353 : vector<16xf32>
        %add3A_355 = arith.addf %while3A_344, %mul3A_354 : vector<16xf32>
        %add3A_356 = arith.constant 16 : i32
        %add3A_357 = arith.addi %mul3A_346, %add3A_356 : i32
        %get3A_358 = arith.index_cast %add3A_357 : i32 to index
        %get3A_359 = tpu.vector_load %arg11[%get3A_358] {strides = array<i32>} : memref<2000xi32, #tpu.memory_space<vmem>>, vector<16xi32>,
        %add3A_360 = arith.constant 16 : i32
        %add3A_361 = arith.addi %mul3A_346, %add3A_360 : i32
        %get3A_362 = arith.index_cast %add3A_361 : i32 to index
        %get3A_363 = tpu.vector_load %arg16[%get3A_362] {strides = array<i32>} : memref<2000xf32, #tpu.memory_space<vmem>>, vector<16xf32>,
        %gather3A_364 = tpu.vector_load_idx %arg6[%get3A_359] : memref<100000xf32, #tpu.memory_space<vmem>>[vector<16xi32>], vector<16xf32>,
        %mul3A_365 = arith.mulf %gather3A_364, %get3A_363 : vector<16xf32>
        %add3A_366 = arith.addf %add3A_355, %mul3A_365 : vector<16xf32>
        %add3A_367 = arith.constant 32 : i32
        %add3A_368 = arith.addi %mul3A_346, %add3A_367 : i32
        %get3A_369 = arith.index_cast %add3A_368 : i32 to index
        %get3A_370 = tpu.vector_load %arg11[%get3A_369] {strides = array<i32>} : memref<2000xi32, #tpu.memory_space<vmem>>, vector<16xi32>,
        %add3A_371 = arith.constant 32 : i32
        %add3A_372 = arith.addi %mul3A_346, %add3A_371 : i32
        %get3A_373 = arith.index_cast %add3A_372 : i32 to index
        %get3A_374 = tpu.vector_load %arg16[%get3A_373] {strides = array<i32>} : memref<2000xf32, #tpu.memory_space<vmem>>, vector<16xf32>,
        %gather3A_375 = tpu.vector_load_idx %arg6[%get3A_370] : memref<100000xf32, #tpu.memory_space<vmem>>[vector<16xi32>], vector<16xf32>,
        %mul3A_376 = arith.mulf %gather3A_375, %get3A_374 : vector<16xf32>
        %add3A_377 = arith.addf %add3A_366, %mul3A_376 : vector<16xf32>
        %add3A_378 = arith.constant 48 : i32
        %add3A_379 = arith.addi %mul3A_346, %add3A_378 : i32
        %get3A_380 = arith.index_cast %add3A_379 : i32 to index
        %get3A_381 = tpu.vector_load %arg11[%get3A_380] {strides = array<i32>} : memref<2000xi32, #tpu.memory_space<vmem>>, vector<16xi32>,
        %add3A_382 = arith.constant 48 : i32
        %add3A_383 = arith.addi %mul3A_346, %add3A_382 : i32
        %get3A_384 = arith.index_cast %add3A_383 : i32 to index
        %get3A_385 = tpu.vector_load %arg16[%get3A_384] {strides = array<i32>} : memref<2000xf32, #tpu.memory_space<vmem>>, vector<16xf32>,
        %gather3A_386 = tpu.vector_load_idx %arg6[%get3A_381] : memref<100000xf32, #tpu.memory_space<vmem>>[vector<16xi32>], vector<16xf32>,
        %mul3A_387 = arith.mulf %gather3A_386, %get3A_385 : vector<16xf32>
        %add3A_388 = arith.addf %add3A_377, %mul3A_387 : vector<16xf32>
        %add3A_389 = arith.constant 64 : i32
        %add3A_390 = arith.addi %mul3A_346, %add3A_389 : i32
        %get3A_391 = arith.index_cast %add3A_390 : i32 to index
        %get3A_392 = tpu.vector_load %arg11[%get3A_391] {strides = array<i32>} : memref<2000xi32, #tpu.memory_space<vmem>>, vector<16xi32>,
        %add3A_393 = arith.constant 64 : i32
        %add3A_394 = arith.addi %mul3A_346, %add3A_393 : i32
        %get3A_395 = arith.index_cast %add3A_394 : i32 to index
        %get3A_396 = tpu.vector_load %arg16[%get3A_395] {strides = array<i32>} : memref<2000xf32, #tpu.memory_space<vmem>>, vector<16xf32>,
        %gather3A_397 = tpu.vector_load_idx %arg6[%get3A_392] : memref<100000xf32, #tpu.memory_space<vmem>>[vector<16xi32>], vector<16xf32>,
        %mul3A_398 = arith.mulf %gather3A_397, %get3A_396 : vector<16xf32>
        %add3A_399 = arith.addf %add3A_388, %mul3A_398 : vector<16xf32>
        scf.yield %add3A_399 : vector<16xf32>
      }
      %while3A_330 = arith.constant 1 : i32
      %while3A_331 = scf.for %while3A_343 = %while3A_327 to %while3A_323 step %while3A_330 iter_args(%while3A_344 = %while3A_329) -> (vector<16xf32>)  : i32 {
        %mul3A_345 = arith.constant 80 : i32
        %mul3A_346 = arith.muli %while3A_343, %mul3A_345 : i32
        %add3A_347 = arith.constant 0 : i32
        %add3A_348 = arith.addi %mul3A_346, %add3A_347 : i32
        %get3A = arith.index_cast %add3A_348 : i32 to index
        %get3A_349 = tpu.vector_load %arg11[%get3A] {strides = array<i32>} : memref<2000xi32, #tpu.memory_space<vmem>>, vector<16xi32>,
        %add3A_350 = arith.constant 0 : i32
        %add3A_351 = arith.addi %mul3A_346, %add3A_350 : i32
        %get3A_352 = arith.index_cast %add3A_351 : i32 to index
        %get3A_353 = tpu.vector_load %arg16[%get3A_352] {strides = array<i32>} : memref<2000xf32, #tpu.memory_space<vmem>>, vector<16xf32>,
        %gather3A = tpu.vector_load_idx %arg6[%get3A_349] : memref<100000xf32, #tpu.memory_space<vmem>>[vector<16xi32>], vector<16xf32>,
        %mul3A_354 = arith.mulf %gather3A, %get3A_353 : vector<16xf32>
        %add3A_355 = arith.addf %while3A_344, %mul3A_354 : vector<16xf32>
        %add3A_356 = arith.constant 16 : i32
        %add3A_357 = arith.addi %mul3A_346, %add3A_356 : i32
        %get3A_358 = arith.index_cast %add3A_357 : i32 to index
        %get3A_359 = tpu.vector_load %arg11[%get3A_358] {strides = array<i32>} : memref<2000xi32, #tpu.memory_space<vmem>>, vector<16xi32>,
        %add3A_360 = arith.constant 16 : i32
        %add3A_361 = arith.addi %mul3A_346, %add3A_360 : i32
        %get3A_362 = arith.index_cast %add3A_361 : i32 to index
        %get3A_363 = tpu.vector_load %arg16[%get3A_362] {strides = array<i32>} : memref<2000xf32, #tpu.memory_space<vmem>>, vector<16xf32>,
        %gather3A_364 = tpu.vector_load_idx %arg6[%get3A_359] : memref<100000xf32, #tpu.memory_space<vmem>>[vector<16xi32>], vector<16xf32>,
        %mul3A_365 = arith.mulf %gather3A_364, %get3A_363 : vector<16xf32>
        %add3A_366 = arith.addf %add3A_355, %mul3A_365 : vector<16xf32>
        %add3A_367 = arith.constant 32 : i32
        %add3A_368 = arith.addi %mul3A_346, %add3A_367 : i32
        %get3A_369 = arith.index_cast %add3A_368 : i32 to index
        %get3A_370 = tpu.vector_load %arg11[%get3A_369] {strides = array<i32>} : memref<2000xi32, #tpu.memory_space<vmem>>, vector<16xi32>,
        %add3A_371 = arith.constant 32 : i32
        %add3A_372 = arith.addi %mul3A_346, %add3A_371 : i32
        %get3A_373 = arith.index_cast %add3A_372 : i32 to index
        %get3A_374 = tpu.vector_load %arg16[%get3A_373] {strides = array<i32>} : memref<2000xf32, #tpu.memory_space<vmem>>, vector<16xf32>,
        %gather3A_375 = tpu.vector_load_idx %arg6[%get3A_370] : memref<100000xf32, #tpu.memory_space<vmem>>[vector<16xi32>], vector<16xf32>,
        %mul3A_376 = arith.mulf %gather3A_375, %get3A_374 : vector<16xf32>
        %add3A_377 = arith.addf %add3A_366, %mul3A_376 : vector<16xf32>
        %add3A_378 = arith.constant 48 : i32
        %add3A_379 = arith.addi %mul3A_346, %add3A_378 : i32
        %get3A_380 = arith.index_cast %add3A_379 : i32 to index
        %get3A_381 = tpu.vector_load %arg11[%get3A_380] {strides = array<i32>} : memref<2000xi32, #tpu.memory_space<vmem>>, vector<16xi32>,
        %add3A_382 = arith.constant 48 : i32
        %add3A_383 = arith.addi %mul3A_346, %add3A_382 : i32
        %get3A_384 = arith.index_cast %add3A_383 : i32 to index
        %get3A_385 = tpu.vector_load %arg16[%get3A_384] {strides = array<i32>} : memref<2000xf32, #tpu.memory_space<vmem>>, vector<16xf32>,
        %gather3A_386 = tpu.vector_load_idx %arg6[%get3A_381] : memref<100000xf32, #tpu.memory_space<vmem>>[vector<16xi32>], vector<16xf32>,
        %mul3A_387 = arith.mulf %gather3A_386, %get3A_385 : vector<16xf32>
        %add3A_388 = arith.addf %add3A_377, %mul3A_387 : vector<16xf32>
        %add3A_389 = arith.constant 64 : i32
        %add3A_390 = arith.addi %mul3A_346, %add3A_389 : i32
        %get3A_391 = arith.index_cast %add3A_390 : i32 to index
        %get3A_392 = tpu.vector_load %arg11[%get3A_391] {strides = array<i32>} : memref<2000xi32, #tpu.memory_space<vmem>>, vector<16xi32>,
        %add3A_393 = arith.constant 64 : i32
        %add3A_394 = arith.addi %mul3A_346, %add3A_393 : i32
        %get3A_395 = arith.index_cast %add3A_394 : i32 to index
        %get3A_396 = tpu.vector_load %arg16[%get3A_395] {strides = array<i32>} : memref<2000xf32, #tpu.memory_space<vmem>>, vector<16xf32>,
        %gather3A_397 = tpu.vector_load_idx %arg6[%get3A_392] : memref<100000xf32, #tpu.memory_space<vmem>>[vector<16xi32>], vector<16xf32>,
        %mul3A_398 = arith.mulf %gather3A_397, %get3A_396 : vector<16xf32>
        %add3A_399 = arith.addf %add3A_388, %mul3A_398 : vector<16xf32>
        scf.yield %add3A_399 : vector<16xf32>
      }
      %add3A_332 = arith.constant 5 : i32
      %add3A_333 = arith.addi %mul3A_187, %add3A_332 : i32
      %add3A_334 = arith.constant 4 : i32
      %add3A_335 = arith.addi %add3A_333, %add3A_334 : i32
      %mul3A_336 = arith.constant 2000 : i32
      %mul3A_337 = arith.muli %add3A_335, %mul3A_336 : i32
      %add3A_338 = arith.addi %mul3A_2, %mul3A_337 : i32
      %dma_start3A_339 = tpu.memref_slice %arg4[%add3A_338] : memref<6400000xi32, #tpu.memory_space<hbm>> -> memref<2000xi32, #tpu.memory_space<hbm>>
      %dma_start3A_340 = tpu.memref_slice %arg4[%add3A_338] : memref<6400000xi32, #tpu.memory_space<hbm>> -> memref<2000xi32, #tpu.memory_space<hbm>>
      tpu.enqueue_dma source(%dma_start3A_340 : memref<2000xi32, #tpu.memory_space<hbm>>) target(%arg11 : memref<2000xi32, #tpu.memory_space<vmem>>) target_semaphore(%arg22 : memref<!tpu.dma_semaphore, #tpu.memory_space<semaphore_mem>>)
      %dma_start3A_341 = tpu.memref_slice %arg3[%add3A_338] : memref<6400000xf32, #tpu.memory_space<hbm>> -> memref<2000xf32, #tpu.memory_space<hbm>>
      %dma_start3A_342 = tpu.memref_slice %arg3[%add3A_338] : memref<6400000xf32, #tpu.memory_space<hbm>> -> memref<2000xf32, #tpu.memory_space<hbm>>
      tpu.enqueue_dma source(%dma_start3A_342 : memref<2000xf32, #tpu.memory_space<hbm>>) target(%arg16 : memref<2000xf32, #tpu.memory_space<vmem>>) target_semaphore(%arg22 : memref<!tpu.dma_semaphore, #tpu.memory_space<semaphore_mem>>)
      scf.yield %while3A_331 : vector<16xf32>
    }
    %while3A_81 = arith.constant 1 : i32
    %while3A_82 = scf.for %while3A_184 = %while3A_78 to %while3A_74 step %while3A_81 iter_args(%while3A_185 = %while3A_80) -> (vector<16xf32>)  : i32 {
      %mul3A_186 = arith.constant 5 : i32
      %mul3A_187 = arith.muli %mul3A_186, %while3A_184 : i32
      %dma_wait3A_188 = arith.constant 0 : i32
      %dma_wait3A_189 = tpu.memref_slice %arg4[%dma_wait3A_188] : memref<6400000xi32, #tpu.memory_space<hbm>> -> memref<2000xi32, #tpu.memory_space<hbm>>
      %dma_wait3A_190 = arith.constant 0 : i32
      %dma_wait3A_191 = tpu.memref_slice %arg4[%dma_wait3A_190] : memref<6400000xi32, #tpu.memory_space<hbm>> -> memref<2000xi32, #tpu.memory_space<hbm>>
      tpu.wait_dma2 semaphore(%arg18 : memref<!tpu.dma_semaphore, #tpu.memory_space<semaphore_mem>>) src(%dma_wait3A_191 : memref<2000xi32, #tpu.memory_space<hbm>>) dst(%arg7 : memref<2000xi32, #tpu.memory_space<vmem>>)
      %dma_wait3A_192 = arith.constant 0 : i32
      %dma_wait3A_193 = tpu.memref_slice %arg3[%dma_wait3A_192] : memref<6400000xf32, #tpu.memory_space<hbm>> -> memref<2000xf32, #tpu.memory_space<hbm>>
      %dma_wait3A_194 = arith.constant 0 : i32
      %dma_wait3A_195 = tpu.memref_slice %arg3[%dma_wait3A_194] : memref<6400000xf32, #tpu.memory_space<hbm>> -> memref<2000xf32, #tpu.memory_space<hbm>>
      tpu.wait_dma2 semaphore(%arg18 : memref<!tpu.dma_semaphore, #tpu.memory_space<semaphore_mem>>) src(%dma_wait3A_195 : memref<2000xf32, #tpu.memory_space<hbm>>) dst(%arg12 : memref<2000xf32, #tpu.memory_space<vmem>>)
      %while3A_196 = arith.constant 0 : i32
      %while3A_197 = arith.constant 25 : i32
      %while3A_198 = arith.subi %while3A_197, %while3A_196 : i32
      %while3A_199 = arith.addi %while3A_196, %while3A_198 : i32
      %while3A_200 = arith.constant 1 : i32
      %while3A_201 = arith.divsi %while3A_198, %while3A_200 : i32
      %while3A_202 = arith.muli %while3A_201, %while3A_200 : i32
      %while3A_203 = arith.addi %while3A_196, %while3A_202 : i32
      %while3A_204 = arith.constant 1 : i32
      %while3A_205 = scf.for %while3A_343 = %while3A_196 to %while3A_203 step %while3A_204 iter_args(%while3A_344 = %while3A_185) -> (vector<16xf32>)  : i32 {
        %mul3A_345 = arith.constant 80 : i32
        %mul3A_346 = arith.muli %while3A_343, %mul3A_345 : i32
        %add3A_347 = arith.constant 0 : i32
        %add3A_348 = arith.addi %mul3A_346, %add3A_347 : i32
        %get3A = arith.index_cast %add3A_348 : i32 to index
        %get3A_349 = tpu.vector_load %arg7[%get3A] {strides = array<i32>} : memref<2000xi32, #tpu.memory_space<vmem>>, vector<16xi32>,
        %add3A_350 = arith.constant 0 : i32
        %add3A_351 = arith.addi %mul3A_346, %add3A_350 : i32
        %get3A_352 = arith.index_cast %add3A_351 : i32 to index
        %get3A_353 = tpu.vector_load %arg12[%get3A_352] {strides = array<i32>} : memref<2000xf32, #tpu.memory_space<vmem>>, vector<16xf32>,
        %gather3A = tpu.vector_load_idx %arg6[%get3A_349] : memref<100000xf32, #tpu.memory_space<vmem>>[vector<16xi32>], vector<16xf32>,
        %mul3A_354 = arith.mulf %gather3A, %get3A_353 : vector<16xf32>
        %add3A_355 = arith.addf %while3A_344, %mul3A_354 : vector<16xf32>
        %add3A_356 = arith.constant 16 : i32
        %add3A_357 = arith.addi %mul3A_346, %add3A_356 : i32
        %get3A_358 = arith.index_cast %add3A_357 : i32 to index
        %get3A_359 = tpu.vector_load %arg7[%get3A_358] {strides = array<i32>} : memref<2000xi32, #tpu.memory_space<vmem>>, vector<16xi32>,
        %add3A_360 = arith.constant 16 : i32
        %add3A_361 = arith.addi %mul3A_346, %add3A_360 : i32
        %get3A_362 = arith.index_cast %add3A_361 : i32 to index
        %get3A_363 = tpu.vector_load %arg12[%get3A_362] {strides = array<i32>} : memref<2000xf32, #tpu.memory_space<vmem>>, vector<16xf32>,
        %gather3A_364 = tpu.vector_load_idx %arg6[%get3A_359] : memref<100000xf32, #tpu.memory_space<vmem>>[vector<16xi32>], vector<16xf32>,
        %mul3A_365 = arith.mulf %gather3A_364, %get3A_363 : vector<16xf32>
        %add3A_366 = arith.addf %add3A_355, %mul3A_365 : vector<16xf32>
        %add3A_367 = arith.constant 32 : i32
        %add3A_368 = arith.addi %mul3A_346, %add3A_367 : i32
        %get3A_369 = arith.index_cast %add3A_368 : i32 to index
        %get3A_370 = tpu.vector_load %arg7[%get3A_369] {strides = array<i32>} : memref<2000xi32, #tpu.memory_space<vmem>>, vector<16xi32>,
        %add3A_371 = arith.constant 32 : i32
        %add3A_372 = arith.addi %mul3A_346, %add3A_371 : i32
        %get3A_373 = arith.index_cast %add3A_372 : i32 to index
        %get3A_374 = tpu.vector_load %arg12[%get3A_373] {strides = array<i32>} : memref<2000xf32, #tpu.memory_space<vmem>>, vector<16xf32>,
        %gather3A_375 = tpu.vector_load_idx %arg6[%get3A_370] : memref<100000xf32, #tpu.memory_space<vmem>>[vector<16xi32>], vector<16xf32>,
        %mul3A_376 = arith.mulf %gather3A_375, %get3A_374 : vector<16xf32>
        %add3A_377 = arith.addf %add3A_366, %mul3A_376 : vector<16xf32>
        %add3A_378 = arith.constant 48 : i32
        %add3A_379 = arith.addi %mul3A_346, %add3A_378 : i32
        %get3A_380 = arith.index_cast %add3A_379 : i32 to index
        %get3A_381 = tpu.vector_load %arg7[%get3A_380] {strides = array<i32>} : memref<2000xi32, #tpu.memory_space<vmem>>, vector<16xi32>,
        %add3A_382 = arith.constant 48 : i32
        %add3A_383 = arith.addi %mul3A_346, %add3A_382 : i32
        %get3A_384 = arith.index_cast %add3A_383 : i32 to index
        %get3A_385 = tpu.vector_load %arg12[%get3A_384] {strides = array<i32>} : memref<2000xf32, #tpu.memory_space<vmem>>, vector<16xf32>,
        %gather3A_386 = tpu.vector_load_idx %arg6[%get3A_381] : memref<100000xf32, #tpu.memory_space<vmem>>[vector<16xi32>], vector<16xf32>,
        %mul3A_387 = arith.mulf %gather3A_386, %get3A_385 : vector<16xf32>
        %add3A_388 = arith.addf %add3A_377, %mul3A_387 : vector<16xf32>
        %add3A_389 = arith.constant 64 : i32
        %add3A_390 = arith.addi %mul3A_346, %add3A_389 : i32
        %get3A_391 = arith.index_cast %add3A_390 : i32 to index
        %get3A_392 = tpu.vector_load %arg7[%get3A_391] {strides = array<i32>} : memref<2000xi32, #tpu.memory_space<vmem>>, vector<16xi32>,
        %add3A_393 = arith.constant 64 : i32
        %add3A_394 = arith.addi %mul3A_346, %add3A_393 : i32
        %get3A_395 = arith.index_cast %add3A_394 : i32 to index
        %get3A_396 = tpu.vector_load %arg12[%get3A_395] {strides = array<i32>} : memref<2000xf32, #tpu.memory_space<vmem>>, vector<16xf32>,
        %gather3A_397 = tpu.vector_load_idx %arg6[%get3A_392] : memref<100000xf32, #tpu.memory_space<vmem>>[vector<16xi32>], vector<16xf32>,
        %mul3A_398 = arith.mulf %gather3A_397, %get3A_396 : vector<16xf32>
        %add3A_399 = arith.addf %add3A_388, %mul3A_398 : vector<16xf32>
        scf.yield %add3A_399 : vector<16xf32>
      }
      %while3A_206 = arith.constant 1 : i32
      %while3A_207 = scf.for %while3A_343 = %while3A_203 to %while3A_199 step %while3A_206 iter_args(%while3A_344 = %while3A_205) -> (vector<16xf32>)  : i32 {
        %mul3A_345 = arith.constant 80 : i32
        %mul3A_346 = arith.muli %while3A_343, %mul3A_345 : i32
        %add3A_347 = arith.constant 0 : i32
        %add3A_348 = arith.addi %mul3A_346, %add3A_347 : i32
        %get3A = arith.index_cast %add3A_348 : i32 to index
        %get3A_349 = tpu.vector_load %arg7[%get3A] {strides = array<i32>} : memref<2000xi32, #tpu.memory_space<vmem>>, vector<16xi32>,
        %add3A_350 = arith.constant 0 : i32
        %add3A_351 = arith.addi %mul3A_346, %add3A_350 : i32
        %get3A_352 = arith.index_cast %add3A_351 : i32 to index
        %get3A_353 = tpu.vector_load %arg12[%get3A_352] {strides = array<i32>} : memref<2000xf32, #tpu.memory_space<vmem>>, vector<16xf32>,
        %gather3A = tpu.vector_load_idx %arg6[%get3A_349] : memref<100000xf32, #tpu.memory_space<vmem>>[vector<16xi32>], vector<16xf32>,
        %mul3A_354 = arith.mulf %gather3A, %get3A_353 : vector<16xf32>
        %add3A_355 = arith.addf %while3A_344, %mul3A_354 : vector<16xf32>
        %add3A_356 = arith.constant 16 : i32
        %add3A_357 = arith.addi %mul3A_346, %add3A_356 : i32
        %get3A_358 = arith.index_cast %add3A_357 : i32 to index
        %get3A_359 = tpu.vector_load %arg7[%get3A_358] {strides = array<i32>} : memref<2000xi32, #tpu.memory_space<vmem>>, vector<16xi32>,
        %add3A_360 = arith.constant 16 : i32
        %add3A_361 = arith.addi %mul3A_346, %add3A_360 : i32
        %get3A_362 = arith.index_cast %add3A_361 : i32 to index
        %get3A_363 = tpu.vector_load %arg12[%get3A_362] {strides = array<i32>} : memref<2000xf32, #tpu.memory_space<vmem>>, vector<16xf32>,
        %gather3A_364 = tpu.vector_load_idx %arg6[%get3A_359] : memref<100000xf32, #tpu.memory_space<vmem>>[vector<16xi32>], vector<16xf32>,
        %mul3A_365 = arith.mulf %gather3A_364, %get3A_363 : vector<16xf32>
        %add3A_366 = arith.addf %add3A_355, %mul3A_365 : vector<16xf32>
        %add3A_367 = arith.constant 32 : i32
        %add3A_368 = arith.addi %mul3A_346, %add3A_367 : i32
        %get3A_369 = arith.index_cast %add3A_368 : i32 to index
        %get3A_370 = tpu.vector_load %arg7[%get3A_369] {strides = array<i32>} : memref<2000xi32, #tpu.memory_space<vmem>>, vector<16xi32>,
        %add3A_371 = arith.constant 32 : i32
        %add3A_372 = arith.addi %mul3A_346, %add3A_371 : i32
        %get3A_373 = arith.index_cast %add3A_372 : i32 to index
        %get3A_374 = tpu.vector_load %arg12[%get3A_373] {strides = array<i32>} : memref<2000xf32, #tpu.memory_space<vmem>>, vector<16xf32>,
        %gather3A_375 = tpu.vector_load_idx %arg6[%get3A_370] : memref<100000xf32, #tpu.memory_space<vmem>>[vector<16xi32>], vector<16xf32>,
        %mul3A_376 = arith.mulf %gather3A_375, %get3A_374 : vector<16xf32>
        %add3A_377 = arith.addf %add3A_366, %mul3A_376 : vector<16xf32>
        %add3A_378 = arith.constant 48 : i32
        %add3A_379 = arith.addi %mul3A_346, %add3A_378 : i32
        %get3A_380 = arith.index_cast %add3A_379 : i32 to index
        %get3A_381 = tpu.vector_load %arg7[%get3A_380] {strides = array<i32>} : memref<2000xi32, #tpu.memory_space<vmem>>, vector<16xi32>,
        %add3A_382 = arith.constant 48 : i32
        %add3A_383 = arith.addi %mul3A_346, %add3A_382 : i32
        %get3A_384 = arith.index_cast %add3A_383 : i32 to index
        %get3A_385 = tpu.vector_load %arg12[%get3A_384] {strides = array<i32>} : memref<2000xf32, #tpu.memory_space<vmem>>, vector<16xf32>,
        %gather3A_386 = tpu.vector_load_idx %arg6[%get3A_381] : memref<100000xf32, #tpu.memory_space<vmem>>[vector<16xi32>], vector<16xf32>,
        %mul3A_387 = arith.mulf %gather3A_386, %get3A_385 : vector<16xf32>
        %add3A_388 = arith.addf %add3A_377, %mul3A_387 : vector<16xf32>
        %add3A_389 = arith.constant 64 : i32
        %add3A_390 = arith.addi %mul3A_346, %add3A_389 : i32
        %get3A_391 = arith.index_cast %add3A_390 : i32 to index
        %get3A_392 = tpu.vector_load %arg7[%get3A_391] {strides = array<i32>} : memref<2000xi32, #tpu.memory_space<vmem>>, vector<16xi32>,
        %add3A_393 = arith.constant 64 : i32
        %add3A_394 = arith.addi %mul3A_346, %add3A_393 : i32
        %get3A_395 = arith.index_cast %add3A_394 : i32 to index
        %get3A_396 = tpu.vector_load %arg12[%get3A_395] {strides = array<i32>} : memref<2000xf32, #tpu.memory_space<vmem>>, vector<16xf32>,
        %gather3A_397 = tpu.vector_load_idx %arg6[%get3A_392] : memref<100000xf32, #tpu.memory_space<vmem>>[vector<16xi32>], vector<16xf32>,
        %mul3A_398 = arith.mulf %gather3A_397, %get3A_396 : vector<16xf32>
        %add3A_399 = arith.addf %add3A_388, %mul3A_398 : vector<16xf32>
        scf.yield %add3A_399 : vector<16xf32>
      }
      %add3A_208 = arith.constant 5 : i32
      %add3A_209 = arith.addi %mul3A_187, %add3A_208 : i32
      %add3A_210 = arith.constant 0 : i32
      %add3A_211 = arith.addi %add3A_209, %add3A_210 : i32
      %mul3A_212 = arith.constant 2000 : i32
      %mul3A_213 = arith.muli %add3A_211, %mul3A_212 : i32
      %add3A_214 = arith.addi %mul3A_2, %mul3A_213 : i32
      %dma_start3A_215 = tpu.memref_slice %arg4[%add3A_214] : memref<6400000xi32, #tpu.memory_space<hbm>> -> memref<2000xi32, #tpu.memory_space<hbm>>
      %dma_start3A_216 = tpu.memref_slice %arg4[%add3A_214] : memref<6400000xi32, #tpu.memory_space<hbm>> -> memref<2000xi32, #tpu.memory_space<hbm>>
      tpu.enqueue_dma source(%dma_start3A_216 : memref<2000xi32, #tpu.memory_space<hbm>>) target(%arg7 : memref<2000xi32, #tpu.memory_space<vmem>>) target_semaphore(%arg18 : memref<!tpu.dma_semaphore, #tpu.memory_space<semaphore_mem>>)
      %dma_start3A_217 = tpu.memref_slice %arg3[%add3A_214] : memref<6400000xf32, #tpu.memory_space<hbm>> -> memref<2000xf32, #tpu.memory_space<hbm>>
      %dma_start3A_218 = tpu.memref_slice %arg3[%add3A_214] : memref<6400000xf32, #tpu.memory_space<hbm>> -> memref<2000xf32, #tpu.memory_space<hbm>>
      tpu.enqueue_dma source(%dma_start3A_218 : memref<2000xf32, #tpu.memory_space<hbm>>) target(%arg12 : memref<2000xf32, #tpu.memory_space<vmem>>) target_semaphore(%arg18 : memref<!tpu.dma_semaphore, #tpu.memory_space<semaphore_mem>>)
      %dma_wait3A_219 = arith.constant 0 : i32
      %dma_wait3A_220 = tpu.memref_slice %arg4[%dma_wait3A_219] : memref<6400000xi32, #tpu.memory_space<hbm>> -> memref<2000xi32, #tpu.memory_space<hbm>>
      %dma_wait3A_221 = arith.constant 0 : i32
      %dma_wait3A_222 = tpu.memref_slice %arg4[%dma_wait3A_221] : memref<6400000xi32, #tpu.memory_space<hbm>> -> memref<2000xi32, #tpu.memory_space<hbm>>
      tpu.wait_dma2 semaphore(%arg19 : memref<!tpu.dma_semaphore, #tpu.memory_space<semaphore_mem>>) src(%dma_wait3A_222 : memref<2000xi32, #tpu.memory_space<hbm>>) dst(%arg8 : memref<2000xi32, #tpu.memory_space<vmem>>)
      %dma_wait3A_223 = arith.constant 0 : i32
      %dma_wait3A_224 = tpu.memref_slice %arg3[%dma_wait3A_223] : memref<6400000xf32, #tpu.memory_space<hbm>> -> memref<2000xf32, #tpu.memory_space<hbm>>
      %dma_wait3A_225 = arith.constant 0 : i32
      %dma_wait3A_226 = tpu.memref_slice %arg3[%dma_wait3A_225] : memref<6400000xf32, #tpu.memory_space<hbm>> -> memref<2000xf32, #tpu.memory_space<hbm>>
      tpu.wait_dma2 semaphore(%arg19 : memref<!tpu.dma_semaphore, #tpu.memory_space<semaphore_mem>>) src(%dma_wait3A_226 : memref<2000xf32, #tpu.memory_space<hbm>>) dst(%arg13 : memref<2000xf32, #tpu.memory_space<vmem>>)
      %while3A_227 = arith.constant 0 : i32
      %while3A_228 = arith.constant 25 : i32
      %while3A_229 = arith.subi %while3A_228, %while3A_227 : i32
      %while3A_230 = arith.addi %while3A_227, %while3A_229 : i32
      %while3A_231 = arith.constant 1 : i32
      %while3A_232 = arith.divsi %while3A_229, %while3A_231 : i32
      %while3A_233 = arith.muli %while3A_232, %while3A_231 : i32
      %while3A_234 = arith.addi %while3A_227, %while3A_233 : i32
      %while3A_235 = arith.constant 1 : i32
      %while3A_236 = scf.for %while3A_343 = %while3A_227 to %while3A_234 step %while3A_235 iter_args(%while3A_344 = %while3A_207) -> (vector<16xf32>)  : i32 {
        %mul3A_345 = arith.constant 80 : i32
        %mul3A_346 = arith.muli %while3A_343, %mul3A_345 : i32
        %add3A_347 = arith.constant 0 : i32
        %add3A_348 = arith.addi %mul3A_346, %add3A_347 : i32
        %get3A = arith.index_cast %add3A_348 : i32 to index
        %get3A_349 = tpu.vector_load %arg8[%get3A] {strides = array<i32>} : memref<2000xi32, #tpu.memory_space<vmem>>, vector<16xi32>,
        %add3A_350 = arith.constant 0 : i32
        %add3A_351 = arith.addi %mul3A_346, %add3A_350 : i32
        %get3A_352 = arith.index_cast %add3A_351 : i32 to index
        %get3A_353 = tpu.vector_load %arg13[%get3A_352] {strides = array<i32>} : memref<2000xf32, #tpu.memory_space<vmem>>, vector<16xf32>,
        %gather3A = tpu.vector_load_idx %arg6[%get3A_349] : memref<100000xf32, #tpu.memory_space<vmem>>[vector<16xi32>], vector<16xf32>,
        %mul3A_354 = arith.mulf %gather3A, %get3A_353 : vector<16xf32>
        %add3A_355 = arith.addf %while3A_344, %mul3A_354 : vector<16xf32>
        %add3A_356 = arith.constant 16 : i32
        %add3A_357 = arith.addi %mul3A_346, %add3A_356 : i32
        %get3A_358 = arith.index_cast %add3A_357 : i32 to index
        %get3A_359 = tpu.vector_load %arg8[%get3A_358] {strides = array<i32>} : memref<2000xi32, #tpu.memory_space<vmem>>, vector<16xi32>,
        %add3A_360 = arith.constant 16 : i32
        %add3A_361 = arith.addi %mul3A_346, %add3A_360 : i32
        %get3A_362 = arith.index_cast %add3A_361 : i32 to index
        %get3A_363 = tpu.vector_load %arg13[%get3A_362] {strides = array<i32>} : memref<2000xf32, #tpu.memory_space<vmem>>, vector<16xf32>,
        %gather3A_364 = tpu.vector_load_idx %arg6[%get3A_359] : memref<100000xf32, #tpu.memory_space<vmem>>[vector<16xi32>], vector<16xf32>,
        %mul3A_365 = arith.mulf %gather3A_364, %get3A_363 : vector<16xf32>
        %add3A_366 = arith.addf %add3A_355, %mul3A_365 : vector<16xf32>
        %add3A_367 = arith.constant 32 : i32
        %add3A_368 = arith.addi %mul3A_346, %add3A_367 : i32
        %get3A_369 = arith.index_cast %add3A_368 : i32 to index
        %get3A_370 = tpu.vector_load %arg8[%get3A_369] {strides = array<i32>} : memref<2000xi32, #tpu.memory_space<vmem>>, vector<16xi32>,
        %add3A_371 = arith.constant 32 : i32
        %add3A_372 = arith.addi %mul3A_346, %add3A_371 : i32
        %get3A_373 = arith.index_cast %add3A_372 : i32 to index
        %get3A_374 = tpu.vector_load %arg13[%get3A_373] {strides = array<i32>} : memref<2000xf32, #tpu.memory_space<vmem>>, vector<16xf32>,
        %gather3A_375 = tpu.vector_load_idx %arg6[%get3A_370] : memref<100000xf32, #tpu.memory_space<vmem>>[vector<16xi32>], vector<16xf32>,
        %mul3A_376 = arith.mulf %gather3A_375, %get3A_374 : vector<16xf32>
        %add3A_377 = arith.addf %add3A_366, %mul3A_376 : vector<16xf32>
        %add3A_378 = arith.constant 48 : i32
        %add3A_379 = arith.addi %mul3A_346, %add3A_378 : i32
        %get3A_380 = arith.index_cast %add3A_379 : i32 to index
        %get3A_381 = tpu.vector_load %arg8[%get3A_380] {strides = array<i32>} : memref<2000xi32, #tpu.memory_space<vmem>>, vector<16xi32>,
        %add3A_382 = arith.constant 48 : i32
        %add3A_383 = arith.addi %mul3A_346, %add3A_382 : i32
        %get3A_384 = arith.index_cast %add3A_383 : i32 to index
        %get3A_385 = tpu.vector_load %arg13[%get3A_384] {strides = array<i32>} : memref<2000xf32, #tpu.memory_space<vmem>>, vector<16xf32>,
        %gather3A_386 = tpu.vector_load_idx %arg6[%get3A_381] : memref<100000xf32, #tpu.memory_space<vmem>>[vector<16xi32>], vector<16xf32>,
        %mul3A_387 = arith.mulf %gather3A_386, %get3A_385 : vector<16xf32>
        %add3A_388 = arith.addf %add3A_377, %mul3A_387 : vector<16xf32>
        %add3A_389 = arith.constant 64 : i32
        %add3A_390 = arith.addi %mul3A_346, %add3A_389 : i32
        %get3A_391 = arith.index_cast %add3A_390 : i32 to index
        %get3A_392 = tpu.vector_load %arg8[%get3A_391] {strides = array<i32>} : memref<2000xi32, #tpu.memory_space<vmem>>, vector<16xi32>,
        %add3A_393 = arith.constant 64 : i32
        %add3A_394 = arith.addi %mul3A_346, %add3A_393 : i32
        %get3A_395 = arith.index_cast %add3A_394 : i32 to index
        %get3A_396 = tpu.vector_load %arg13[%get3A_395] {strides = array<i32>} : memref<2000xf32, #tpu.memory_space<vmem>>, vector<16xf32>,
        %gather3A_397 = tpu.vector_load_idx %arg6[%get3A_392] : memref<100000xf32, #tpu.memory_space<vmem>>[vector<16xi32>], vector<16xf32>,
        %mul3A_398 = arith.mulf %gather3A_397, %get3A_396 : vector<16xf32>
        %add3A_399 = arith.addf %add3A_388, %mul3A_398 : vector<16xf32>
        scf.yield %add3A_399 : vector<16xf32>
      }
      %while3A_237 = arith.constant 1 : i32
      %while3A_238 = scf.for %while3A_343 = %while3A_234 to %while3A_230 step %while3A_237 iter_args(%while3A_344 = %while3A_236) -> (vector<16xf32>)  : i32 {
        %mul3A_345 = arith.constant 80 : i32
        %mul3A_346 = arith.muli %while3A_343, %mul3A_345 : i32
        %add3A_347 = arith.constant 0 : i32
        %add3A_348 = arith.addi %mul3A_346, %add3A_347 : i32
        %get3A = arith.index_cast %add3A_348 : i32 to index
        %get3A_349 = tpu.vector_load %arg8[%get3A] {strides = array<i32>} : memref<2000xi32, #tpu.memory_space<vmem>>, vector<16xi32>,
        %add3A_350 = arith.constant 0 : i32
        %add3A_351 = arith.addi %mul3A_346, %add3A_350 : i32
        %get3A_352 = arith.index_cast %add3A_351 : i32 to index
        %get3A_353 = tpu.vector_load %arg13[%get3A_352] {strides = array<i32>} : memref<2000xf32, #tpu.memory_space<vmem>>, vector<16xf32>,
        %gather3A = tpu.vector_load_idx %arg6[%get3A_349] : memref<100000xf32, #tpu.memory_space<vmem>>[vector<16xi32>], vector<16xf32>,
        %mul3A_354 = arith.mulf %gather3A, %get3A_353 : vector<16xf32>
        %add3A_355 = arith.addf %while3A_344, %mul3A_354 : vector<16xf32>
        %add3A_356 = arith.constant 16 : i32
        %add3A_357 = arith.addi %mul3A_346, %add3A_356 : i32
        %get3A_358 = arith.index_cast %add3A_357 : i32 to index
        %get3A_359 = tpu.vector_load %arg8[%get3A_358] {strides = array<i32>} : memref<2000xi32, #tpu.memory_space<vmem>>, vector<16xi32>,
        %add3A_360 = arith.constant 16 : i32
        %add3A_361 = arith.addi %mul3A_346, %add3A_360 : i32
        %get3A_362 = arith.index_cast %add3A_361 : i32 to index
        %get3A_363 = tpu.vector_load %arg13[%get3A_362] {strides = array<i32>} : memref<2000xf32, #tpu.memory_space<vmem>>, vector<16xf32>,
        %gather3A_364 = tpu.vector_load_idx %arg6[%get3A_359] : memref<100000xf32, #tpu.memory_space<vmem>>[vector<16xi32>], vector<16xf32>,
        %mul3A_365 = arith.mulf %gather3A_364, %get3A_363 : vector<16xf32>
        %add3A_366 = arith.addf %add3A_355, %mul3A_365 : vector<16xf32>
        %add3A_367 = arith.constant 32 : i32
        %add3A_368 = arith.addi %mul3A_346, %add3A_367 : i32
        %get3A_369 = arith.index_cast %add3A_368 : i32 to index
        %get3A_370 = tpu.vector_load %arg8[%get3A_369] {strides = array<i32>} : memref<2000xi32, #tpu.memory_space<vmem>>, vector<16xi32>,
        %add3A_371 = arith.constant 32 : i32
        %add3A_372 = arith.addi %mul3A_346, %add3A_371 : i32
        %get3A_373 = arith.index_cast %add3A_372 : i32 to index
        %get3A_374 = tpu.vector_load %arg13[%get3A_373] {strides = array<i32>} : memref<2000xf32, #tpu.memory_space<vmem>>, vector<16xf32>,
        %gather3A_375 = tpu.vector_load_idx %arg6[%get3A_370] : memref<100000xf32, #tpu.memory_space<vmem>>[vector<16xi32>], vector<16xf32>,
        %mul3A_376 = arith.mulf %gather3A_375, %get3A_374 : vector<16xf32>
        %add3A_377 = arith.addf %add3A_366, %mul3A_376 : vector<16xf32>
        %add3A_378 = arith.constant 48 : i32
        %add3A_379 = arith.addi %mul3A_346, %add3A_378 : i32
        %get3A_380 = arith.index_cast %add3A_379 : i32 to index
        %get3A_381 = tpu.vector_load %arg8[%get3A_380] {strides = array<i32>} : memref<2000xi32, #tpu.memory_space<vmem>>, vector<16xi32>,
        %add3A_382 = arith.constant 48 : i32
        %add3A_383 = arith.addi %mul3A_346, %add3A_382 : i32
        %get3A_384 = arith.index_cast %add3A_383 : i32 to index
        %get3A_385 = tpu.vector_load %arg13[%get3A_384] {strides = array<i32>} : memref<2000xf32, #tpu.memory_space<vmem>>, vector<16xf32>,
        %gather3A_386 = tpu.vector_load_idx %arg6[%get3A_381] : memref<100000xf32, #tpu.memory_space<vmem>>[vector<16xi32>], vector<16xf32>,
        %mul3A_387 = arith.mulf %gather3A_386, %get3A_385 : vector<16xf32>
        %add3A_388 = arith.addf %add3A_377, %mul3A_387 : vector<16xf32>
        %add3A_389 = arith.constant 64 : i32
        %add3A_390 = arith.addi %mul3A_346, %add3A_389 : i32
        %get3A_391 = arith.index_cast %add3A_390 : i32 to index
        %get3A_392 = tpu.vector_load %arg8[%get3A_391] {strides = array<i32>} : memref<2000xi32, #tpu.memory_space<vmem>>, vector<16xi32>,
        %add3A_393 = arith.constant 64 : i32
        %add3A_394 = arith.addi %mul3A_346, %add3A_393 : i32
        %get3A_395 = arith.index_cast %add3A_394 : i32 to index
        %get3A_396 = tpu.vector_load %arg13[%get3A_395] {strides = array<i32>} : memref<2000xf32, #tpu.memory_space<vmem>>, vector<16xf32>,
        %gather3A_397 = tpu.vector_load_idx %arg6[%get3A_392] : memref<100000xf32, #tpu.memory_space<vmem>>[vector<16xi32>], vector<16xf32>,
        %mul3A_398 = arith.mulf %gather3A_397, %get3A_396 : vector<16xf32>
        %add3A_399 = arith.addf %add3A_388, %mul3A_398 : vector<16xf32>
        scf.yield %add3A_399 : vector<16xf32>
      }
      %add3A_239 = arith.constant 5 : i32
      %add3A_240 = arith.addi %mul3A_187, %add3A_239 : i32
      %add3A_241 = arith.constant 1 : i32
      %add3A_242 = arith.addi %add3A_240, %add3A_241 : i32
      %mul3A_243 = arith.constant 2000 : i32
      %mul3A_244 = arith.muli %add3A_242, %mul3A_243 : i32
      %add3A_245 = arith.addi %mul3A_2, %mul3A_244 : i32
      %dma_start3A_246 = tpu.memref_slice %arg4[%add3A_245] : memref<6400000xi32, #tpu.memory_space<hbm>> -> memref<2000xi32, #tpu.memory_space<hbm>>
      %dma_start3A_247 = tpu.memref_slice %arg4[%add3A_245] : memref<6400000xi32, #tpu.memory_space<hbm>> -> memref<2000xi32, #tpu.memory_space<hbm>>
      tpu.enqueue_dma source(%dma_start3A_247 : memref<2000xi32, #tpu.memory_space<hbm>>) target(%arg8 : memref<2000xi32, #tpu.memory_space<vmem>>) target_semaphore(%arg19 : memref<!tpu.dma_semaphore, #tpu.memory_space<semaphore_mem>>)
      %dma_start3A_248 = tpu.memref_slice %arg3[%add3A_245] : memref<6400000xf32, #tpu.memory_space<hbm>> -> memref<2000xf32, #tpu.memory_space<hbm>>
      %dma_start3A_249 = tpu.memref_slice %arg3[%add3A_245] : memref<6400000xf32, #tpu.memory_space<hbm>> -> memref<2000xf32, #tpu.memory_space<hbm>>
      tpu.enqueue_dma source(%dma_start3A_249 : memref<2000xf32, #tpu.memory_space<hbm>>) target(%arg13 : memref<2000xf32, #tpu.memory_space<vmem>>) target_semaphore(%arg19 : memref<!tpu.dma_semaphore, #tpu.memory_space<semaphore_mem>>)
      %dma_wait3A_250 = arith.constant 0 : i32
      %dma_wait3A_251 = tpu.memref_slice %arg4[%dma_wait3A_250] : memref<6400000xi32, #tpu.memory_space<hbm>> -> memref<2000xi32, #tpu.memory_space<hbm>>
      %dma_wait3A_252 = arith.constant 0 : i32
      %dma_wait3A_253 = tpu.memref_slice %arg4[%dma_wait3A_252] : memref<6400000xi32, #tpu.memory_space<hbm>> -> memref<2000xi32, #tpu.memory_space<hbm>>
      tpu.wait_dma2 semaphore(%arg20 : memref<!tpu.dma_semaphore, #tpu.memory_space<semaphore_mem>>) src(%dma_wait3A_253 : memref<2000xi32, #tpu.memory_space<hbm>>) dst(%arg9 : memref<2000xi32, #tpu.memory_space<vmem>>)
      %dma_wait3A_254 = arith.constant 0 : i32
      %dma_wait3A_255 = tpu.memref_slice %arg3[%dma_wait3A_254] : memref<6400000xf32, #tpu.memory_space<hbm>> -> memref<2000xf32, #tpu.memory_space<hbm>>
      %dma_wait3A_256 = arith.constant 0 : i32
      %dma_wait3A_257 = tpu.memref_slice %arg3[%dma_wait3A_256] : memref<6400000xf32, #tpu.memory_space<hbm>> -> memref<2000xf32, #tpu.memory_space<hbm>>
      tpu.wait_dma2 semaphore(%arg20 : memref<!tpu.dma_semaphore, #tpu.memory_space<semaphore_mem>>) src(%dma_wait3A_257 : memref<2000xf32, #tpu.memory_space<hbm>>) dst(%arg14 : memref<2000xf32, #tpu.memory_space<vmem>>)
      %while3A_258 = arith.constant 0 : i32
      %while3A_259 = arith.constant 25 : i32
      %while3A_260 = arith.subi %while3A_259, %while3A_258 : i32
      %while3A_261 = arith.addi %while3A_258, %while3A_260 : i32
      %while3A_262 = arith.constant 1 : i32
      %while3A_263 = arith.divsi %while3A_260, %while3A_262 : i32
      %while3A_264 = arith.muli %while3A_263, %while3A_262 : i32
      %while3A_265 = arith.addi %while3A_258, %while3A_264 : i32
      %while3A_266 = arith.constant 1 : i32
      %while3A_267 = scf.for %while3A_343 = %while3A_258 to %while3A_265 step %while3A_266 iter_args(%while3A_344 = %while3A_238) -> (vector<16xf32>)  : i32 {
        %mul3A_345 = arith.constant 80 : i32
        %mul3A_346 = arith.muli %while3A_343, %mul3A_345 : i32
        %add3A_347 = arith.constant 0 : i32
        %add3A_348 = arith.addi %mul3A_346, %add3A_347 : i32
        %get3A = arith.index_cast %add3A_348 : i32 to index
        %get3A_349 = tpu.vector_load %arg9[%get3A] {strides = array<i32>} : memref<2000xi32, #tpu.memory_space<vmem>>, vector<16xi32>,
        %add3A_350 = arith.constant 0 : i32
        %add3A_351 = arith.addi %mul3A_346, %add3A_350 : i32
        %get3A_352 = arith.index_cast %add3A_351 : i32 to index
        %get3A_353 = tpu.vector_load %arg14[%get3A_352] {strides = array<i32>} : memref<2000xf32, #tpu.memory_space<vmem>>, vector<16xf32>,
        %gather3A = tpu.vector_load_idx %arg6[%get3A_349] : memref<100000xf32, #tpu.memory_space<vmem>>[vector<16xi32>], vector<16xf32>,
        %mul3A_354 = arith.mulf %gather3A, %get3A_353 : vector<16xf32>
        %add3A_355 = arith.addf %while3A_344, %mul3A_354 : vector<16xf32>
        %add3A_356 = arith.constant 16 : i32
        %add3A_357 = arith.addi %mul3A_346, %add3A_356 : i32
        %get3A_358 = arith.index_cast %add3A_357 : i32 to index
        %get3A_359 = tpu.vector_load %arg9[%get3A_358] {strides = array<i32>} : memref<2000xi32, #tpu.memory_space<vmem>>, vector<16xi32>,
        %add3A_360 = arith.constant 16 : i32
        %add3A_361 = arith.addi %mul3A_346, %add3A_360 : i32
        %get3A_362 = arith.index_cast %add3A_361 : i32 to index
        %get3A_363 = tpu.vector_load %arg14[%get3A_362] {strides = array<i32>} : memref<2000xf32, #tpu.memory_space<vmem>>, vector<16xf32>,
        %gather3A_364 = tpu.vector_load_idx %arg6[%get3A_359] : memref<100000xf32, #tpu.memory_space<vmem>>[vector<16xi32>], vector<16xf32>,
        %mul3A_365 = arith.mulf %gather3A_364, %get3A_363 : vector<16xf32>
        %add3A_366 = arith.addf %add3A_355, %mul3A_365 : vector<16xf32>
        %add3A_367 = arith.constant 32 : i32
        %add3A_368 = arith.addi %mul3A_346, %add3A_367 : i32
        %get3A_369 = arith.index_cast %add3A_368 : i32 to index
        %get3A_370 = tpu.vector_load %arg9[%get3A_369] {strides = array<i32>} : memref<2000xi32, #tpu.memory_space<vmem>>, vector<16xi32>,
        %add3A_371 = arith.constant 32 : i32
        %add3A_372 = arith.addi %mul3A_346, %add3A_371 : i32
        %get3A_373 = arith.index_cast %add3A_372 : i32 to index
        %get3A_374 = tpu.vector_load %arg14[%get3A_373] {strides = array<i32>} : memref<2000xf32, #tpu.memory_space<vmem>>, vector<16xf32>,
        %gather3A_375 = tpu.vector_load_idx %arg6[%get3A_370] : memref<100000xf32, #tpu.memory_space<vmem>>[vector<16xi32>], vector<16xf32>,
        %mul3A_376 = arith.mulf %gather3A_375, %get3A_374 : vector<16xf32>
        %add3A_377 = arith.addf %add3A_366, %mul3A_376 : vector<16xf32>
        %add3A_378 = arith.constant 48 : i32
        %add3A_379 = arith.addi %mul3A_346, %add3A_378 : i32
        %get3A_380 = arith.index_cast %add3A_379 : i32 to index
        %get3A_381 = tpu.vector_load %arg9[%get3A_380] {strides = array<i32>} : memref<2000xi32, #tpu.memory_space<vmem>>, vector<16xi32>,
        %add3A_382 = arith.constant 48 : i32
        %add3A_383 = arith.addi %mul3A_346, %add3A_382 : i32
        %get3A_384 = arith.index_cast %add3A_383 : i32 to index
        %get3A_385 = tpu.vector_load %arg14[%get3A_384] {strides = array<i32>} : memref<2000xf32, #tpu.memory_space<vmem>>, vector<16xf32>,
        %gather3A_386 = tpu.vector_load_idx %arg6[%get3A_381] : memref<100000xf32, #tpu.memory_space<vmem>>[vector<16xi32>], vector<16xf32>,
        %mul3A_387 = arith.mulf %gather3A_386, %get3A_385 : vector<16xf32>
        %add3A_388 = arith.addf %add3A_377, %mul3A_387 : vector<16xf32>
        %add3A_389 = arith.constant 64 : i32
        %add3A_390 = arith.addi %mul3A_346, %add3A_389 : i32
        %get3A_391 = arith.index_cast %add3A_390 : i32 to index
        %get3A_392 = tpu.vector_load %arg9[%get3A_391] {strides = array<i32>} : memref<2000xi32, #tpu.memory_space<vmem>>, vector<16xi32>,
        %add3A_393 = arith.constant 64 : i32
        %add3A_394 = arith.addi %mul3A_346, %add3A_393 : i32
        %get3A_395 = arith.index_cast %add3A_394 : i32 to index
        %get3A_396 = tpu.vector_load %arg14[%get3A_395] {strides = array<i32>} : memref<2000xf32, #tpu.memory_space<vmem>>, vector<16xf32>,
        %gather3A_397 = tpu.vector_load_idx %arg6[%get3A_392] : memref<100000xf32, #tpu.memory_space<vmem>>[vector<16xi32>], vector<16xf32>,
        %mul3A_398 = arith.mulf %gather3A_397, %get3A_396 : vector<16xf32>
        %add3A_399 = arith.addf %add3A_388, %mul3A_398 : vector<16xf32>
        scf.yield %add3A_399 : vector<16xf32>
      }
      %while3A_268 = arith.constant 1 : i32
      %while3A_269 = scf.for %while3A_343 = %while3A_265 to %while3A_261 step %while3A_268 iter_args(%while3A_344 = %while3A_267) -> (vector<16xf32>)  : i32 {
        %mul3A_345 = arith.constant 80 : i32
        %mul3A_346 = arith.muli %while3A_343, %mul3A_345 : i32
        %add3A_347 = arith.constant 0 : i32
        %add3A_348 = arith.addi %mul3A_346, %add3A_347 : i32
        %get3A = arith.index_cast %add3A_348 : i32 to index
        %get3A_349 = tpu.vector_load %arg9[%get3A] {strides = array<i32>} : memref<2000xi32, #tpu.memory_space<vmem>>, vector<16xi32>,
        %add3A_350 = arith.constant 0 : i32
        %add3A_351 = arith.addi %mul3A_346, %add3A_350 : i32
        %get3A_352 = arith.index_cast %add3A_351 : i32 to index
        %get3A_353 = tpu.vector_load %arg14[%get3A_352] {strides = array<i32>} : memref<2000xf32, #tpu.memory_space<vmem>>, vector<16xf32>,
        %gather3A = tpu.vector_load_idx %arg6[%get3A_349] : memref<100000xf32, #tpu.memory_space<vmem>>[vector<16xi32>], vector<16xf32>,
        %mul3A_354 = arith.mulf %gather3A, %get3A_353 : vector<16xf32>
        %add3A_355 = arith.addf %while3A_344, %mul3A_354 : vector<16xf32>
        %add3A_356 = arith.constant 16 : i32
        %add3A_357 = arith.addi %mul3A_346, %add3A_356 : i32
        %get3A_358 = arith.index_cast %add3A_357 : i32 to index
        %get3A_359 = tpu.vector_load %arg9[%get3A_358] {strides = array<i32>} : memref<2000xi32, #tpu.memory_space<vmem>>, vector<16xi32>,
        %add3A_360 = arith.constant 16 : i32
        %add3A_361 = arith.addi %mul3A_346, %add3A_360 : i32
        %get3A_362 = arith.index_cast %add3A_361 : i32 to index
        %get3A_363 = tpu.vector_load %arg14[%get3A_362] {strides = array<i32>} : memref<2000xf32, #tpu.memory_space<vmem>>, vector<16xf32>,
        %gather3A_364 = tpu.vector_load_idx %arg6[%get3A_359] : memref<100000xf32, #tpu.memory_space<vmem>>[vector<16xi32>], vector<16xf32>,
        %mul3A_365 = arith.mulf %gather3A_364, %get3A_363 : vector<16xf32>
        %add3A_366 = arith.addf %add3A_355, %mul3A_365 : vector<16xf32>
        %add3A_367 = arith.constant 32 : i32
        %add3A_368 = arith.addi %mul3A_346, %add3A_367 : i32
        %get3A_369 = arith.index_cast %add3A_368 : i32 to index
        %get3A_370 = tpu.vector_load %arg9[%get3A_369] {strides = array<i32>} : memref<2000xi32, #tpu.memory_space<vmem>>, vector<16xi32>,
        %add3A_371 = arith.constant 32 : i32
        %add3A_372 = arith.addi %mul3A_346, %add3A_371 : i32
        %get3A_373 = arith.index_cast %add3A_372 : i32 to index
        %get3A_374 = tpu.vector_load %arg14[%get3A_373] {strides = array<i32>} : memref<2000xf32, #tpu.memory_space<vmem>>, vector<16xf32>,
        %gather3A_375 = tpu.vector_load_idx %arg6[%get3A_370] : memref<100000xf32, #tpu.memory_space<vmem>>[vector<16xi32>], vector<16xf32>,
        %mul3A_376 = arith.mulf %gather3A_375, %get3A_374 : vector<16xf32>
        %add3A_377 = arith.addf %add3A_366, %mul3A_376 : vector<16xf32>
        %add3A_378 = arith.constant 48 : i32
        %add3A_379 = arith.addi %mul3A_346, %add3A_378 : i32
        %get3A_380 = arith.index_cast %add3A_379 : i32 to index
        %get3A_381 = tpu.vector_load %arg9[%get3A_380] {strides = array<i32>} : memref<2000xi32, #tpu.memory_space<vmem>>, vector<16xi32>,
        %add3A_382 = arith.constant 48 : i32
        %add3A_383 = arith.addi %mul3A_346, %add3A_382 : i32
        %get3A_384 = arith.index_cast %add3A_383 : i32 to index
        %get3A_385 = tpu.vector_load %arg14[%get3A_384] {strides = array<i32>} : memref<2000xf32, #tpu.memory_space<vmem>>, vector<16xf32>,
        %gather3A_386 = tpu.vector_load_idx %arg6[%get3A_381] : memref<100000xf32, #tpu.memory_space<vmem>>[vector<16xi32>], vector<16xf32>,
        %mul3A_387 = arith.mulf %gather3A_386, %get3A_385 : vector<16xf32>
        %add3A_388 = arith.addf %add3A_377, %mul3A_387 : vector<16xf32>
        %add3A_389 = arith.constant 64 : i32
        %add3A_390 = arith.addi %mul3A_346, %add3A_389 : i32
        %get3A_391 = arith.index_cast %add3A_390 : i32 to index
        %get3A_392 = tpu.vector_load %arg9[%get3A_391] {strides = array<i32>} : memref<2000xi32, #tpu.memory_space<vmem>>, vector<16xi32>,
        %add3A_393 = arith.constant 64 : i32
        %add3A_394 = arith.addi %mul3A_346, %add3A_393 : i32
        %get3A_395 = arith.index_cast %add3A_394 : i32 to index
        %get3A_396 = tpu.vector_load %arg14[%get3A_395] {strides = array<i32>} : memref<2000xf32, #tpu.memory_space<vmem>>, vector<16xf32>,
        %gather3A_397 = tpu.vector_load_idx %arg6[%get3A_392] : memref<100000xf32, #tpu.memory_space<vmem>>[vector<16xi32>], vector<16xf32>,
        %mul3A_398 = arith.mulf %gather3A_397, %get3A_396 : vector<16xf32>
        %add3A_399 = arith.addf %add3A_388, %mul3A_398 : vector<16xf32>
        scf.yield %add3A_399 : vector<16xf32>
      }
      %add3A_270 = arith.constant 5 : i32
      %add3A_271 = arith.addi %mul3A_187, %add3A_270 : i32
      %add3A_272 = arith.constant 2 : i32
      %add3A_273 = arith.addi %add3A_271, %add3A_272 : i32
      %mul3A_274 = arith.constant 2000 : i32
      %mul3A_275 = arith.muli %add3A_273, %mul3A_274 : i32
      %add3A_276 = arith.addi %mul3A_2, %mul3A_275 : i32
      %dma_start3A_277 = tpu.memref_slice %arg4[%add3A_276] : memref<6400000xi32, #tpu.memory_space<hbm>> -> memref<2000xi32, #tpu.memory_space<hbm>>
      %dma_start3A_278 = tpu.memref_slice %arg4[%add3A_276] : memref<6400000xi32, #tpu.memory_space<hbm>> -> memref<2000xi32, #tpu.memory_space<hbm>>
      tpu.enqueue_dma source(%dma_start3A_278 : memref<2000xi32, #tpu.memory_space<hbm>>) target(%arg9 : memref<2000xi32, #tpu.memory_space<vmem>>) target_semaphore(%arg20 : memref<!tpu.dma_semaphore, #tpu.memory_space<semaphore_mem>>)
      %dma_start3A_279 = tpu.memref_slice %arg3[%add3A_276] : memref<6400000xf32, #tpu.memory_space<hbm>> -> memref<2000xf32, #tpu.memory_space<hbm>>
      %dma_start3A_280 = tpu.memref_slice %arg3[%add3A_276] : memref<6400000xf32, #tpu.memory_space<hbm>> -> memref<2000xf32, #tpu.memory_space<hbm>>
      tpu.enqueue_dma source(%dma_start3A_280 : memref<2000xf32, #tpu.memory_space<hbm>>) target(%arg14 : memref<2000xf32, #tpu.memory_space<vmem>>) target_semaphore(%arg20 : memref<!tpu.dma_semaphore, #tpu.memory_space<semaphore_mem>>)
      %dma_wait3A_281 = arith.constant 0 : i32
      %dma_wait3A_282 = tpu.memref_slice %arg4[%dma_wait3A_281] : memref<6400000xi32, #tpu.memory_space<hbm>> -> memref<2000xi32, #tpu.memory_space<hbm>>
      %dma_wait3A_283 = arith.constant 0 : i32
      %dma_wait3A_284 = tpu.memref_slice %arg4[%dma_wait3A_283] : memref<6400000xi32, #tpu.memory_space<hbm>> -> memref<2000xi32, #tpu.memory_space<hbm>>
      tpu.wait_dma2 semaphore(%arg21 : memref<!tpu.dma_semaphore, #tpu.memory_space<semaphore_mem>>) src(%dma_wait3A_284 : memref<2000xi32, #tpu.memory_space<hbm>>) dst(%arg10 : memref<2000xi32, #tpu.memory_space<vmem>>)
      %dma_wait3A_285 = arith.constant 0 : i32
      %dma_wait3A_286 = tpu.memref_slice %arg3[%dma_wait3A_285] : memref<6400000xf32, #tpu.memory_space<hbm>> -> memref<2000xf32, #tpu.memory_space<hbm>>
      %dma_wait3A_287 = arith.constant 0 : i32
      %dma_wait3A_288 = tpu.memref_slice %arg3[%dma_wait3A_287] : memref<6400000xf32, #tpu.memory_space<hbm>> -> memref<2000xf32, #tpu.memory_space<hbm>>
      tpu.wait_dma2 semaphore(%arg21 : memref<!tpu.dma_semaphore, #tpu.memory_space<semaphore_mem>>) src(%dma_wait3A_288 : memref<2000xf32, #tpu.memory_space<hbm>>) dst(%arg15 : memref<2000xf32, #tpu.memory_space<vmem>>)
      %while3A_289 = arith.constant 0 : i32
      %while3A_290 = arith.constant 25 : i32
      %while3A_291 = arith.subi %while3A_290, %while3A_289 : i32
      %while3A_292 = arith.addi %while3A_289, %while3A_291 : i32
      %while3A_293 = arith.constant 1 : i32
      %while3A_294 = arith.divsi %while3A_291, %while3A_293 : i32
      %while3A_295 = arith.muli %while3A_294, %while3A_293 : i32
      %while3A_296 = arith.addi %while3A_289, %while3A_295 : i32
      %while3A_297 = arith.constant 1 : i32
      %while3A_298 = scf.for %while3A_343 = %while3A_289 to %while3A_296 step %while3A_297 iter_args(%while3A_344 = %while3A_269) -> (vector<16xf32>)  : i32 {
        %mul3A_345 = arith.constant 80 : i32
        %mul3A_346 = arith.muli %while3A_343, %mul3A_345 : i32
        %add3A_347 = arith.constant 0 : i32
        %add3A_348 = arith.addi %mul3A_346, %add3A_347 : i32
        %get3A = arith.index_cast %add3A_348 : i32 to index
        %get3A_349 = tpu.vector_load %arg10[%get3A] {strides = array<i32>} : memref<2000xi32, #tpu.memory_space<vmem>>, vector<16xi32>,
        %add3A_350 = arith.constant 0 : i32
        %add3A_351 = arith.addi %mul3A_346, %add3A_350 : i32
        %get3A_352 = arith.index_cast %add3A_351 : i32 to index
        %get3A_353 = tpu.vector_load %arg15[%get3A_352] {strides = array<i32>} : memref<2000xf32, #tpu.memory_space<vmem>>, vector<16xf32>,
        %gather3A = tpu.vector_load_idx %arg6[%get3A_349] : memref<100000xf32, #tpu.memory_space<vmem>>[vector<16xi32>], vector<16xf32>,
        %mul3A_354 = arith.mulf %gather3A, %get3A_353 : vector<16xf32>
        %add3A_355 = arith.addf %while3A_344, %mul3A_354 : vector<16xf32>
        %add3A_356 = arith.constant 16 : i32
        %add3A_357 = arith.addi %mul3A_346, %add3A_356 : i32
        %get3A_358 = arith.index_cast %add3A_357 : i32 to index
        %get3A_359 = tpu.vector_load %arg10[%get3A_358] {strides = array<i32>} : memref<2000xi32, #tpu.memory_space<vmem>>, vector<16xi32>,
        %add3A_360 = arith.constant 16 : i32
        %add3A_361 = arith.addi %mul3A_346, %add3A_360 : i32
        %get3A_362 = arith.index_cast %add3A_361 : i32 to index
        %get3A_363 = tpu.vector_load %arg15[%get3A_362] {strides = array<i32>} : memref<2000xf32, #tpu.memory_space<vmem>>, vector<16xf32>,
        %gather3A_364 = tpu.vector_load_idx %arg6[%get3A_359] : memref<100000xf32, #tpu.memory_space<vmem>>[vector<16xi32>], vector<16xf32>,
        %mul3A_365 = arith.mulf %gather3A_364, %get3A_363 : vector<16xf32>
        %add3A_366 = arith.addf %add3A_355, %mul3A_365 : vector<16xf32>
        %add3A_367 = arith.constant 32 : i32
        %add3A_368 = arith.addi %mul3A_346, %add3A_367 : i32
        %get3A_369 = arith.index_cast %add3A_368 : i32 to index
        %get3A_370 = tpu.vector_load %arg10[%get3A_369] {strides = array<i32>} : memref<2000xi32, #tpu.memory_space<vmem>>, vector<16xi32>,
        %add3A_371 = arith.constant 32 : i32
        %add3A_372 = arith.addi %mul3A_346, %add3A_371 : i32
        %get3A_373 = arith.index_cast %add3A_372 : i32 to index
        %get3A_374 = tpu.vector_load %arg15[%get3A_373] {strides = array<i32>} : memref<2000xf32, #tpu.memory_space<vmem>>, vector<16xf32>,
        %gather3A_375 = tpu.vector_load_idx %arg6[%get3A_370] : memref<100000xf32, #tpu.memory_space<vmem>>[vector<16xi32>], vector<16xf32>,
        %mul3A_376 = arith.mulf %gather3A_375, %get3A_374 : vector<16xf32>
        %add3A_377 = arith.addf %add3A_366, %mul3A_376 : vector<16xf32>
        %add3A_378 = arith.constant 48 : i32
        %add3A_379 = arith.addi %mul3A_346, %add3A_378 : i32
        %get3A_380 = arith.index_cast %add3A_379 : i32 to index
        %get3A_381 = tpu.vector_load %arg10[%get3A_380] {strides = array<i32>} : memref<2000xi32, #tpu.memory_space<vmem>>, vector<16xi32>,
        %add3A_382 = arith.constant 48 : i32
        %add3A_383 = arith.addi %mul3A_346, %add3A_382 : i32
        %get3A_384 = arith.index_cast %add3A_383 : i32 to index
        %get3A_385 = tpu.vector_load %arg15[%get3A_384] {strides = array<i32>} : memref<2000xf32, #tpu.memory_space<vmem>>, vector<16xf32>,
        %gather3A_386 = tpu.vector_load_idx %arg6[%get3A_381] : memref<100000xf32, #tpu.memory_space<vmem>>[vector<16xi32>], vector<16xf32>,
        %mul3A_387 = arith.mulf %gather3A_386, %get3A_385 : vector<16xf32>
        %add3A_388 = arith.addf %add3A_377, %mul3A_387 : vector<16xf32>
        %add3A_389 = arith.constant 64 : i32
        %add3A_390 = arith.addi %mul3A_346, %add3A_389 : i32
        %get3A_391 = arith.index_cast %add3A_390 : i32 to index
        %get3A_392 = tpu.vector_load %arg10[%get3A_391] {strides = array<i32>} : memref<2000xi32, #tpu.memory_space<vmem>>, vector<16xi32>,
        %add3A_393 = arith.constant 64 : i32
        %add3A_394 = arith.addi %mul3A_346, %add3A_393 : i32
        %get3A_395 = arith.index_cast %add3A_394 : i32 to index
        %get3A_396 = tpu.vector_load %arg15[%get3A_395] {strides = array<i32>} : memref<2000xf32, #tpu.memory_space<vmem>>, vector<16xf32>,
        %gather3A_397 = tpu.vector_load_idx %arg6[%get3A_392] : memref<100000xf32, #tpu.memory_space<vmem>>[vector<16xi32>], vector<16xf32>,
        %mul3A_398 = arith.mulf %gather3A_397, %get3A_396 : vector<16xf32>
        %add3A_399 = arith.addf %add3A_388, %mul3A_398 : vector<16xf32>
        scf.yield %add3A_399 : vector<16xf32>
      }
      %while3A_299 = arith.constant 1 : i32
      %while3A_300 = scf.for %while3A_343 = %while3A_296 to %while3A_292 step %while3A_299 iter_args(%while3A_344 = %while3A_298) -> (vector<16xf32>)  : i32 {
        %mul3A_345 = arith.constant 80 : i32
        %mul3A_346 = arith.muli %while3A_343, %mul3A_345 : i32
        %add3A_347 = arith.constant 0 : i32
        %add3A_348 = arith.addi %mul3A_346, %add3A_347 : i32
        %get3A = arith.index_cast %add3A_348 : i32 to index
        %get3A_349 = tpu.vector_load %arg10[%get3A] {strides = array<i32>} : memref<2000xi32, #tpu.memory_space<vmem>>, vector<16xi32>,
        %add3A_350 = arith.constant 0 : i32
        %add3A_351 = arith.addi %mul3A_346, %add3A_350 : i32
        %get3A_352 = arith.index_cast %add3A_351 : i32 to index
        %get3A_353 = tpu.vector_load %arg15[%get3A_352] {strides = array<i32>} : memref<2000xf32, #tpu.memory_space<vmem>>, vector<16xf32>,
        %gather3A = tpu.vector_load_idx %arg6[%get3A_349] : memref<100000xf32, #tpu.memory_space<vmem>>[vector<16xi32>], vector<16xf32>,
        %mul3A_354 = arith.mulf %gather3A, %get3A_353 : vector<16xf32>
        %add3A_355 = arith.addf %while3A_344, %mul3A_354 : vector<16xf32>
        %add3A_356 = arith.constant 16 : i32
        %add3A_357 = arith.addi %mul3A_346, %add3A_356 : i32
        %get3A_358 = arith.index_cast %add3A_357 : i32 to index
        %get3A_359 = tpu.vector_load %arg10[%get3A_358] {strides = array<i32>} : memref<2000xi32, #tpu.memory_space<vmem>>, vector<16xi32>,
        %add3A_360 = arith.constant 16 : i32
        %add3A_361 = arith.addi %mul3A_346, %add3A_360 : i32
        %get3A_362 = arith.index_cast %add3A_361 : i32 to index
        %get3A_363 = tpu.vector_load %arg15[%get3A_362] {strides = array<i32>} : memref<2000xf32, #tpu.memory_space<vmem>>, vector<16xf32>,
        %gather3A_364 = tpu.vector_load_idx %arg6[%get3A_359] : memref<100000xf32, #tpu.memory_space<vmem>>[vector<16xi32>], vector<16xf32>,
        %mul3A_365 = arith.mulf %gather3A_364, %get3A_363 : vector<16xf32>
        %add3A_366 = arith.addf %add3A_355, %mul3A_365 : vector<16xf32>
        %add3A_367 = arith.constant 32 : i32
        %add3A_368 = arith.addi %mul3A_346, %add3A_367 : i32
        %get3A_369 = arith.index_cast %add3A_368 : i32 to index
        %get3A_370 = tpu.vector_load %arg10[%get3A_369] {strides = array<i32>} : memref<2000xi32, #tpu.memory_space<vmem>>, vector<16xi32>,
        %add3A_371 = arith.constant 32 : i32
        %add3A_372 = arith.addi %mul3A_346, %add3A_371 : i32
        %get3A_373 = arith.index_cast %add3A_372 : i32 to index
        %get3A_374 = tpu.vector_load %arg15[%get3A_373] {strides = array<i32>} : memref<2000xf32, #tpu.memory_space<vmem>>, vector<16xf32>,
        %gather3A_375 = tpu.vector_load_idx %arg6[%get3A_370] : memref<100000xf32, #tpu.memory_space<vmem>>[vector<16xi32>], vector<16xf32>,
        %mul3A_376 = arith.mulf %gather3A_375, %get3A_374 : vector<16xf32>
        %add3A_377 = arith.addf %add3A_366, %mul3A_376 : vector<16xf32>
        %add3A_378 = arith.constant 48 : i32
        %add3A_379 = arith.addi %mul3A_346, %add3A_378 : i32
        %get3A_380 = arith.index_cast %add3A_379 : i32 to index
        %get3A_381 = tpu.vector_load %arg10[%get3A_380] {strides = array<i32>} : memref<2000xi32, #tpu.memory_space<vmem>>, vector<16xi32>,
        %add3A_382 = arith.constant 48 : i32
        %add3A_383 = arith.addi %mul3A_346, %add3A_382 : i32
        %get3A_384 = arith.index_cast %add3A_383 : i32 to index
        %get3A_385 = tpu.vector_load %arg15[%get3A_384] {strides = array<i32>} : memref<2000xf32, #tpu.memory_space<vmem>>, vector<16xf32>,
        %gather3A_386 = tpu.vector_load_idx %arg6[%get3A_381] : memref<100000xf32, #tpu.memory_space<vmem>>[vector<16xi32>], vector<16xf32>,
        %mul3A_387 = arith.mulf %gather3A_386, %get3A_385 : vector<16xf32>
        %add3A_388 = arith.addf %add3A_377, %mul3A_387 : vector<16xf32>
        %add3A_389 = arith.constant 64 : i32
        %add3A_390 = arith.addi %mul3A_346, %add3A_389 : i32
        %get3A_391 = arith.index_cast %add3A_390 : i32 to index
        %get3A_392 = tpu.vector_load %arg10[%get3A_391] {strides = array<i32>} : memref<2000xi32, #tpu.memory_space<vmem>>, vector<16xi32>,
        %add3A_393 = arith.constant 64 : i32
        %add3A_394 = arith.addi %mul3A_346, %add3A_393 : i32
        %get3A_395 = arith.index_cast %add3A_394 : i32 to index
        %get3A_396 = tpu.vector_load %arg15[%get3A_395] {strides = array<i32>} : memref<2000xf32, #tpu.memory_space<vmem>>, vector<16xf32>,
        %gather3A_397 = tpu.vector_load_idx %arg6[%get3A_392] : memref<100000xf32, #tpu.memory_space<vmem>>[vector<16xi32>], vector<16xf32>,
        %mul3A_398 = arith.mulf %gather3A_397, %get3A_396 : vector<16xf32>
        %add3A_399 = arith.addf %add3A_388, %mul3A_398 : vector<16xf32>
        scf.yield %add3A_399 : vector<16xf32>
      }
      %add3A_301 = arith.constant 5 : i32
      %add3A_302 = arith.addi %mul3A_187, %add3A_301 : i32
      %add3A_303 = arith.constant 3 : i32
      %add3A_304 = arith.addi %add3A_302, %add3A_303 : i32
      %mul3A_305 = arith.constant 2000 : i32
      %mul3A_306 = arith.muli %add3A_304, %mul3A_305 : i32
      %add3A_307 = arith.addi %mul3A_2, %mul3A_306 : i32
      %dma_start3A_308 = tpu.memref_slice %arg4[%add3A_307] : memref<6400000xi32, #tpu.memory_space<hbm>> -> memref<2000xi32, #tpu.memory_space<hbm>>
      %dma_start3A_309 = tpu.memref_slice %arg4[%add3A_307] : memref<6400000xi32, #tpu.memory_space<hbm>> -> memref<2000xi32, #tpu.memory_space<hbm>>
      tpu.enqueue_dma source(%dma_start3A_309 : memref<2000xi32, #tpu.memory_space<hbm>>) target(%arg10 : memref<2000xi32, #tpu.memory_space<vmem>>) target_semaphore(%arg21 : memref<!tpu.dma_semaphore, #tpu.memory_space<semaphore_mem>>)
      %dma_start3A_310 = tpu.memref_slice %arg3[%add3A_307] : memref<6400000xf32, #tpu.memory_space<hbm>> -> memref<2000xf32, #tpu.memory_space<hbm>>
      %dma_start3A_311 = tpu.memref_slice %arg3[%add3A_307] : memref<6400000xf32, #tpu.memory_space<hbm>> -> memref<2000xf32, #tpu.memory_space<hbm>>
      tpu.enqueue_dma source(%dma_start3A_311 : memref<2000xf32, #tpu.memory_space<hbm>>) target(%arg15 : memref<2000xf32, #tpu.memory_space<vmem>>) target_semaphore(%arg21 : memref<!tpu.dma_semaphore, #tpu.memory_space<semaphore_mem>>)
      %dma_wait3A_312 = arith.constant 0 : i32
      %dma_wait3A_313 = tpu.memref_slice %arg4[%dma_wait3A_312] : memref<6400000xi32, #tpu.memory_space<hbm>> -> memref<2000xi32, #tpu.memory_space<hbm>>
      %dma_wait3A_314 = arith.constant 0 : i32
      %dma_wait3A_315 = tpu.memref_slice %arg4[%dma_wait3A_314] : memref<6400000xi32, #tpu.memory_space<hbm>> -> memref<2000xi32, #tpu.memory_space<hbm>>
      tpu.wait_dma2 semaphore(%arg22 : memref<!tpu.dma_semaphore, #tpu.memory_space<semaphore_mem>>) src(%dma_wait3A_315 : memref<2000xi32, #tpu.memory_space<hbm>>) dst(%arg11 : memref<2000xi32, #tpu.memory_space<vmem>>)
      %dma_wait3A_316 = arith.constant 0 : i32
      %dma_wait3A_317 = tpu.memref_slice %arg3[%dma_wait3A_316] : memref<6400000xf32, #tpu.memory_space<hbm>> -> memref<2000xf32, #tpu.memory_space<hbm>>
      %dma_wait3A_318 = arith.constant 0 : i32
      %dma_wait3A_319 = tpu.memref_slice %arg3[%dma_wait3A_318] : memref<6400000xf32, #tpu.memory_space<hbm>> -> memref<2000xf32, #tpu.memory_space<hbm>>
      tpu.wait_dma2 semaphore(%arg22 : memref<!tpu.dma_semaphore, #tpu.memory_space<semaphore_mem>>) src(%dma_wait3A_319 : memref<2000xf32, #tpu.memory_space<hbm>>) dst(%arg16 : memref<2000xf32, #tpu.memory_space<vmem>>)
      %while3A_320 = arith.constant 0 : i32
      %while3A_321 = arith.constant 25 : i32
      %while3A_322 = arith.subi %while3A_321, %while3A_320 : i32
      %while3A_323 = arith.addi %while3A_320, %while3A_322 : i32
      %while3A_324 = arith.constant 1 : i32
      %while3A_325 = arith.divsi %while3A_322, %while3A_324 : i32
      %while3A_326 = arith.muli %while3A_325, %while3A_324 : i32
      %while3A_327 = arith.addi %while3A_320, %while3A_326 : i32
      %while3A_328 = arith.constant 1 : i32
      %while3A_329 = scf.for %while3A_343 = %while3A_320 to %while3A_327 step %while3A_328 iter_args(%while3A_344 = %while3A_300) -> (vector<16xf32>)  : i32 {
        %mul3A_345 = arith.constant 80 : i32
        %mul3A_346 = arith.muli %while3A_343, %mul3A_345 : i32
        %add3A_347 = arith.constant 0 : i32
        %add3A_348 = arith.addi %mul3A_346, %add3A_347 : i32
        %get3A = arith.index_cast %add3A_348 : i32 to index
        %get3A_349 = tpu.vector_load %arg11[%get3A] {strides = array<i32>} : memref<2000xi32, #tpu.memory_space<vmem>>, vector<16xi32>,
        %add3A_350 = arith.constant 0 : i32
        %add3A_351 = arith.addi %mul3A_346, %add3A_350 : i32
        %get3A_352 = arith.index_cast %add3A_351 : i32 to index
        %get3A_353 = tpu.vector_load %arg16[%get3A_352] {strides = array<i32>} : memref<2000xf32, #tpu.memory_space<vmem>>, vector<16xf32>,
        %gather3A = tpu.vector_load_idx %arg6[%get3A_349] : memref<100000xf32, #tpu.memory_space<vmem>>[vector<16xi32>], vector<16xf32>,
        %mul3A_354 = arith.mulf %gather3A, %get3A_353 : vector<16xf32>
        %add3A_355 = arith.addf %while3A_344, %mul3A_354 : vector<16xf32>
        %add3A_356 = arith.constant 16 : i32
        %add3A_357 = arith.addi %mul3A_346, %add3A_356 : i32
        %get3A_358 = arith.index_cast %add3A_357 : i32 to index
        %get3A_359 = tpu.vector_load %arg11[%get3A_358] {strides = array<i32>} : memref<2000xi32, #tpu.memory_space<vmem>>, vector<16xi32>,
        %add3A_360 = arith.constant 16 : i32
        %add3A_361 = arith.addi %mul3A_346, %add3A_360 : i32
        %get3A_362 = arith.index_cast %add3A_361 : i32 to index
        %get3A_363 = tpu.vector_load %arg16[%get3A_362] {strides = array<i32>} : memref<2000xf32, #tpu.memory_space<vmem>>, vector<16xf32>,
        %gather3A_364 = tpu.vector_load_idx %arg6[%get3A_359] : memref<100000xf32, #tpu.memory_space<vmem>>[vector<16xi32>], vector<16xf32>,
        %mul3A_365 = arith.mulf %gather3A_364, %get3A_363 : vector<16xf32>
        %add3A_366 = arith.addf %add3A_355, %mul3A_365 : vector<16xf32>
        %add3A_367 = arith.constant 32 : i32
        %add3A_368 = arith.addi %mul3A_346, %add3A_367 : i32
        %get3A_369 = arith.index_cast %add3A_368 : i32 to index
        %get3A_370 = tpu.vector_load %arg11[%get3A_369] {strides = array<i32>} : memref<2000xi32, #tpu.memory_space<vmem>>, vector<16xi32>,
        %add3A_371 = arith.constant 32 : i32
        %add3A_372 = arith.addi %mul3A_346, %add3A_371 : i32
        %get3A_373 = arith.index_cast %add3A_372 : i32 to index
        %get3A_374 = tpu.vector_load %arg16[%get3A_373] {strides = array<i32>} : memref<2000xf32, #tpu.memory_space<vmem>>, vector<16xf32>,
        %gather3A_375 = tpu.vector_load_idx %arg6[%get3A_370] : memref<100000xf32, #tpu.memory_space<vmem>>[vector<16xi32>], vector<16xf32>,
        %mul3A_376 = arith.mulf %gather3A_375, %get3A_374 : vector<16xf32>
        %add3A_377 = arith.addf %add3A_366, %mul3A_376 : vector<16xf32>
        %add3A_378 = arith.constant 48 : i32
        %add3A_379 = arith.addi %mul3A_346, %add3A_378 : i32
        %get3A_380 = arith.index_cast %add3A_379 : i32 to index
        %get3A_381 = tpu.vector_load %arg11[%get3A_380] {strides = array<i32>} : memref<2000xi32, #tpu.memory_space<vmem>>, vector<16xi32>,
        %add3A_382 = arith.constant 48 : i32
        %add3A_383 = arith.addi %mul3A_346, %add3A_382 : i32
        %get3A_384 = arith.index_cast %add3A_383 : i32 to index
        %get3A_385 = tpu.vector_load %arg16[%get3A_384] {strides = array<i32>} : memref<2000xf32, #tpu.memory_space<vmem>>, vector<16xf32>,
        %gather3A_386 = tpu.vector_load_idx %arg6[%get3A_381] : memref<100000xf32, #tpu.memory_space<vmem>>[vector<16xi32>], vector<16xf32>,
        %mul3A_387 = arith.mulf %gather3A_386, %get3A_385 : vector<16xf32>
        %add3A_388 = arith.addf %add3A_377, %mul3A_387 : vector<16xf32>
        %add3A_389 = arith.constant 64 : i32
        %add3A_390 = arith.addi %mul3A_346, %add3A_389 : i32
        %get3A_391 = arith.index_cast %add3A_390 : i32 to index
        %get3A_392 = tpu.vector_load %arg11[%get3A_391] {strides = array<i32>} : memref<2000xi32, #tpu.memory_space<vmem>>, vector<16xi32>,
        %add3A_393 = arith.constant 64 : i32
        %add3A_394 = arith.addi %mul3A_346, %add3A_393 : i32
        %get3A_395 = arith.index_cast %add3A_394 : i32 to index
        %get3A_396 = tpu.vector_load %arg16[%get3A_395] {strides = array<i32>} : memref<2000xf32, #tpu.memory_space<vmem>>, vector<16xf32>,
        %gather3A_397 = tpu.vector_load_idx %arg6[%get3A_392] : memref<100000xf32, #tpu.memory_space<vmem>>[vector<16xi32>], vector<16xf32>,
        %mul3A_398 = arith.mulf %gather3A_397, %get3A_396 : vector<16xf32>
        %add3A_399 = arith.addf %add3A_388, %mul3A_398 : vector<16xf32>
        scf.yield %add3A_399 : vector<16xf32>
      }
      %while3A_330 = arith.constant 1 : i32
      %while3A_331 = scf.for %while3A_343 = %while3A_327 to %while3A_323 step %while3A_330 iter_args(%while3A_344 = %while3A_329) -> (vector<16xf32>)  : i32 {
        %mul3A_345 = arith.constant 80 : i32
        %mul3A_346 = arith.muli %while3A_343, %mul3A_345 : i32
        %add3A_347 = arith.constant 0 : i32
        %add3A_348 = arith.addi %mul3A_346, %add3A_347 : i32
        %get3A = arith.index_cast %add3A_348 : i32 to index
        %get3A_349 = tpu.vector_load %arg11[%get3A] {strides = array<i32>} : memref<2000xi32, #tpu.memory_space<vmem>>, vector<16xi32>,
        %add3A_350 = arith.constant 0 : i32
        %add3A_351 = arith.addi %mul3A_346, %add3A_350 : i32
        %get3A_352 = arith.index_cast %add3A_351 : i32 to index
        %get3A_353 = tpu.vector_load %arg16[%get3A_352] {strides = array<i32>} : memref<2000xf32, #tpu.memory_space<vmem>>, vector<16xf32>,
        %gather3A = tpu.vector_load_idx %arg6[%get3A_349] : memref<100000xf32, #tpu.memory_space<vmem>>[vector<16xi32>], vector<16xf32>,
        %mul3A_354 = arith.mulf %gather3A, %get3A_353 : vector<16xf32>
        %add3A_355 = arith.addf %while3A_344, %mul3A_354 : vector<16xf32>
        %add3A_356 = arith.constant 16 : i32
        %add3A_357 = arith.addi %mul3A_346, %add3A_356 : i32
        %get3A_358 = arith.index_cast %add3A_357 : i32 to index
        %get3A_359 = tpu.vector_load %arg11[%get3A_358] {strides = array<i32>} : memref<2000xi32, #tpu.memory_space<vmem>>, vector<16xi32>,
        %add3A_360 = arith.constant 16 : i32
        %add3A_361 = arith.addi %mul3A_346, %add3A_360 : i32
        %get3A_362 = arith.index_cast %add3A_361 : i32 to index
        %get3A_363 = tpu.vector_load %arg16[%get3A_362] {strides = array<i32>} : memref<2000xf32, #tpu.memory_space<vmem>>, vector<16xf32>,
        %gather3A_364 = tpu.vector_load_idx %arg6[%get3A_359] : memref<100000xf32, #tpu.memory_space<vmem>>[vector<16xi32>], vector<16xf32>,
        %mul3A_365 = arith.mulf %gather3A_364, %get3A_363 : vector<16xf32>
        %add3A_366 = arith.addf %add3A_355, %mul3A_365 : vector<16xf32>
        %add3A_367 = arith.constant 32 : i32
        %add3A_368 = arith.addi %mul3A_346, %add3A_367 : i32
        %get3A_369 = arith.index_cast %add3A_368 : i32 to index
        %get3A_370 = tpu.vector_load %arg11[%get3A_369] {strides = array<i32>} : memref<2000xi32, #tpu.memory_space<vmem>>, vector<16xi32>,
        %add3A_371 = arith.constant 32 : i32
        %add3A_372 = arith.addi %mul3A_346, %add3A_371 : i32
        %get3A_373 = arith.index_cast %add3A_372 : i32 to index
        %get3A_374 = tpu.vector_load %arg16[%get3A_373] {strides = array<i32>} : memref<2000xf32, #tpu.memory_space<vmem>>, vector<16xf32>,
        %gather3A_375 = tpu.vector_load_idx %arg6[%get3A_370] : memref<100000xf32, #tpu.memory_space<vmem>>[vector<16xi32>], vector<16xf32>,
        %mul3A_376 = arith.mulf %gather3A_375, %get3A_374 : vector<16xf32>
        %add3A_377 = arith.addf %add3A_366, %mul3A_376 : vector<16xf32>
        %add3A_378 = arith.constant 48 : i32
        %add3A_379 = arith.addi %mul3A_346, %add3A_378 : i32
        %get3A_380 = arith.index_cast %add3A_379 : i32 to index
        %get3A_381 = tpu.vector_load %arg11[%get3A_380] {strides = array<i32>} : memref<2000xi32, #tpu.memory_space<vmem>>, vector<16xi32>,
        %add3A_382 = arith.constant 48 : i32
        %add3A_383 = arith.addi %mul3A_346, %add3A_382 : i32
        %get3A_384 = arith.index_cast %add3A_383 : i32 to index
        %get3A_385 = tpu.vector_load %arg16[%get3A_384] {strides = array<i32>} : memref<2000xf32, #tpu.memory_space<vmem>>, vector<16xf32>,
        %gather3A_386 = tpu.vector_load_idx %arg6[%get3A_381] : memref<100000xf32, #tpu.memory_space<vmem>>[vector<16xi32>], vector<16xf32>,
        %mul3A_387 = arith.mulf %gather3A_386, %get3A_385 : vector<16xf32>
        %add3A_388 = arith.addf %add3A_377, %mul3A_387 : vector<16xf32>
        %add3A_389 = arith.constant 64 : i32
        %add3A_390 = arith.addi %mul3A_346, %add3A_389 : i32
        %get3A_391 = arith.index_cast %add3A_390 : i32 to index
        %get3A_392 = tpu.vector_load %arg11[%get3A_391] {strides = array<i32>} : memref<2000xi32, #tpu.memory_space<vmem>>, vector<16xi32>,
        %add3A_393 = arith.constant 64 : i32
        %add3A_394 = arith.addi %mul3A_346, %add3A_393 : i32
        %get3A_395 = arith.index_cast %add3A_394 : i32 to index
        %get3A_396 = tpu.vector_load %arg16[%get3A_395] {strides = array<i32>} : memref<2000xf32, #tpu.memory_space<vmem>>, vector<16xf32>,
        %gather3A_397 = tpu.vector_load_idx %arg6[%get3A_392] : memref<100000xf32, #tpu.memory_space<vmem>>[vector<16xi32>], vector<16xf32>,
        %mul3A_398 = arith.mulf %gather3A_397, %get3A_396 : vector<16xf32>
        %add3A_399 = arith.addf %add3A_388, %mul3A_398 : vector<16xf32>
        scf.yield %add3A_399 : vector<16xf32>
      }
      %add3A_332 = arith.constant 5 : i32
      %add3A_333 = arith.addi %mul3A_187, %add3A_332 : i32
      %add3A_334 = arith.constant 4 : i32
      %add3A_335 = arith.addi %add3A_333, %add3A_334 : i32
      %mul3A_336 = arith.constant 2000 : i32
      %mul3A_337 = arith.muli %add3A_335, %mul3A_336 : i32
      %add3A_338 = arith.addi %mul3A_2, %mul3A_337 : i32
      %dma_start3A_339 = tpu.memref_slice %arg4[%add3A_338] : memref<6400000xi32, #tpu.memory_space<hbm>> -> memref<2000xi32, #tpu.memory_space<hbm>>
      %dma_start3A_340 = tpu.memref_slice %arg4[%add3A_338] : memref<6400000xi32, #tpu.memory_space<hbm>> -> memref<2000xi32, #tpu.memory_space<hbm>>
      tpu.enqueue_dma source(%dma_start3A_340 : memref<2000xi32, #tpu.memory_space<hbm>>) target(%arg11 : memref<2000xi32, #tpu.memory_space<vmem>>) target_semaphore(%arg22 : memref<!tpu.dma_semaphore, #tpu.memory_space<semaphore_mem>>)
      %dma_start3A_341 = tpu.memref_slice %arg3[%add3A_338] : memref<6400000xf32, #tpu.memory_space<hbm>> -> memref<2000xf32, #tpu.memory_space<hbm>>
      %dma_start3A_342 = tpu.memref_slice %arg3[%add3A_338] : memref<6400000xf32, #tpu.memory_space<hbm>> -> memref<2000xf32, #tpu.memory_space<hbm>>
      tpu.enqueue_dma source(%dma_start3A_342 : memref<2000xf32, #tpu.memory_space<hbm>>) target(%arg16 : memref<2000xf32, #tpu.memory_space<vmem>>) target_semaphore(%arg22 : memref<!tpu.dma_semaphore, #tpu.memory_space<semaphore_mem>>)
      scf.yield %while3A_331 : vector<16xf32>
    }
    %dma_wait3A_83 = arith.constant 0 : i32
    %dma_wait3A_84 = tpu.memref_slice %arg4[%dma_wait3A_83] : memref<6400000xi32, #tpu.memory_space<hbm>> -> memref<2000xi32, #tpu.memory_space<hbm>>
    %dma_wait3A_85 = arith.constant 0 : i32
    %dma_wait3A_86 = tpu.memref_slice %arg4[%dma_wait3A_85] : memref<6400000xi32, #tpu.memory_space<hbm>> -> memref<2000xi32, #tpu.memory_space<hbm>>
    tpu.wait_dma2 semaphore(%arg18 : memref<!tpu.dma_semaphore, #tpu.memory_space<semaphore_mem>>) src(%dma_wait3A_86 : memref<2000xi32, #tpu.memory_space<hbm>>) dst(%arg7 : memref<2000xi32, #tpu.memory_space<vmem>>)
    %dma_wait3A_87 = arith.constant 0 : i32
    %dma_wait3A_88 = tpu.memref_slice %arg3[%dma_wait3A_87] : memref<6400000xf32, #tpu.memory_space<hbm>> -> memref<2000xf32, #tpu.memory_space<hbm>>
    %dma_wait3A_89 = arith.constant 0 : i32
    %dma_wait3A_90 = tpu.memref_slice %arg3[%dma_wait3A_89] : memref<6400000xf32, #tpu.memory_space<hbm>> -> memref<2000xf32, #tpu.memory_space<hbm>>
    tpu.wait_dma2 semaphore(%arg18 : memref<!tpu.dma_semaphore, #tpu.memory_space<semaphore_mem>>) src(%dma_wait3A_90 : memref<2000xf32, #tpu.memory_space<hbm>>) dst(%arg12 : memref<2000xf32, #tpu.memory_space<vmem>>)
    %while3A_91 = arith.constant 0 : i32
    %while3A_92 = arith.constant 25 : i32
    %while3A_93 = arith.subi %while3A_92, %while3A_91 : i32
    %while3A_94 = arith.addi %while3A_91, %while3A_93 : i32
    %while3A_95 = arith.constant 1 : i32
    %while3A_96 = arith.divsi %while3A_93, %while3A_95 : i32
    %while3A_97 = arith.muli %while3A_96, %while3A_95 : i32
    %while3A_98 = arith.addi %while3A_91, %while3A_97 : i32
    %while3A_99 = arith.constant 1 : i32
    %while3A_100 = scf.for %while3A_184 = %while3A_91 to %while3A_98 step %while3A_99 iter_args(%while3A_185 = %while3A_82) -> (vector<16xf32>)  : i32 {
      %mul3A_186 = arith.constant 80 : i32
      %mul3A_187 = arith.muli %while3A_184, %mul3A_186 : i32
      %add3A_188 = arith.constant 0 : i32
      %add3A_189 = arith.addi %mul3A_187, %add3A_188 : i32
      %get3A = arith.index_cast %add3A_189 : i32 to index
      %get3A_190 = tpu.vector_load %arg7[%get3A] {strides = array<i32>} : memref<2000xi32, #tpu.memory_space<vmem>>, vector<16xi32>,
      %add3A_191 = arith.constant 0 : i32
      %add3A_192 = arith.addi %mul3A_187, %add3A_191 : i32
      %get3A_193 = arith.index_cast %add3A_192 : i32 to index
      %get3A_194 = tpu.vector_load %arg12[%get3A_193] {strides = array<i32>} : memref<2000xf32, #tpu.memory_space<vmem>>, vector<16xf32>,
      %gather3A = tpu.vector_load_idx %arg6[%get3A_190] : memref<100000xf32, #tpu.memory_space<vmem>>[vector<16xi32>], vector<16xf32>,
      %mul3A_195 = arith.mulf %gather3A, %get3A_194 : vector<16xf32>
      %add3A_196 = arith.addf %while3A_185, %mul3A_195 : vector<16xf32>
      %add3A_197 = arith.constant 16 : i32
      %add3A_198 = arith.addi %mul3A_187, %add3A_197 : i32
      %get3A_199 = arith.index_cast %add3A_198 : i32 to index
      %get3A_200 = tpu.vector_load %arg7[%get3A_199] {strides = array<i32>} : memref<2000xi32, #tpu.memory_space<vmem>>, vector<16xi32>,
      %add3A_201 = arith.constant 16 : i32
      %add3A_202 = arith.addi %mul3A_187, %add3A_201 : i32
      %get3A_203 = arith.index_cast %add3A_202 : i32 to index
      %get3A_204 = tpu.vector_load %arg12[%get3A_203] {strides = array<i32>} : memref<2000xf32, #tpu.memory_space<vmem>>, vector<16xf32>,
      %gather3A_205 = tpu.vector_load_idx %arg6[%get3A_200] : memref<100000xf32, #tpu.memory_space<vmem>>[vector<16xi32>], vector<16xf32>,
      %mul3A_206 = arith.mulf %gather3A_205, %get3A_204 : vector<16xf32>
      %add3A_207 = arith.addf %add3A_196, %mul3A_206 : vector<16xf32>
      %add3A_208 = arith.constant 32 : i32
      %add3A_209 = arith.addi %mul3A_187, %add3A_208 : i32
      %get3A_210 = arith.index_cast %add3A_209 : i32 to index
      %get3A_211 = tpu.vector_load %arg7[%get3A_210] {strides = array<i32>} : memref<2000xi32, #tpu.memory_space<vmem>>, vector<16xi32>,
      %add3A_212 = arith.constant 32 : i32
      %add3A_213 = arith.addi %mul3A_187, %add3A_212 : i32
      %get3A_214 = arith.index_cast %add3A_213 : i32 to index
      %get3A_215 = tpu.vector_load %arg12[%get3A_214] {strides = array<i32>} : memref<2000xf32, #tpu.memory_space<vmem>>, vector<16xf32>,
      %gather3A_216 = tpu.vector_load_idx %arg6[%get3A_211] : memref<100000xf32, #tpu.memory_space<vmem>>[vector<16xi32>], vector<16xf32>,
      %mul3A_217 = arith.mulf %gather3A_216, %get3A_215 : vector<16xf32>
      %add3A_218 = arith.addf %add3A_207, %mul3A_217 : vector<16xf32>
      %add3A_219 = arith.constant 48 : i32
      %add3A_220 = arith.addi %mul3A_187, %add3A_219 : i32
      %get3A_221 = arith.index_cast %add3A_220 : i32 to index
      %get3A_222 = tpu.vector_load %arg7[%get3A_221] {strides = array<i32>} : memref<2000xi32, #tpu.memory_space<vmem>>, vector<16xi32>,
      %add3A_223 = arith.constant 48 : i32
      %add3A_224 = arith.addi %mul3A_187, %add3A_223 : i32
      %get3A_225 = arith.index_cast %add3A_224 : i32 to index
      %get3A_226 = tpu.vector_load %arg12[%get3A_225] {strides = array<i32>} : memref<2000xf32, #tpu.memory_space<vmem>>, vector<16xf32>,
      %gather3A_227 = tpu.vector_load_idx %arg6[%get3A_222] : memref<100000xf32, #tpu.memory_space<vmem>>[vector<16xi32>], vector<16xf32>,
      %mul3A_228 = arith.mulf %gather3A_227, %get3A_226 : vector<16xf32>
      %add3A_229 = arith.addf %add3A_218, %mul3A_228 : vector<16xf32>
      %add3A_230 = arith.constant 64 : i32
      %add3A_231 = arith.addi %mul3A_187, %add3A_230 : i32
      %get3A_232 = arith.index_cast %add3A_231 : i32 to index
      %get3A_233 = tpu.vector_load %arg7[%get3A_232] {strides = array<i32>} : memref<2000xi32, #tpu.memory_space<vmem>>, vector<16xi32>,
      %add3A_234 = arith.constant 64 : i32
      %add3A_235 = arith.addi %mul3A_187, %add3A_234 : i32
      %get3A_236 = arith.index_cast %add3A_235 : i32 to index
      %get3A_237 = tpu.vector_load %arg12[%get3A_236] {strides = array<i32>} : memref<2000xf32, #tpu.memory_space<vmem>>, vector<16xf32>,
      %gather3A_238 = tpu.vector_load_idx %arg6[%get3A_233] : memref<100000xf32, #tpu.memory_space<vmem>>[vector<16xi32>], vector<16xf32>,
      %mul3A_239 = arith.mulf %gather3A_238, %get3A_237 : vector<16xf32>
      %add3A_240 = arith.addf %add3A_229, %mul3A_239 : vector<16xf32>
      scf.yield %add3A_240 : vector<16xf32>
    }
    %while3A_101 = arith.constant 1 : i32
    %while3A_102 = scf.for %while3A_184 = %while3A_98 to %while3A_94 step %while3A_101 iter_args(%while3A_185 = %while3A_100) -> (vector<16xf32>)  : i32 {
      %mul3A_186 = arith.constant 80 : i32
      %mul3A_187 = arith.muli %while3A_184, %mul3A_186 : i32
      %add3A_188 = arith.constant 0 : i32
      %add3A_189 = arith.addi %mul3A_187, %add3A_188 : i32
      %get3A = arith.index_cast %add3A_189 : i32 to index
      %get3A_190 = tpu.vector_load %arg7[%get3A] {strides = array<i32>} : memref<2000xi32, #tpu.memory_space<vmem>>, vector<16xi32>,
      %add3A_191 = arith.constant 0 : i32
      %add3A_192 = arith.addi %mul3A_187, %add3A_191 : i32
      %get3A_193 = arith.index_cast %add3A_192 : i32 to index
      %get3A_194 = tpu.vector_load %arg12[%get3A_193] {strides = array<i32>} : memref<2000xf32, #tpu.memory_space<vmem>>, vector<16xf32>,
      %gather3A = tpu.vector_load_idx %arg6[%get3A_190] : memref<100000xf32, #tpu.memory_space<vmem>>[vector<16xi32>], vector<16xf32>,
      %mul3A_195 = arith.mulf %gather3A, %get3A_194 : vector<16xf32>
      %add3A_196 = arith.addf %while3A_185, %mul3A_195 : vector<16xf32>
      %add3A_197 = arith.constant 16 : i32
      %add3A_198 = arith.addi %mul3A_187, %add3A_197 : i32
      %get3A_199 = arith.index_cast %add3A_198 : i32 to index
      %get3A_200 = tpu.vector_load %arg7[%get3A_199] {strides = array<i32>} : memref<2000xi32, #tpu.memory_space<vmem>>, vector<16xi32>,
      %add3A_201 = arith.constant 16 : i32
      %add3A_202 = arith.addi %mul3A_187, %add3A_201 : i32
      %get3A_203 = arith.index_cast %add3A_202 : i32 to index
      %get3A_204 = tpu.vector_load %arg12[%get3A_203] {strides = array<i32>} : memref<2000xf32, #tpu.memory_space<vmem>>, vector<16xf32>,
      %gather3A_205 = tpu.vector_load_idx %arg6[%get3A_200] : memref<100000xf32, #tpu.memory_space<vmem>>[vector<16xi32>], vector<16xf32>,
      %mul3A_206 = arith.mulf %gather3A_205, %get3A_204 : vector<16xf32>
      %add3A_207 = arith.addf %add3A_196, %mul3A_206 : vector<16xf32>
      %add3A_208 = arith.constant 32 : i32
      %add3A_209 = arith.addi %mul3A_187, %add3A_208 : i32
      %get3A_210 = arith.index_cast %add3A_209 : i32 to index
      %get3A_211 = tpu.vector_load %arg7[%get3A_210] {strides = array<i32>} : memref<2000xi32, #tpu.memory_space<vmem>>, vector<16xi32>,
      %add3A_212 = arith.constant 32 : i32
      %add3A_213 = arith.addi %mul3A_187, %add3A_212 : i32
      %get3A_214 = arith.index_cast %add3A_213 : i32 to index
      %get3A_215 = tpu.vector_load %arg12[%get3A_214] {strides = array<i32>} : memref<2000xf32, #tpu.memory_space<vmem>>, vector<16xf32>,
      %gather3A_216 = tpu.vector_load_idx %arg6[%get3A_211] : memref<100000xf32, #tpu.memory_space<vmem>>[vector<16xi32>], vector<16xf32>,
      %mul3A_217 = arith.mulf %gather3A_216, %get3A_215 : vector<16xf32>
      %add3A_218 = arith.addf %add3A_207, %mul3A_217 : vector<16xf32>
      %add3A_219 = arith.constant 48 : i32
      %add3A_220 = arith.addi %mul3A_187, %add3A_219 : i32
      %get3A_221 = arith.index_cast %add3A_220 : i32 to index
      %get3A_222 = tpu.vector_load %arg7[%get3A_221] {strides = array<i32>} : memref<2000xi32, #tpu.memory_space<vmem>>, vector<16xi32>,
      %add3A_223 = arith.constant 48 : i32
      %add3A_224 = arith.addi %mul3A_187, %add3A_223 : i32
      %get3A_225 = arith.index_cast %add3A_224 : i32 to index
      %get3A_226 = tpu.vector_load %arg12[%get3A_225] {strides = array<i32>} : memref<2000xf32, #tpu.memory_space<vmem>>, vector<16xf32>,
      %gather3A_227 = tpu.vector_load_idx %arg6[%get3A_222] : memref<100000xf32, #tpu.memory_space<vmem>>[vector<16xi32>], vector<16xf32>,
      %mul3A_228 = arith.mulf %gather3A_227, %get3A_226 : vector<16xf32>
      %add3A_229 = arith.addf %add3A_218, %mul3A_228 : vector<16xf32>
      %add3A_230 = arith.constant 64 : i32
      %add3A_231 = arith.addi %mul3A_187, %add3A_230 : i32
      %get3A_232 = arith.index_cast %add3A_231 : i32 to index
      %get3A_233 = tpu.vector_load %arg7[%get3A_232] {strides = array<i32>} : memref<2000xi32, #tpu.memory_space<vmem>>, vector<16xi32>,
      %add3A_234 = arith.constant 64 : i32
      %add3A_235 = arith.addi %mul3A_187, %add3A_234 : i32
      %get3A_236 = arith.index_cast %add3A_235 : i32 to index
      %get3A_237 = tpu.vector_load %arg12[%get3A_236] {strides = array<i32>} : memref<2000xf32, #tpu.memory_space<vmem>>, vector<16xf32>,
      %gather3A_238 = tpu.vector_load_idx %arg6[%get3A_233] : memref<100000xf32, #tpu.memory_space<vmem>>[vector<16xi32>], vector<16xf32>,
      %mul3A_239 = arith.mulf %gather3A_238, %get3A_237 : vector<16xf32>
      %add3A_240 = arith.addf %add3A_229, %mul3A_239 : vector<16xf32>
      scf.yield %add3A_240 : vector<16xf32>
    }
    %dma_wait3A_103 = arith.constant 0 : i32
    %dma_wait3A_104 = tpu.memref_slice %arg4[%dma_wait3A_103] : memref<6400000xi32, #tpu.memory_space<hbm>> -> memref<2000xi32, #tpu.memory_space<hbm>>
    %dma_wait3A_105 = arith.constant 0 : i32
    %dma_wait3A_106 = tpu.memref_slice %arg4[%dma_wait3A_105] : memref<6400000xi32, #tpu.memory_space<hbm>> -> memref<2000xi32, #tpu.memory_space<hbm>>
    tpu.wait_dma2 semaphore(%arg19 : memref<!tpu.dma_semaphore, #tpu.memory_space<semaphore_mem>>) src(%dma_wait3A_106 : memref<2000xi32, #tpu.memory_space<hbm>>) dst(%arg8 : memref<2000xi32, #tpu.memory_space<vmem>>)
    %dma_wait3A_107 = arith.constant 0 : i32
    %dma_wait3A_108 = tpu.memref_slice %arg3[%dma_wait3A_107] : memref<6400000xf32, #tpu.memory_space<hbm>> -> memref<2000xf32, #tpu.memory_space<hbm>>
    %dma_wait3A_109 = arith.constant 0 : i32
    %dma_wait3A_110 = tpu.memref_slice %arg3[%dma_wait3A_109] : memref<6400000xf32, #tpu.memory_space<hbm>> -> memref<2000xf32, #tpu.memory_space<hbm>>
    tpu.wait_dma2 semaphore(%arg19 : memref<!tpu.dma_semaphore, #tpu.memory_space<semaphore_mem>>) src(%dma_wait3A_110 : memref<2000xf32, #tpu.memory_space<hbm>>) dst(%arg13 : memref<2000xf32, #tpu.memory_space<vmem>>)
    %while3A_111 = arith.constant 0 : i32
    %while3A_112 = arith.constant 25 : i32
    %while3A_113 = arith.subi %while3A_112, %while3A_111 : i32
    %while3A_114 = arith.addi %while3A_111, %while3A_113 : i32
    %while3A_115 = arith.constant 1 : i32
    %while3A_116 = arith.divsi %while3A_113, %while3A_115 : i32
    %while3A_117 = arith.muli %while3A_116, %while3A_115 : i32
    %while3A_118 = arith.addi %while3A_111, %while3A_117 : i32
    %while3A_119 = arith.constant 1 : i32
    %while3A_120 = scf.for %while3A_184 = %while3A_111 to %while3A_118 step %while3A_119 iter_args(%while3A_185 = %while3A_102) -> (vector<16xf32>)  : i32 {
      %mul3A_186 = arith.constant 80 : i32
      %mul3A_187 = arith.muli %while3A_184, %mul3A_186 : i32
      %add3A_188 = arith.constant 0 : i32
      %add3A_189 = arith.addi %mul3A_187, %add3A_188 : i32
      %get3A = arith.index_cast %add3A_189 : i32 to index
      %get3A_190 = tpu.vector_load %arg8[%get3A] {strides = array<i32>} : memref<2000xi32, #tpu.memory_space<vmem>>, vector<16xi32>,
      %add3A_191 = arith.constant 0 : i32
      %add3A_192 = arith.addi %mul3A_187, %add3A_191 : i32
      %get3A_193 = arith.index_cast %add3A_192 : i32 to index
      %get3A_194 = tpu.vector_load %arg13[%get3A_193] {strides = array<i32>} : memref<2000xf32, #tpu.memory_space<vmem>>, vector<16xf32>,
      %gather3A = tpu.vector_load_idx %arg6[%get3A_190] : memref<100000xf32, #tpu.memory_space<vmem>>[vector<16xi32>], vector<16xf32>,
      %mul3A_195 = arith.mulf %gather3A, %get3A_194 : vector<16xf32>
      %add3A_196 = arith.addf %while3A_185, %mul3A_195 : vector<16xf32>
      %add3A_197 = arith.constant 16 : i32
      %add3A_198 = arith.addi %mul3A_187, %add3A_197 : i32
      %get3A_199 = arith.index_cast %add3A_198 : i32 to index
      %get3A_200 = tpu.vector_load %arg8[%get3A_199] {strides = array<i32>} : memref<2000xi32, #tpu.memory_space<vmem>>, vector<16xi32>,
      %add3A_201 = arith.constant 16 : i32
      %add3A_202 = arith.addi %mul3A_187, %add3A_201 : i32
      %get3A_203 = arith.index_cast %add3A_202 : i32 to index
      %get3A_204 = tpu.vector_load %arg13[%get3A_203] {strides = array<i32>} : memref<2000xf32, #tpu.memory_space<vmem>>, vector<16xf32>,
      %gather3A_205 = tpu.vector_load_idx %arg6[%get3A_200] : memref<100000xf32, #tpu.memory_space<vmem>>[vector<16xi32>], vector<16xf32>,
      %mul3A_206 = arith.mulf %gather3A_205, %get3A_204 : vector<16xf32>
      %add3A_207 = arith.addf %add3A_196, %mul3A_206 : vector<16xf32>
      %add3A_208 = arith.constant 32 : i32
      %add3A_209 = arith.addi %mul3A_187, %add3A_208 : i32
      %get3A_210 = arith.index_cast %add3A_209 : i32 to index
      %get3A_211 = tpu.vector_load %arg8[%get3A_210] {strides = array<i32>} : memref<2000xi32, #tpu.memory_space<vmem>>, vector<16xi32>,
      %add3A_212 = arith.constant 32 : i32
      %add3A_213 = arith.addi %mul3A_187, %add3A_212 : i32
      %get3A_214 = arith.index_cast %add3A_213 : i32 to index
      %get3A_215 = tpu.vector_load %arg13[%get3A_214] {strides = array<i32>} : memref<2000xf32, #tpu.memory_space<vmem>>, vector<16xf32>,
      %gather3A_216 = tpu.vector_load_idx %arg6[%get3A_211] : memref<100000xf32, #tpu.memory_space<vmem>>[vector<16xi32>], vector<16xf32>,
      %mul3A_217 = arith.mulf %gather3A_216, %get3A_215 : vector<16xf32>
      %add3A_218 = arith.addf %add3A_207, %mul3A_217 : vector<16xf32>
      %add3A_219 = arith.constant 48 : i32
      %add3A_220 = arith.addi %mul3A_187, %add3A_219 : i32
      %get3A_221 = arith.index_cast %add3A_220 : i32 to index
      %get3A_222 = tpu.vector_load %arg8[%get3A_221] {strides = array<i32>} : memref<2000xi32, #tpu.memory_space<vmem>>, vector<16xi32>,
      %add3A_223 = arith.constant 48 : i32
      %add3A_224 = arith.addi %mul3A_187, %add3A_223 : i32
      %get3A_225 = arith.index_cast %add3A_224 : i32 to index
      %get3A_226 = tpu.vector_load %arg13[%get3A_225] {strides = array<i32>} : memref<2000xf32, #tpu.memory_space<vmem>>, vector<16xf32>,
      %gather3A_227 = tpu.vector_load_idx %arg6[%get3A_222] : memref<100000xf32, #tpu.memory_space<vmem>>[vector<16xi32>], vector<16xf32>,
      %mul3A_228 = arith.mulf %gather3A_227, %get3A_226 : vector<16xf32>
      %add3A_229 = arith.addf %add3A_218, %mul3A_228 : vector<16xf32>
      %add3A_230 = arith.constant 64 : i32
      %add3A_231 = arith.addi %mul3A_187, %add3A_230 : i32
      %get3A_232 = arith.index_cast %add3A_231 : i32 to index
      %get3A_233 = tpu.vector_load %arg8[%get3A_232] {strides = array<i32>} : memref<2000xi32, #tpu.memory_space<vmem>>, vector<16xi32>,
      %add3A_234 = arith.constant 64 : i32
      %add3A_235 = arith.addi %mul3A_187, %add3A_234 : i32
      %get3A_236 = arith.index_cast %add3A_235 : i32 to index
      %get3A_237 = tpu.vector_load %arg13[%get3A_236] {strides = array<i32>} : memref<2000xf32, #tpu.memory_space<vmem>>, vector<16xf32>,
      %gather3A_238 = tpu.vector_load_idx %arg6[%get3A_233] : memref<100000xf32, #tpu.memory_space<vmem>>[vector<16xi32>], vector<16xf32>,
      %mul3A_239 = arith.mulf %gather3A_238, %get3A_237 : vector<16xf32>
      %add3A_240 = arith.addf %add3A_229, %mul3A_239 : vector<16xf32>
      scf.yield %add3A_240 : vector<16xf32>
    }
    %while3A_121 = arith.constant 1 : i32
    %while3A_122 = scf.for %while3A_184 = %while3A_118 to %while3A_114 step %while3A_121 iter_args(%while3A_185 = %while3A_120) -> (vector<16xf32>)  : i32 {
      %mul3A_186 = arith.constant 80 : i32
      %mul3A_187 = arith.muli %while3A_184, %mul3A_186 : i32
      %add3A_188 = arith.constant 0 : i32
      %add3A_189 = arith.addi %mul3A_187, %add3A_188 : i32
      %get3A = arith.index_cast %add3A_189 : i32 to index
      %get3A_190 = tpu.vector_load %arg8[%get3A] {strides = array<i32>} : memref<2000xi32, #tpu.memory_space<vmem>>, vector<16xi32>,
      %add3A_191 = arith.constant 0 : i32
      %add3A_192 = arith.addi %mul3A_187, %add3A_191 : i32
      %get3A_193 = arith.index_cast %add3A_192 : i32 to index
      %get3A_194 = tpu.vector_load %arg13[%get3A_193] {strides = array<i32>} : memref<2000xf32, #tpu.memory_space<vmem>>, vector<16xf32>,
      %gather3A = tpu.vector_load_idx %arg6[%get3A_190] : memref<100000xf32, #tpu.memory_space<vmem>>[vector<16xi32>], vector<16xf32>,
      %mul3A_195 = arith.mulf %gather3A, %get3A_194 : vector<16xf32>
      %add3A_196 = arith.addf %while3A_185, %mul3A_195 : vector<16xf32>
      %add3A_197 = arith.constant 16 : i32
      %add3A_198 = arith.addi %mul3A_187, %add3A_197 : i32
      %get3A_199 = arith.index_cast %add3A_198 : i32 to index
      %get3A_200 = tpu.vector_load %arg8[%get3A_199] {strides = array<i32>} : memref<2000xi32, #tpu.memory_space<vmem>>, vector<16xi32>,
      %add3A_201 = arith.constant 16 : i32
      %add3A_202 = arith.addi %mul3A_187, %add3A_201 : i32
      %get3A_203 = arith.index_cast %add3A_202 : i32 to index
      %get3A_204 = tpu.vector_load %arg13[%get3A_203] {strides = array<i32>} : memref<2000xf32, #tpu.memory_space<vmem>>, vector<16xf32>,
      %gather3A_205 = tpu.vector_load_idx %arg6[%get3A_200] : memref<100000xf32, #tpu.memory_space<vmem>>[vector<16xi32>], vector<16xf32>,
      %mul3A_206 = arith.mulf %gather3A_205, %get3A_204 : vector<16xf32>
      %add3A_207 = arith.addf %add3A_196, %mul3A_206 : vector<16xf32>
      %add3A_208 = arith.constant 32 : i32
      %add3A_209 = arith.addi %mul3A_187, %add3A_208 : i32
      %get3A_210 = arith.index_cast %add3A_209 : i32 to index
      %get3A_211 = tpu.vector_load %arg8[%get3A_210] {strides = array<i32>} : memref<2000xi32, #tpu.memory_space<vmem>>, vector<16xi32>,
      %add3A_212 = arith.constant 32 : i32
      %add3A_213 = arith.addi %mul3A_187, %add3A_212 : i32
      %get3A_214 = arith.index_cast %add3A_213 : i32 to index
      %get3A_215 = tpu.vector_load %arg13[%get3A_214] {strides = array<i32>} : memref<2000xf32, #tpu.memory_space<vmem>>, vector<16xf32>,
      %gather3A_216 = tpu.vector_load_idx %arg6[%get3A_211] : memref<100000xf32, #tpu.memory_space<vmem>>[vector<16xi32>], vector<16xf32>,
      %mul3A_217 = arith.mulf %gather3A_216, %get3A_215 : vector<16xf32>
      %add3A_218 = arith.addf %add3A_207, %mul3A_217 : vector<16xf32>
      %add3A_219 = arith.constant 48 : i32
      %add3A_220 = arith.addi %mul3A_187, %add3A_219 : i32
      %get3A_221 = arith.index_cast %add3A_220 : i32 to index
      %get3A_222 = tpu.vector_load %arg8[%get3A_221] {strides = array<i32>} : memref<2000xi32, #tpu.memory_space<vmem>>, vector<16xi32>,
      %add3A_223 = arith.constant 48 : i32
      %add3A_224 = arith.addi %mul3A_187, %add3A_223 : i32
      %get3A_225 = arith.index_cast %add3A_224 : i32 to index
      %get3A_226 = tpu.vector_load %arg13[%get3A_225] {strides = array<i32>} : memref<2000xf32, #tpu.memory_space<vmem>>, vector<16xf32>,
      %gather3A_227 = tpu.vector_load_idx %arg6[%get3A_222] : memref<100000xf32, #tpu.memory_space<vmem>>[vector<16xi32>], vector<16xf32>,
      %mul3A_228 = arith.mulf %gather3A_227, %get3A_226 : vector<16xf32>
      %add3A_229 = arith.addf %add3A_218, %mul3A_228 : vector<16xf32>
      %add3A_230 = arith.constant 64 : i32
      %add3A_231 = arith.addi %mul3A_187, %add3A_230 : i32
      %get3A_232 = arith.index_cast %add3A_231 : i32 to index
      %get3A_233 = tpu.vector_load %arg8[%get3A_232] {strides = array<i32>} : memref<2000xi32, #tpu.memory_space<vmem>>, vector<16xi32>,
      %add3A_234 = arith.constant 64 : i32
      %add3A_235 = arith.addi %mul3A_187, %add3A_234 : i32
      %get3A_236 = arith.index_cast %add3A_235 : i32 to index
      %get3A_237 = tpu.vector_load %arg13[%get3A_236] {strides = array<i32>} : memref<2000xf32, #tpu.memory_space<vmem>>, vector<16xf32>,
      %gather3A_238 = tpu.vector_load_idx %arg6[%get3A_233] : memref<100000xf32, #tpu.memory_space<vmem>>[vector<16xi32>], vector<16xf32>,
      %mul3A_239 = arith.mulf %gather3A_238, %get3A_237 : vector<16xf32>
      %add3A_240 = arith.addf %add3A_229, %mul3A_239 : vector<16xf32>
      scf.yield %add3A_240 : vector<16xf32>
    }
    %dma_wait3A_123 = arith.constant 0 : i32
    %dma_wait3A_124 = tpu.memref_slice %arg4[%dma_wait3A_123] : memref<6400000xi32, #tpu.memory_space<hbm>> -> memref<2000xi32, #tpu.memory_space<hbm>>
    %dma_wait3A_125 = arith.constant 0 : i32
    %dma_wait3A_126 = tpu.memref_slice %arg4[%dma_wait3A_125] : memref<6400000xi32, #tpu.memory_space<hbm>> -> memref<2000xi32, #tpu.memory_space<hbm>>
    tpu.wait_dma2 semaphore(%arg20 : memref<!tpu.dma_semaphore, #tpu.memory_space<semaphore_mem>>) src(%dma_wait3A_126 : memref<2000xi32, #tpu.memory_space<hbm>>) dst(%arg9 : memref<2000xi32, #tpu.memory_space<vmem>>)
    %dma_wait3A_127 = arith.constant 0 : i32
    %dma_wait3A_128 = tpu.memref_slice %arg3[%dma_wait3A_127] : memref<6400000xf32, #tpu.memory_space<hbm>> -> memref<2000xf32, #tpu.memory_space<hbm>>
    %dma_wait3A_129 = arith.constant 0 : i32
    %dma_wait3A_130 = tpu.memref_slice %arg3[%dma_wait3A_129] : memref<6400000xf32, #tpu.memory_space<hbm>> -> memref<2000xf32, #tpu.memory_space<hbm>>
    tpu.wait_dma2 semaphore(%arg20 : memref<!tpu.dma_semaphore, #tpu.memory_space<semaphore_mem>>) src(%dma_wait3A_130 : memref<2000xf32, #tpu.memory_space<hbm>>) dst(%arg14 : memref<2000xf32, #tpu.memory_space<vmem>>)
    %while3A_131 = arith.constant 0 : i32
    %while3A_132 = arith.constant 25 : i32
    %while3A_133 = arith.subi %while3A_132, %while3A_131 : i32
    %while3A_134 = arith.addi %while3A_131, %while3A_133 : i32
    %while3A_135 = arith.constant 1 : i32
    %while3A_136 = arith.divsi %while3A_133, %while3A_135 : i32
    %while3A_137 = arith.muli %while3A_136, %while3A_135 : i32
    %while3A_138 = arith.addi %while3A_131, %while3A_137 : i32
    %while3A_139 = arith.constant 1 : i32
    %while3A_140 = scf.for %while3A_184 = %while3A_131 to %while3A_138 step %while3A_139 iter_args(%while3A_185 = %while3A_122) -> (vector<16xf32>)  : i32 {
      %mul3A_186 = arith.constant 80 : i32
      %mul3A_187 = arith.muli %while3A_184, %mul3A_186 : i32
      %add3A_188 = arith.constant 0 : i32
      %add3A_189 = arith.addi %mul3A_187, %add3A_188 : i32
      %get3A = arith.index_cast %add3A_189 : i32 to index
      %get3A_190 = tpu.vector_load %arg9[%get3A] {strides = array<i32>} : memref<2000xi32, #tpu.memory_space<vmem>>, vector<16xi32>,
      %add3A_191 = arith.constant 0 : i32
      %add3A_192 = arith.addi %mul3A_187, %add3A_191 : i32
      %get3A_193 = arith.index_cast %add3A_192 : i32 to index
      %get3A_194 = tpu.vector_load %arg14[%get3A_193] {strides = array<i32>} : memref<2000xf32, #tpu.memory_space<vmem>>, vector<16xf32>,
      %gather3A = tpu.vector_load_idx %arg6[%get3A_190] : memref<100000xf32, #tpu.memory_space<vmem>>[vector<16xi32>], vector<16xf32>,
      %mul3A_195 = arith.mulf %gather3A, %get3A_194 : vector<16xf32>
      %add3A_196 = arith.addf %while3A_185, %mul3A_195 : vector<16xf32>
      %add3A_197 = arith.constant 16 : i32
      %add3A_198 = arith.addi %mul3A_187, %add3A_197 : i32
      %get3A_199 = arith.index_cast %add3A_198 : i32 to index
      %get3A_200 = tpu.vector_load %arg9[%get3A_199] {strides = array<i32>} : memref<2000xi32, #tpu.memory_space<vmem>>, vector<16xi32>,
      %add3A_201 = arith.constant 16 : i32
      %add3A_202 = arith.addi %mul3A_187, %add3A_201 : i32
      %get3A_203 = arith.index_cast %add3A_202 : i32 to index
      %get3A_204 = tpu.vector_load %arg14[%get3A_203] {strides = array<i32>} : memref<2000xf32, #tpu.memory_space<vmem>>, vector<16xf32>,
      %gather3A_205 = tpu.vector_load_idx %arg6[%get3A_200] : memref<100000xf32, #tpu.memory_space<vmem>>[vector<16xi32>], vector<16xf32>,
      %mul3A_206 = arith.mulf %gather3A_205, %get3A_204 : vector<16xf32>
      %add3A_207 = arith.addf %add3A_196, %mul3A_206 : vector<16xf32>
      %add3A_208 = arith.constant 32 : i32
      %add3A_209 = arith.addi %mul3A_187, %add3A_208 : i32
      %get3A_210 = arith.index_cast %add3A_209 : i32 to index
      %get3A_211 = tpu.vector_load %arg9[%get3A_210] {strides = array<i32>} : memref<2000xi32, #tpu.memory_space<vmem>>, vector<16xi32>,
      %add3A_212 = arith.constant 32 : i32
      %add3A_213 = arith.addi %mul3A_187, %add3A_212 : i32
      %get3A_214 = arith.index_cast %add3A_213 : i32 to index
      %get3A_215 = tpu.vector_load %arg14[%get3A_214] {strides = array<i32>} : memref<2000xf32, #tpu.memory_space<vmem>>, vector<16xf32>,
      %gather3A_216 = tpu.vector_load_idx %arg6[%get3A_211] : memref<100000xf32, #tpu.memory_space<vmem>>[vector<16xi32>], vector<16xf32>,
      %mul3A_217 = arith.mulf %gather3A_216, %get3A_215 : vector<16xf32>
      %add3A_218 = arith.addf %add3A_207, %mul3A_217 : vector<16xf32>
      %add3A_219 = arith.constant 48 : i32
      %add3A_220 = arith.addi %mul3A_187, %add3A_219 : i32
      %get3A_221 = arith.index_cast %add3A_220 : i32 to index
      %get3A_222 = tpu.vector_load %arg9[%get3A_221] {strides = array<i32>} : memref<2000xi32, #tpu.memory_space<vmem>>, vector<16xi32>,
      %add3A_223 = arith.constant 48 : i32
      %add3A_224 = arith.addi %mul3A_187, %add3A_223 : i32
      %get3A_225 = arith.index_cast %add3A_224 : i32 to index
      %get3A_226 = tpu.vector_load %arg14[%get3A_225] {strides = array<i32>} : memref<2000xf32, #tpu.memory_space<vmem>>, vector<16xf32>,
      %gather3A_227 = tpu.vector_load_idx %arg6[%get3A_222] : memref<100000xf32, #tpu.memory_space<vmem>>[vector<16xi32>], vector<16xf32>,
      %mul3A_228 = arith.mulf %gather3A_227, %get3A_226 : vector<16xf32>
      %add3A_229 = arith.addf %add3A_218, %mul3A_228 : vector<16xf32>
      %add3A_230 = arith.constant 64 : i32
      %add3A_231 = arith.addi %mul3A_187, %add3A_230 : i32
      %get3A_232 = arith.index_cast %add3A_231 : i32 to index
      %get3A_233 = tpu.vector_load %arg9[%get3A_232] {strides = array<i32>} : memref<2000xi32, #tpu.memory_space<vmem>>, vector<16xi32>,
      %add3A_234 = arith.constant 64 : i32
      %add3A_235 = arith.addi %mul3A_187, %add3A_234 : i32
      %get3A_236 = arith.index_cast %add3A_235 : i32 to index
      %get3A_237 = tpu.vector_load %arg14[%get3A_236] {strides = array<i32>} : memref<2000xf32, #tpu.memory_space<vmem>>, vector<16xf32>,
      %gather3A_238 = tpu.vector_load_idx %arg6[%get3A_233] : memref<100000xf32, #tpu.memory_space<vmem>>[vector<16xi32>], vector<16xf32>,
      %mul3A_239 = arith.mulf %gather3A_238, %get3A_237 : vector<16xf32>
      %add3A_240 = arith.addf %add3A_229, %mul3A_239 : vector<16xf32>
      scf.yield %add3A_240 : vector<16xf32>
    }
    %while3A_141 = arith.constant 1 : i32
    %while3A_142 = scf.for %while3A_184 = %while3A_138 to %while3A_134 step %while3A_141 iter_args(%while3A_185 = %while3A_140) -> (vector<16xf32>)  : i32 {
      %mul3A_186 = arith.constant 80 : i32
      %mul3A_187 = arith.muli %while3A_184, %mul3A_186 : i32
      %add3A_188 = arith.constant 0 : i32
      %add3A_189 = arith.addi %mul3A_187, %add3A_188 : i32
      %get3A = arith.index_cast %add3A_189 : i32 to index
      %get3A_190 = tpu.vector_load %arg9[%get3A] {strides = array<i32>} : memref<2000xi32, #tpu.memory_space<vmem>>, vector<16xi32>,
      %add3A_191 = arith.constant 0 : i32
      %add3A_192 = arith.addi %mul3A_187, %add3A_191 : i32
      %get3A_193 = arith.index_cast %add3A_192 : i32 to index
      %get3A_194 = tpu.vector_load %arg14[%get3A_193] {strides = array<i32>} : memref<2000xf32, #tpu.memory_space<vmem>>, vector<16xf32>,
      %gather3A = tpu.vector_load_idx %arg6[%get3A_190] : memref<100000xf32, #tpu.memory_space<vmem>>[vector<16xi32>], vector<16xf32>,
      %mul3A_195 = arith.mulf %gather3A, %get3A_194 : vector<16xf32>
      %add3A_196 = arith.addf %while3A_185, %mul3A_195 : vector<16xf32>
      %add3A_197 = arith.constant 16 : i32
      %add3A_198 = arith.addi %mul3A_187, %add3A_197 : i32
      %get3A_199 = arith.index_cast %add3A_198 : i32 to index
      %get3A_200 = tpu.vector_load %arg9[%get3A_199] {strides = array<i32>} : memref<2000xi32, #tpu.memory_space<vmem>>, vector<16xi32>,
      %add3A_201 = arith.constant 16 : i32
      %add3A_202 = arith.addi %mul3A_187, %add3A_201 : i32
      %get3A_203 = arith.index_cast %add3A_202 : i32 to index
      %get3A_204 = tpu.vector_load %arg14[%get3A_203] {strides = array<i32>} : memref<2000xf32, #tpu.memory_space<vmem>>, vector<16xf32>,
      %gather3A_205 = tpu.vector_load_idx %arg6[%get3A_200] : memref<100000xf32, #tpu.memory_space<vmem>>[vector<16xi32>], vector<16xf32>,
      %mul3A_206 = arith.mulf %gather3A_205, %get3A_204 : vector<16xf32>
      %add3A_207 = arith.addf %add3A_196, %mul3A_206 : vector<16xf32>
      %add3A_208 = arith.constant 32 : i32
      %add3A_209 = arith.addi %mul3A_187, %add3A_208 : i32
      %get3A_210 = arith.index_cast %add3A_209 : i32 to index
      %get3A_211 = tpu.vector_load %arg9[%get3A_210] {strides = array<i32>} : memref<2000xi32, #tpu.memory_space<vmem>>, vector<16xi32>,
      %add3A_212 = arith.constant 32 : i32
      %add3A_213 = arith.addi %mul3A_187, %add3A_212 : i32
      %get3A_214 = arith.index_cast %add3A_213 : i32 to index
      %get3A_215 = tpu.vector_load %arg14[%get3A_214] {strides = array<i32>} : memref<2000xf32, #tpu.memory_space<vmem>>, vector<16xf32>,
      %gather3A_216 = tpu.vector_load_idx %arg6[%get3A_211] : memref<100000xf32, #tpu.memory_space<vmem>>[vector<16xi32>], vector<16xf32>,
      %mul3A_217 = arith.mulf %gather3A_216, %get3A_215 : vector<16xf32>
      %add3A_218 = arith.addf %add3A_207, %mul3A_217 : vector<16xf32>
      %add3A_219 = arith.constant 48 : i32
      %add3A_220 = arith.addi %mul3A_187, %add3A_219 : i32
      %get3A_221 = arith.index_cast %add3A_220 : i32 to index
      %get3A_222 = tpu.vector_load %arg9[%get3A_221] {strides = array<i32>} : memref<2000xi32, #tpu.memory_space<vmem>>, vector<16xi32>,
      %add3A_223 = arith.constant 48 : i32
      %add3A_224 = arith.addi %mul3A_187, %add3A_223 : i32
      %get3A_225 = arith.index_cast %add3A_224 : i32 to index
      %get3A_226 = tpu.vector_load %arg14[%get3A_225] {strides = array<i32>} : memref<2000xf32, #tpu.memory_space<vmem>>, vector<16xf32>,
      %gather3A_227 = tpu.vector_load_idx %arg6[%get3A_222] : memref<100000xf32, #tpu.memory_space<vmem>>[vector<16xi32>], vector<16xf32>,
      %mul3A_228 = arith.mulf %gather3A_227, %get3A_226 : vector<16xf32>
      %add3A_229 = arith.addf %add3A_218, %mul3A_228 : vector<16xf32>
      %add3A_230 = arith.constant 64 : i32
      %add3A_231 = arith.addi %mul3A_187, %add3A_230 : i32
      %get3A_232 = arith.index_cast %add3A_231 : i32 to index
      %get3A_233 = tpu.vector_load %arg9[%get3A_232] {strides = array<i32>} : memref<2000xi32, #tpu.memory_space<vmem>>, vector<16xi32>,
      %add3A_234 = arith.constant 64 : i32
      %add3A_235 = arith.addi %mul3A_187, %add3A_234 : i32
      %get3A_236 = arith.index_cast %add3A_235 : i32 to index
      %get3A_237 = tpu.vector_load %arg14[%get3A_236] {strides = array<i32>} : memref<2000xf32, #tpu.memory_space<vmem>>, vector<16xf32>,
      %gather3A_238 = tpu.vector_load_idx %arg6[%get3A_233] : memref<100000xf32, #tpu.memory_space<vmem>>[vector<16xi32>], vector<16xf32>,
      %mul3A_239 = arith.mulf %gather3A_238, %get3A_237 : vector<16xf32>
      %add3A_240 = arith.addf %add3A_229, %mul3A_239 : vector<16xf32>
      scf.yield %add3A_240 : vector<16xf32>
    }
    %dma_wait3A_143 = arith.constant 0 : i32
    %dma_wait3A_144 = tpu.memref_slice %arg4[%dma_wait3A_143] : memref<6400000xi32, #tpu.memory_space<hbm>> -> memref<2000xi32, #tpu.memory_space<hbm>>
    %dma_wait3A_145 = arith.constant 0 : i32
    %dma_wait3A_146 = tpu.memref_slice %arg4[%dma_wait3A_145] : memref<6400000xi32, #tpu.memory_space<hbm>> -> memref<2000xi32, #tpu.memory_space<hbm>>
    tpu.wait_dma2 semaphore(%arg21 : memref<!tpu.dma_semaphore, #tpu.memory_space<semaphore_mem>>) src(%dma_wait3A_146 : memref<2000xi32, #tpu.memory_space<hbm>>) dst(%arg10 : memref<2000xi32, #tpu.memory_space<vmem>>)
    %dma_wait3A_147 = arith.constant 0 : i32
    %dma_wait3A_148 = tpu.memref_slice %arg3[%dma_wait3A_147] : memref<6400000xf32, #tpu.memory_space<hbm>> -> memref<2000xf32, #tpu.memory_space<hbm>>
    %dma_wait3A_149 = arith.constant 0 : i32
    %dma_wait3A_150 = tpu.memref_slice %arg3[%dma_wait3A_149] : memref<6400000xf32, #tpu.memory_space<hbm>> -> memref<2000xf32, #tpu.memory_space<hbm>>
    tpu.wait_dma2 semaphore(%arg21 : memref<!tpu.dma_semaphore, #tpu.memory_space<semaphore_mem>>) src(%dma_wait3A_150 : memref<2000xf32, #tpu.memory_space<hbm>>) dst(%arg15 : memref<2000xf32, #tpu.memory_space<vmem>>)
    %while3A_151 = arith.constant 0 : i32
    %while3A_152 = arith.constant 25 : i32
    %while3A_153 = arith.subi %while3A_152, %while3A_151 : i32
    %while3A_154 = arith.addi %while3A_151, %while3A_153 : i32
    %while3A_155 = arith.constant 1 : i32
    %while3A_156 = arith.divsi %while3A_153, %while3A_155 : i32
    %while3A_157 = arith.muli %while3A_156, %while3A_155 : i32
    %while3A_158 = arith.addi %while3A_151, %while3A_157 : i32
    %while3A_159 = arith.constant 1 : i32
    %while3A_160 = scf.for %while3A_184 = %while3A_151 to %while3A_158 step %while3A_159 iter_args(%while3A_185 = %while3A_142) -> (vector<16xf32>)  : i32 {
      %mul3A_186 = arith.constant 80 : i32
      %mul3A_187 = arith.muli %while3A_184, %mul3A_186 : i32
      %add3A_188 = arith.constant 0 : i32
      %add3A_189 = arith.addi %mul3A_187, %add3A_188 : i32
      %get3A = arith.index_cast %add3A_189 : i32 to index
      %get3A_190 = tpu.vector_load %arg10[%get3A] {strides = array<i32>} : memref<2000xi32, #tpu.memory_space<vmem>>, vector<16xi32>,
      %add3A_191 = arith.constant 0 : i32
      %add3A_192 = arith.addi %mul3A_187, %add3A_191 : i32
      %get3A_193 = arith.index_cast %add3A_192 : i32 to index
      %get3A_194 = tpu.vector_load %arg15[%get3A_193] {strides = array<i32>} : memref<2000xf32, #tpu.memory_space<vmem>>, vector<16xf32>,
      %gather3A = tpu.vector_load_idx %arg6[%get3A_190] : memref<100000xf32, #tpu.memory_space<vmem>>[vector<16xi32>], vector<16xf32>,
      %mul3A_195 = arith.mulf %gather3A, %get3A_194 : vector<16xf32>
      %add3A_196 = arith.addf %while3A_185, %mul3A_195 : vector<16xf32>
      %add3A_197 = arith.constant 16 : i32
      %add3A_198 = arith.addi %mul3A_187, %add3A_197 : i32
      %get3A_199 = arith.index_cast %add3A_198 : i32 to index
      %get3A_200 = tpu.vector_load %arg10[%get3A_199] {strides = array<i32>} : memref<2000xi32, #tpu.memory_space<vmem>>, vector<16xi32>,
      %add3A_201 = arith.constant 16 : i32
      %add3A_202 = arith.addi %mul3A_187, %add3A_201 : i32
      %get3A_203 = arith.index_cast %add3A_202 : i32 to index
      %get3A_204 = tpu.vector_load %arg15[%get3A_203] {strides = array<i32>} : memref<2000xf32, #tpu.memory_space<vmem>>, vector<16xf32>,
      %gather3A_205 = tpu.vector_load_idx %arg6[%get3A_200] : memref<100000xf32, #tpu.memory_space<vmem>>[vector<16xi32>], vector<16xf32>,
      %mul3A_206 = arith.mulf %gather3A_205, %get3A_204 : vector<16xf32>
      %add3A_207 = arith.addf %add3A_196, %mul3A_206 : vector<16xf32>
      %add3A_208 = arith.constant 32 : i32
      %add3A_209 = arith.addi %mul3A_187, %add3A_208 : i32
      %get3A_210 = arith.index_cast %add3A_209 : i32 to index
      %get3A_211 = tpu.vector_load %arg10[%get3A_210] {strides = array<i32>} : memref<2000xi32, #tpu.memory_space<vmem>>, vector<16xi32>,
      %add3A_212 = arith.constant 32 : i32
      %add3A_213 = arith.addi %mul3A_187, %add3A_212 : i32
      %get3A_214 = arith.index_cast %add3A_213 : i32 to index
      %get3A_215 = tpu.vector_load %arg15[%get3A_214] {strides = array<i32>} : memref<2000xf32, #tpu.memory_space<vmem>>, vector<16xf32>,
      %gather3A_216 = tpu.vector_load_idx %arg6[%get3A_211] : memref<100000xf32, #tpu.memory_space<vmem>>[vector<16xi32>], vector<16xf32>,
      %mul3A_217 = arith.mulf %gather3A_216, %get3A_215 : vector<16xf32>
      %add3A_218 = arith.addf %add3A_207, %mul3A_217 : vector<16xf32>
      %add3A_219 = arith.constant 48 : i32
      %add3A_220 = arith.addi %mul3A_187, %add3A_219 : i32
      %get3A_221 = arith.index_cast %add3A_220 : i32 to index
      %get3A_222 = tpu.vector_load %arg10[%get3A_221] {strides = array<i32>} : memref<2000xi32, #tpu.memory_space<vmem>>, vector<16xi32>,
      %add3A_223 = arith.constant 48 : i32
      %add3A_224 = arith.addi %mul3A_187, %add3A_223 : i32
      %get3A_225 = arith.index_cast %add3A_224 : i32 to index
      %get3A_226 = tpu.vector_load %arg15[%get3A_225] {strides = array<i32>} : memref<2000xf32, #tpu.memory_space<vmem>>, vector<16xf32>,
      %gather3A_227 = tpu.vector_load_idx %arg6[%get3A_222] : memref<100000xf32, #tpu.memory_space<vmem>>[vector<16xi32>], vector<16xf32>,
      %mul3A_228 = arith.mulf %gather3A_227, %get3A_226 : vector<16xf32>
      %add3A_229 = arith.addf %add3A_218, %mul3A_228 : vector<16xf32>
      %add3A_230 = arith.constant 64 : i32
      %add3A_231 = arith.addi %mul3A_187, %add3A_230 : i32
      %get3A_232 = arith.index_cast %add3A_231 : i32 to index
      %get3A_233 = tpu.vector_load %arg10[%get3A_232] {strides = array<i32>} : memref<2000xi32, #tpu.memory_space<vmem>>, vector<16xi32>,
      %add3A_234 = arith.constant 64 : i32
      %add3A_235 = arith.addi %mul3A_187, %add3A_234 : i32
      %get3A_236 = arith.index_cast %add3A_235 : i32 to index
      %get3A_237 = tpu.vector_load %arg15[%get3A_236] {strides = array<i32>} : memref<2000xf32, #tpu.memory_space<vmem>>, vector<16xf32>,
      %gather3A_238 = tpu.vector_load_idx %arg6[%get3A_233] : memref<100000xf32, #tpu.memory_space<vmem>>[vector<16xi32>], vector<16xf32>,
      %mul3A_239 = arith.mulf %gather3A_238, %get3A_237 : vector<16xf32>
      %add3A_240 = arith.addf %add3A_229, %mul3A_239 : vector<16xf32>
      scf.yield %add3A_240 : vector<16xf32>
    }
    %while3A_161 = arith.constant 1 : i32
    %while3A_162 = scf.for %while3A_184 = %while3A_158 to %while3A_154 step %while3A_161 iter_args(%while3A_185 = %while3A_160) -> (vector<16xf32>)  : i32 {
      %mul3A_186 = arith.constant 80 : i32
      %mul3A_187 = arith.muli %while3A_184, %mul3A_186 : i32
      %add3A_188 = arith.constant 0 : i32
      %add3A_189 = arith.addi %mul3A_187, %add3A_188 : i32
      %get3A = arith.index_cast %add3A_189 : i32 to index
      %get3A_190 = tpu.vector_load %arg10[%get3A] {strides = array<i32>} : memref<2000xi32, #tpu.memory_space<vmem>>, vector<16xi32>,
      %add3A_191 = arith.constant 0 : i32
      %add3A_192 = arith.addi %mul3A_187, %add3A_191 : i32
      %get3A_193 = arith.index_cast %add3A_192 : i32 to index
      %get3A_194 = tpu.vector_load %arg15[%get3A_193] {strides = array<i32>} : memref<2000xf32, #tpu.memory_space<vmem>>, vector<16xf32>,
      %gather3A = tpu.vector_load_idx %arg6[%get3A_190] : memref<100000xf32, #tpu.memory_space<vmem>>[vector<16xi32>], vector<16xf32>,
      %mul3A_195 = arith.mulf %gather3A, %get3A_194 : vector<16xf32>
      %add3A_196 = arith.addf %while3A_185, %mul3A_195 : vector<16xf32>
      %add3A_197 = arith.constant 16 : i32
      %add3A_198 = arith.addi %mul3A_187, %add3A_197 : i32
      %get3A_199 = arith.index_cast %add3A_198 : i32 to index
      %get3A_200 = tpu.vector_load %arg10[%get3A_199] {strides = array<i32>} : memref<2000xi32, #tpu.memory_space<vmem>>, vector<16xi32>,
      %add3A_201 = arith.constant 16 : i32
      %add3A_202 = arith.addi %mul3A_187, %add3A_201 : i32
      %get3A_203 = arith.index_cast %add3A_202 : i32 to index
      %get3A_204 = tpu.vector_load %arg15[%get3A_203] {strides = array<i32>} : memref<2000xf32, #tpu.memory_space<vmem>>, vector<16xf32>,
      %gather3A_205 = tpu.vector_load_idx %arg6[%get3A_200] : memref<100000xf32, #tpu.memory_space<vmem>>[vector<16xi32>], vector<16xf32>,
      %mul3A_206 = arith.mulf %gather3A_205, %get3A_204 : vector<16xf32>
      %add3A_207 = arith.addf %add3A_196, %mul3A_206 : vector<16xf32>
      %add3A_208 = arith.constant 32 : i32
      %add3A_209 = arith.addi %mul3A_187, %add3A_208 : i32
      %get3A_210 = arith.index_cast %add3A_209 : i32 to index
      %get3A_211 = tpu.vector_load %arg10[%get3A_210] {strides = array<i32>} : memref<2000xi32, #tpu.memory_space<vmem>>, vector<16xi32>,
      %add3A_212 = arith.constant 32 : i32
      %add3A_213 = arith.addi %mul3A_187, %add3A_212 : i32
      %get3A_214 = arith.index_cast %add3A_213 : i32 to index
      %get3A_215 = tpu.vector_load %arg15[%get3A_214] {strides = array<i32>} : memref<2000xf32, #tpu.memory_space<vmem>>, vector<16xf32>,
      %gather3A_216 = tpu.vector_load_idx %arg6[%get3A_211] : memref<100000xf32, #tpu.memory_space<vmem>>[vector<16xi32>], vector<16xf32>,
      %mul3A_217 = arith.mulf %gather3A_216, %get3A_215 : vector<16xf32>
      %add3A_218 = arith.addf %add3A_207, %mul3A_217 : vector<16xf32>
      %add3A_219 = arith.constant 48 : i32
      %add3A_220 = arith.addi %mul3A_187, %add3A_219 : i32
      %get3A_221 = arith.index_cast %add3A_220 : i32 to index
      %get3A_222 = tpu.vector_load %arg10[%get3A_221] {strides = array<i32>} : memref<2000xi32, #tpu.memory_space<vmem>>, vector<16xi32>,
      %add3A_223 = arith.constant 48 : i32
      %add3A_224 = arith.addi %mul3A_187, %add3A_223 : i32
      %get3A_225 = arith.index_cast %add3A_224 : i32 to index
      %get3A_226 = tpu.vector_load %arg15[%get3A_225] {strides = array<i32>} : memref<2000xf32, #tpu.memory_space<vmem>>, vector<16xf32>,
      %gather3A_227 = tpu.vector_load_idx %arg6[%get3A_222] : memref<100000xf32, #tpu.memory_space<vmem>>[vector<16xi32>], vector<16xf32>,
      %mul3A_228 = arith.mulf %gather3A_227, %get3A_226 : vector<16xf32>
      %add3A_229 = arith.addf %add3A_218, %mul3A_228 : vector<16xf32>
      %add3A_230 = arith.constant 64 : i32
      %add3A_231 = arith.addi %mul3A_187, %add3A_230 : i32
      %get3A_232 = arith.index_cast %add3A_231 : i32 to index
      %get3A_233 = tpu.vector_load %arg10[%get3A_232] {strides = array<i32>} : memref<2000xi32, #tpu.memory_space<vmem>>, vector<16xi32>,
      %add3A_234 = arith.constant 64 : i32
      %add3A_235 = arith.addi %mul3A_187, %add3A_234 : i32
      %get3A_236 = arith.index_cast %add3A_235 : i32 to index
      %get3A_237 = tpu.vector_load %arg15[%get3A_236] {strides = array<i32>} : memref<2000xf32, #tpu.memory_space<vmem>>, vector<16xf32>,
      %gather3A_238 = tpu.vector_load_idx %arg6[%get3A_233] : memref<100000xf32, #tpu.memory_space<vmem>>[vector<16xi32>], vector<16xf32>,
      %mul3A_239 = arith.mulf %gather3A_238, %get3A_237 : vector<16xf32>
      %add3A_240 = arith.addf %add3A_229, %mul3A_239 : vector<16xf32>
      scf.yield %add3A_240 : vector<16xf32>
    }
    %dma_wait3A_163 = arith.constant 0 : i32
    %dma_wait3A_164 = tpu.memref_slice %arg4[%dma_wait3A_163] : memref<6400000xi32, #tpu.memory_space<hbm>> -> memref<2000xi32, #tpu.memory_space<hbm>>
    %dma_wait3A_165 = arith.constant 0 : i32
    %dma_wait3A_166 = tpu.memref_slice %arg4[%dma_wait3A_165] : memref<6400000xi32, #tpu.memory_space<hbm>> -> memref<2000xi32, #tpu.memory_space<hbm>>
    tpu.wait_dma2 semaphore(%arg22 : memref<!tpu.dma_semaphore, #tpu.memory_space<semaphore_mem>>) src(%dma_wait3A_166 : memref<2000xi32, #tpu.memory_space<hbm>>) dst(%arg11 : memref<2000xi32, #tpu.memory_space<vmem>>)
    %dma_wait3A_167 = arith.constant 0 : i32
    %dma_wait3A_168 = tpu.memref_slice %arg3[%dma_wait3A_167] : memref<6400000xf32, #tpu.memory_space<hbm>> -> memref<2000xf32, #tpu.memory_space<hbm>>
    %dma_wait3A_169 = arith.constant 0 : i32
    %dma_wait3A_170 = tpu.memref_slice %arg3[%dma_wait3A_169] : memref<6400000xf32, #tpu.memory_space<hbm>> -> memref<2000xf32, #tpu.memory_space<hbm>>
    tpu.wait_dma2 semaphore(%arg22 : memref<!tpu.dma_semaphore, #tpu.memory_space<semaphore_mem>>) src(%dma_wait3A_170 : memref<2000xf32, #tpu.memory_space<hbm>>) dst(%arg16 : memref<2000xf32, #tpu.memory_space<vmem>>)
    %while3A_171 = arith.constant 0 : i32
    %while3A_172 = arith.constant 25 : i32
    %while3A_173 = arith.subi %while3A_172, %while3A_171 : i32
    %while3A_174 = arith.addi %while3A_171, %while3A_173 : i32
    %while3A_175 = arith.constant 1 : i32
    %while3A_176 = arith.divsi %while3A_173, %while3A_175 : i32
    %while3A_177 = arith.muli %while3A_176, %while3A_175 : i32
    %while3A_178 = arith.addi %while3A_171, %while3A_177 : i32
    %while3A_179 = arith.constant 1 : i32
    %while3A_180 = scf.for %while3A_184 = %while3A_171 to %while3A_178 step %while3A_179 iter_args(%while3A_185 = %while3A_162) -> (vector<16xf32>)  : i32 {
      %mul3A_186 = arith.constant 80 : i32
      %mul3A_187 = arith.muli %while3A_184, %mul3A_186 : i32
      %add3A_188 = arith.constant 0 : i32
      %add3A_189 = arith.addi %mul3A_187, %add3A_188 : i32
      %get3A = arith.index_cast %add3A_189 : i32 to index
      %get3A_190 = tpu.vector_load %arg11[%get3A] {strides = array<i32>} : memref<2000xi32, #tpu.memory_space<vmem>>, vector<16xi32>,
      %add3A_191 = arith.constant 0 : i32
      %add3A_192 = arith.addi %mul3A_187, %add3A_191 : i32
      %get3A_193 = arith.index_cast %add3A_192 : i32 to index
      %get3A_194 = tpu.vector_load %arg16[%get3A_193] {strides = array<i32>} : memref<2000xf32, #tpu.memory_space<vmem>>, vector<16xf32>,
      %gather3A = tpu.vector_load_idx %arg6[%get3A_190] : memref<100000xf32, #tpu.memory_space<vmem>>[vector<16xi32>], vector<16xf32>,
      %mul3A_195 = arith.mulf %gather3A, %get3A_194 : vector<16xf32>
      %add3A_196 = arith.addf %while3A_185, %mul3A_195 : vector<16xf32>
      %add3A_197 = arith.constant 16 : i32
      %add3A_198 = arith.addi %mul3A_187, %add3A_197 : i32
      %get3A_199 = arith.index_cast %add3A_198 : i32 to index
      %get3A_200 = tpu.vector_load %arg11[%get3A_199] {strides = array<i32>} : memref<2000xi32, #tpu.memory_space<vmem>>, vector<16xi32>,
      %add3A_201 = arith.constant 16 : i32
      %add3A_202 = arith.addi %mul3A_187, %add3A_201 : i32
      %get3A_203 = arith.index_cast %add3A_202 : i32 to index
      %get3A_204 = tpu.vector_load %arg16[%get3A_203] {strides = array<i32>} : memref<2000xf32, #tpu.memory_space<vmem>>, vector<16xf32>,
      %gather3A_205 = tpu.vector_load_idx %arg6[%get3A_200] : memref<100000xf32, #tpu.memory_space<vmem>>[vector<16xi32>], vector<16xf32>,
      %mul3A_206 = arith.mulf %gather3A_205, %get3A_204 : vector<16xf32>
      %add3A_207 = arith.addf %add3A_196, %mul3A_206 : vector<16xf32>
      %add3A_208 = arith.constant 32 : i32
      %add3A_209 = arith.addi %mul3A_187, %add3A_208 : i32
      %get3A_210 = arith.index_cast %add3A_209 : i32 to index
      %get3A_211 = tpu.vector_load %arg11[%get3A_210] {strides = array<i32>} : memref<2000xi32, #tpu.memory_space<vmem>>, vector<16xi32>,
      %add3A_212 = arith.constant 32 : i32
      %add3A_213 = arith.addi %mul3A_187, %add3A_212 : i32
      %get3A_214 = arith.index_cast %add3A_213 : i32 to index
      %get3A_215 = tpu.vector_load %arg16[%get3A_214] {strides = array<i32>} : memref<2000xf32, #tpu.memory_space<vmem>>, vector<16xf32>,
      %gather3A_216 = tpu.vector_load_idx %arg6[%get3A_211] : memref<100000xf32, #tpu.memory_space<vmem>>[vector<16xi32>], vector<16xf32>,
      %mul3A_217 = arith.mulf %gather3A_216, %get3A_215 : vector<16xf32>
      %add3A_218 = arith.addf %add3A_207, %mul3A_217 : vector<16xf32>
      %add3A_219 = arith.constant 48 : i32
      %add3A_220 = arith.addi %mul3A_187, %add3A_219 : i32
      %get3A_221 = arith.index_cast %add3A_220 : i32 to index
      %get3A_222 = tpu.vector_load %arg11[%get3A_221] {strides = array<i32>} : memref<2000xi32, #tpu.memory_space<vmem>>, vector<16xi32>,
      %add3A_223 = arith.constant 48 : i32
      %add3A_224 = arith.addi %mul3A_187, %add3A_223 : i32
      %get3A_225 = arith.index_cast %add3A_224 : i32 to index
      %get3A_226 = tpu.vector_load %arg16[%get3A_225] {strides = array<i32>} : memref<2000xf32, #tpu.memory_space<vmem>>, vector<16xf32>,
      %gather3A_227 = tpu.vector_load_idx %arg6[%get3A_222] : memref<100000xf32, #tpu.memory_space<vmem>>[vector<16xi32>], vector<16xf32>,
      %mul3A_228 = arith.mulf %gather3A_227, %get3A_226 : vector<16xf32>
      %add3A_229 = arith.addf %add3A_218, %mul3A_228 : vector<16xf32>
      %add3A_230 = arith.constant 64 : i32
      %add3A_231 = arith.addi %mul3A_187, %add3A_230 : i32
      %get3A_232 = arith.index_cast %add3A_231 : i32 to index
      %get3A_233 = tpu.vector_load %arg11[%get3A_232] {strides = array<i32>} : memref<2000xi32, #tpu.memory_space<vmem>>, vector<16xi32>,
      %add3A_234 = arith.constant 64 : i32
      %add3A_235 = arith.addi %mul3A_187, %add3A_234 : i32
      %get3A_236 = arith.index_cast %add3A_235 : i32 to index
      %get3A_237 = tpu.vector_load %arg16[%get3A_236] {strides = array<i32>} : memref<2000xf32, #tpu.memory_space<vmem>>, vector<16xf32>,
      %gather3A_238 = tpu.vector_load_idx %arg6[%get3A_233] : memref<100000xf32, #tpu.memory_space<vmem>>[vector<16xi32>], vector<16xf32>,
      %mul3A_239 = arith.mulf %gather3A_238, %get3A_237 : vector<16xf32>
      %add3A_240 = arith.addf %add3A_229, %mul3A_239 : vector<16xf32>
      scf.yield %add3A_240 : vector<16xf32>
    }
    %while3A_181 = arith.constant 1 : i32
    %while3A_182 = scf.for %while3A_184 = %while3A_178 to %while3A_174 step %while3A_181 iter_args(%while3A_185 = %while3A_180) -> (vector<16xf32>)  : i32 {
      %mul3A_186 = arith.constant 80 : i32
      %mul3A_187 = arith.muli %while3A_184, %mul3A_186 : i32
      %add3A_188 = arith.constant 0 : i32
      %add3A_189 = arith.addi %mul3A_187, %add3A_188 : i32
      %get3A = arith.index_cast %add3A_189 : i32 to index
      %get3A_190 = tpu.vector_load %arg11[%get3A] {strides = array<i32>} : memref<2000xi32, #tpu.memory_space<vmem>>, vector<16xi32>,
      %add3A_191 = arith.constant 0 : i32
      %add3A_192 = arith.addi %mul3A_187, %add3A_191 : i32
      %get3A_193 = arith.index_cast %add3A_192 : i32 to index
      %get3A_194 = tpu.vector_load %arg16[%get3A_193] {strides = array<i32>} : memref<2000xf32, #tpu.memory_space<vmem>>, vector<16xf32>,
      %gather3A = tpu.vector_load_idx %arg6[%get3A_190] : memref<100000xf32, #tpu.memory_space<vmem>>[vector<16xi32>], vector<16xf32>,
      %mul3A_195 = arith.mulf %gather3A, %get3A_194 : vector<16xf32>
      %add3A_196 = arith.addf %while3A_185, %mul3A_195 : vector<16xf32>
      %add3A_197 = arith.constant 16 : i32
      %add3A_198 = arith.addi %mul3A_187, %add3A_197 : i32
      %get3A_199 = arith.index_cast %add3A_198 : i32 to index
      %get3A_200 = tpu.vector_load %arg11[%get3A_199] {strides = array<i32>} : memref<2000xi32, #tpu.memory_space<vmem>>, vector<16xi32>,
      %add3A_201 = arith.constant 16 : i32
      %add3A_202 = arith.addi %mul3A_187, %add3A_201 : i32
      %get3A_203 = arith.index_cast %add3A_202 : i32 to index
      %get3A_204 = tpu.vector_load %arg16[%get3A_203] {strides = array<i32>} : memref<2000xf32, #tpu.memory_space<vmem>>, vector<16xf32>,
      %gather3A_205 = tpu.vector_load_idx %arg6[%get3A_200] : memref<100000xf32, #tpu.memory_space<vmem>>[vector<16xi32>], vector<16xf32>,
      %mul3A_206 = arith.mulf %gather3A_205, %get3A_204 : vector<16xf32>
      %add3A_207 = arith.addf %add3A_196, %mul3A_206 : vector<16xf32>
      %add3A_208 = arith.constant 32 : i32
      %add3A_209 = arith.addi %mul3A_187, %add3A_208 : i32
      %get3A_210 = arith.index_cast %add3A_209 : i32 to index
      %get3A_211 = tpu.vector_load %arg11[%get3A_210] {strides = array<i32>} : memref<2000xi32, #tpu.memory_space<vmem>>, vector<16xi32>,
      %add3A_212 = arith.constant 32 : i32
      %add3A_213 = arith.addi %mul3A_187, %add3A_212 : i32
      %get3A_214 = arith.index_cast %add3A_213 : i32 to index
      %get3A_215 = tpu.vector_load %arg16[%get3A_214] {strides = array<i32>} : memref<2000xf32, #tpu.memory_space<vmem>>, vector<16xf32>,
      %gather3A_216 = tpu.vector_load_idx %arg6[%get3A_211] : memref<100000xf32, #tpu.memory_space<vmem>>[vector<16xi32>], vector<16xf32>,
      %mul3A_217 = arith.mulf %gather3A_216, %get3A_215 : vector<16xf32>
      %add3A_218 = arith.addf %add3A_207, %mul3A_217 : vector<16xf32>
      %add3A_219 = arith.constant 48 : i32
      %add3A_220 = arith.addi %mul3A_187, %add3A_219 : i32
      %get3A_221 = arith.index_cast %add3A_220 : i32 to index
      %get3A_222 = tpu.vector_load %arg11[%get3A_221] {strides = array<i32>} : memref<2000xi32, #tpu.memory_space<vmem>>, vector<16xi32>,
      %add3A_223 = arith.constant 48 : i32
      %add3A_224 = arith.addi %mul3A_187, %add3A_223 : i32
      %get3A_225 = arith.index_cast %add3A_224 : i32 to index
      %get3A_226 = tpu.vector_load %arg16[%get3A_225] {strides = array<i32>} : memref<2000xf32, #tpu.memory_space<vmem>>, vector<16xf32>,
      %gather3A_227 = tpu.vector_load_idx %arg6[%get3A_222] : memref<100000xf32, #tpu.memory_space<vmem>>[vector<16xi32>], vector<16xf32>,
      %mul3A_228 = arith.mulf %gather3A_227, %get3A_226 : vector<16xf32>
      %add3A_229 = arith.addf %add3A_218, %mul3A_228 : vector<16xf32>
      %add3A_230 = arith.constant 64 : i32
      %add3A_231 = arith.addi %mul3A_187, %add3A_230 : i32
      %get3A_232 = arith.index_cast %add3A_231 : i32 to index
      %get3A_233 = tpu.vector_load %arg11[%get3A_232] {strides = array<i32>} : memref<2000xi32, #tpu.memory_space<vmem>>, vector<16xi32>,
      %add3A_234 = arith.constant 64 : i32
      %add3A_235 = arith.addi %mul3A_187, %add3A_234 : i32
      %get3A_236 = arith.index_cast %add3A_235 : i32 to index
      %get3A_237 = tpu.vector_load %arg16[%get3A_236] {strides = array<i32>} : memref<2000xf32, #tpu.memory_space<vmem>>, vector<16xf32>,
      %gather3A_238 = tpu.vector_load_idx %arg6[%get3A_233] : memref<100000xf32, #tpu.memory_space<vmem>>[vector<16xi32>], vector<16xf32>,
      %mul3A_239 = arith.mulf %gather3A_238, %get3A_237 : vector<16xf32>
      %add3A_240 = arith.addf %add3A_229, %mul3A_239 : vector<16xf32>
      scf.yield %add3A_240 : vector<16xf32>
    }
    %swap3A = arith.constant 0 : index
    %swap3A_183 = tpu.vector_load %arg17[%swap3A] {strides = array<i32>} : memref<16xf32, #tpu.memory_space<vmem>>, vector<16xf32>,
    tpu.vector_store %arg17[%swap3A], %while3A_182 {strides = array<i32>} : memref<16xf32, #tpu.memory_space<vmem>>, vector<16xf32>,
    "tpu.region"() ({
      %run_scoped3A = tpu.sem_alloc : memref<!tpu.dma_semaphore, #tpu.memory_space<semaphore_mem>>
      %dma_start3A_184 = arith.constant 0 : i32
      %dma_start3A_185 = tpu.memref_slice %arg5[%add3A, %dma_start3A_184] : memref<32x16xf32, #tpu.memory_space<hbm>> -> memref<1x16xf32, #tpu.memory_space<hbm>>
      %dma_start3A_186 = tpu.memref_squeeze %dma_start3A_185 : memref<1x16xf32, #tpu.memory_space<hbm>> -> memref<16xf32, #tpu.memory_space<hbm>>
      %dma_start3A_187 = arith.constant 0 : i32
      %dma_start3A_188 = tpu.memref_slice %arg5[%add3A, %dma_start3A_187] : memref<32x16xf32, #tpu.memory_space<hbm>> -> memref<1x16xf32, #tpu.memory_space<hbm>>
      %dma_start3A_189 = tpu.memref_squeeze %dma_start3A_188 : memref<1x16xf32, #tpu.memory_space<hbm>> -> memref<16xf32, #tpu.memory_space<hbm>>
      tpu.enqueue_dma source(%arg17 : memref<16xf32, #tpu.memory_space<vmem>>) target(%dma_start3A_189 : memref<16xf32, #tpu.memory_space<hbm>>) target_semaphore(%run_scoped3A : memref<!tpu.dma_semaphore, #tpu.memory_space<semaphore_mem>>)
      %dma_wait3A_190 = arith.constant 0 : i32
      %dma_wait3A_191 = tpu.memref_slice %arg5[%add3A, %dma_wait3A_190] : memref<32x16xf32, #tpu.memory_space<hbm>> -> memref<1x16xf32, #tpu.memory_space<hbm>>
      %dma_wait3A_192 = tpu.memref_squeeze %dma_wait3A_191 : memref<1x16xf32, #tpu.memory_space<hbm>> -> memref<16xf32, #tpu.memory_space<hbm>>
      %dma_wait3A_193 = arith.constant 0 : i32
      %dma_wait3A_194 = tpu.memref_slice %arg5[%add3A, %dma_wait3A_193] : memref<32x16xf32, #tpu.memory_space<hbm>> -> memref<1x16xf32, #tpu.memory_space<hbm>>
      %dma_wait3A_195 = tpu.memref_squeeze %dma_wait3A_194 : memref<1x16xf32, #tpu.memory_space<hbm>> -> memref<16xf32, #tpu.memory_space<hbm>>
      tpu.wait_dma2 semaphore(%run_scoped3A : memref<!tpu.dma_semaphore, #tpu.memory_space<semaphore_mem>>) src(%arg17 : memref<16xf32, #tpu.memory_space<vmem>>) dst(%dma_wait3A_195 : memref<16xf32, #tpu.memory_space<hbm>>)
      tpu.yield
    }) : () -> ()
    return
  }
}

</mosaic_0001>

<sc_bundles>
// kernel: kernel.3.cloned.1.call-start
scs
__scs_entry_jumppad:
0x0: {  	(pc) =	sbr.rel $0x88, $3  }
0x1: {  	(tag) =	ssettag $0x0;
	lr =	simm.s32 $0x1  }
0x2: {  	[smem:$0x3F9E] =	sst lr;
	_ =	strace $0xD0000000  }
0x3: {  	_ = 	snop  }
0x4: {  	_ = 	snop  }
0x5: {  	_ = 	snop  }
0x6: {  	_ = 	snop  }
0x7: {  	_ = 	snop  }
__scs_overlays_trampoline_lowered:
0x8: {  	[smem:$0x3FAD] =	sst s0  }
0x9: {  	[smem:$0x3FAE] =	sst s1  }
0xa: {  	[smem:$0x3FAF] =	sst s2  }
0xb: {  	[smem:$0x3FB0] =	sst s3  }
0xc: {  	[smem:$0x3FB1] =	sst s4  }
0xd: {  	[smem:$0x3FB2] =	sst s5  }
0xe: {  	[smem:$0x3FB3] =	sst s6  }
0xf: {  	[smem:$0x3FB4] =	sst s7  }
0x10: {  	[smem:$0x3FB5] =	sst s8  }
0x11: {  	[smem:$0x3FB6] =	sst s9;
	s0 =	simm.s32 @!p0 $0x0  }
0x12: {  	s1 =	sld [smem:$0x3F9C];
	s0 =	simm.s32 @p0 $0x1  }
0x13: {  	[smem:$0x3FB7] =	sst s0;
	s0 =	simm.s32 @!p1 $0x0  }
0x14: {  	s2 =	sld [smem:$0x3F9B];
	s0 =	simm.s32 @p1 $0x1  }
0x15: {  	[smem:$0x3FB8] =	sst s0;
	s0 =	simm.s32 @!p2 $0x0  }
0x16: {  	s3 =	sld [smem:$0x3FDB];
	s0 =	simm.s32 @p2 $0x1  }
0x17: {  	s4 =	simm.s32 $0x1BF5;
	[smem:$0x3FBA] =	sst s0  }
0x18: {  	s0 =	sld [smem:$0x3F9D];
	_ =	swait.ge [sflag:s4], $0x0  }
0x19: {  	s7 =	sld [smem:$0x3F9E]  }
0x1a: {  	s8 =	sadd.s32 $0xFFFFE003, lr  }
0x1b: {  	s9 =	sadd.s32 $0xFFFFFEF7, lr;
	s5 =	simm.s32 $0xFFFFFFFF;
	p2 =	slt.u32 s8, $0xFFFFF086  }
0x1c: {  	p1 =	slt.u32 s9, $0xF7A;
	s5 =	simm.s32 @!p2 $0x0  }
0x1d: {  	s5 =	simm.s32 @p1 $0x1;
	p0 =	seq.s32 s7, s2  }
0x1e: {  	s7 =	smul.u32 @!p0 $0xF7A, s2;
	p2 =	seq.s32 @!p0 s5, $0x0  }
0x1f: {  	s9 =	smul.u32 $0xF7A, s1;
	s8 =	simm.s32 @!p0 $0x1BF5;
	p2 =	por !p2, p0  }
0x20: {  	[sflag:s8] =	ssyncset.s32 @!p0 $0xFFFFF086;
	s6 =	sadd.s32 @!p0 s3, s7;
	s7 =	simm.s32 @!p0 $0x108  }
0x21: {  	s3 =	sadd.s32 s3, s9;
	s6 =	sadd.s32 @!p0 $0x88, s6;
	s7 =	simm.s32 @p2 $0x1082  }
0x22: {  	[simem:s7], [sflag:s8] =	dma.local @!p0 [hbm:s6], $0xF7A  }
0x23: {  	s9 =	sor.u32 $0xD0000000, s2;
	s6 =	simm.s32 $0x108;
	_ =	swait.ge @!p0 [sflag:s8], $0x0  }
0x24: {  	s3 =	sadd.s32 $0x88, s3;
	s6 =	simm.s32 @!p1 $0x1082;
	[sflag:s4] =	ssyncset.s32 $0xFFFFF086  }
0x25: {  	[simem:s6], [sflag:s4] =	dma.local [hbm:s3], $0xF7A  }
0x26: {  	[smem:$0x3F9E] =	sst s1;
	(tag) =	ssettag s2;
	_ =	strace s9  }
0x27: {  	s1 =	sld [smem:$0x3FAE]  }
0x28: {  	s2 =	sld [smem:$0x3FAF]  }
0x29: {  	s4 =	sld [smem:$0x3FB1]  }
0x2a: {  	p0 =	seq.s32 s5, $0x0;
	s5 =	sld [smem:$0x3FB2]  }
0x2b: {  	s6 =	sld [smem:$0x3FB3]  }
0x2c: {  	s7 =	sld [smem:$0x3FB4]  }
0x2d: {  	s3 =	simm.s32 $0x108;
	s8 =	sld [smem:$0x3FB5]  }
0x2e: {  	s3 =	simm.s32 @!p0 $0x1082;
	s9 =	sld [smem:$0x3FB6]  }
0x2f: {  	lr =	sadd.s32 s0, s3;
	s0 =	sld [smem:$0x3FAD]  }
0x30: {  	s3 =	sld [smem:$0x3FB0]  }
0x31: {  	[smem:$0x3FB9] =	sst s10  }
0x32: {  	s10 =	sld [smem:$0x3FB7];
	_ =	sdelay $0x3  }
0x33: {  	p0 =	seq.s32 s10, $0x1;
	s10 =	sld [smem:$0x3FB9];
	_ =	sdelay $0x3  }
0x34: {  	[smem:$0x3FB9] =	sst s10  }
0x35: {  	s10 =	sld [smem:$0x3FB8];
	_ =	sdelay $0x3  }
0x36: {  	p1 =	seq.s32 s10, $0x1;
	s10 =	sld [smem:$0x3FB9];
	_ =	sdelay $0x3  }
0x37: {  	[smem:$0x3FB9] =	sst s10  }
0x38: {  	s10 =	sld [smem:$0x3FBA]  }
0x39: {  	_ = 	snop;
	(pc) =	sbr.ind lr, $3  }
0x3a: {  	_ = 	snop  }
0x3b: {  	_ = 	snop  }
0x3c: {  	p2 =	seq.s32 s10, $0x1;
	s10 =	sld [smem:$0x3FB9]  }
0x3d: {  	_ =	shalt  }
0x3e: {  	_ =	shalt  }
0x3f: {  	_ =	shalt  }
0x40: {  	_ =	shalt  }
0x41: {  	_ =	shalt  }
0x42: {  	_ =	shalt  }
0x43: {  	_ =	shalt  }
0x44: {  	_ =	shalt  }
0x45: {  	_ =	shalt  }
0x46: {  	_ =	shalt  }
0x47: {  	_ =	shalt  }
0x48: {  	_ =	shalt  }
0x49: {  	_ =	shalt  }
0x4a: {  	_ =	shalt  }
0x4b: {  	_ =	shalt  }
0x4c: {  	_ =	shalt  }
0x4d: {  	_ =	shalt  }
0x4e: {  	_ =	shalt  }
0x4f: {  	_ =	shalt  }
0x50: {  	_ =	shalt  }
0x51: {  	_ =	shalt  }
0x52: {  	_ =	shalt  }
0x53: {  	_ =	shalt  }
0x54: {  	_ =	shalt  }
0x55: {  	_ =	shalt  }
0x56: {  	_ =	shalt  }
0x57: {  	_ =	shalt  }
0x58: {  	_ =	shalt  }
0x59: {  	_ =	shalt  }
0x5a: {  	_ =	shalt  }
0x5b: {  	_ =	shalt  }
0x5c: {  	_ =	shalt  }
0x5d: {  	_ =	shalt  }
0x5e: {  	_ =	shalt  }
0x5f: {  	_ =	shalt  }
0x60: {  	_ =	shalt  }
0x61: {  	_ =	shalt  }
0x62: {  	_ =	shalt  }
0x63: {  	_ =	shalt  }
0x64: {  	_ =	shalt  }
0x65: {  	_ =	shalt  }
0x66: {  	_ =	shalt  }
0x67: {  	_ =	shalt  }
0x68: {  	_ =	shalt  }
0x69: {  	_ =	shalt  }
0x6a: {  	_ =	shalt  }
0x6b: {  	_ =	shalt  }
0x6c: {  	_ =	shalt  }
0x6d: {  	_ =	shalt  }
0x6e: {  	_ =	shalt  }
0x6f: {  	_ =	shalt  }
0x70: {  	_ =	shalt  }
0x71: {  	_ =	shalt  }
0x72: {  	_ =	shalt  }
0x73: {  	_ =	shalt  }
0x74: {  	_ =	shalt  }
0x75: {  	_ =	shalt  }
0x76: {  	_ =	shalt  }
0x77: {  	_ =	shalt  }
0x78: {  	_ =	shalt  }
0x79: {  	_ =	shalt  }
0x7a: {  	_ =	shalt  }
0x7b: {  	_ =	shalt  }
0x7c: {  	_ =	shalt  }
0x7d: {  	_ =	shalt  }
0x7e: {  	_ =	shalt  }
0x7f: {  	_ =	shalt  }
0x80: {  	_ =	shalt  }
0x81: {  	_ =	shalt  }
0x82: {  	_ =	shalt  }
0x83: {  	_ =	shalt  }
0x84: {  	_ =	shalt  }
0x85: {  	_ =	shalt  }
0x86: {  	_ =	shalt  }
0x87: {  	_ =	shalt  }
.Lfunc_end0:
.L_simem_size_0:
called_computation_lowered:
.L_overlay_start_0:
0x88: {  	s2 =	sld [smem:$0x3FD9]  }
0x89: {  	s3 =	sld [smem:$0x3FFE];
	_ =	sdelay $0x1  }
0x8a: {  	s1 =	srdreg.scid  }
0x8b: {  	s0 =	sand.u32 $0x1, s1  }
0x8c: {  	s16 =	sshll.u32 s0, $0xA;
	s2 =	sadd.s32 s3, s2  }
0x8d: {  	s2 =	sadd.s32 s2, s16  }
0x8e: {  	[smem:$0x3FC5] =	sst s2  }
0x8f: {  	_ = 	snop  }
0x90: {  	(tm) =	ssettm $0x1  }
0x91: {  	s17 =	sld [smem:$0x3FFB];
	_ =	sdelay $0x3  }
0x92: {  	_ =	strace s17  }
0x93: {  	s2 =	sld [smem:$0x3FFC];
	_ =	sdelay $0x3  }
0x94: {  	_ =	strace s2  }
0x95: {  	s2 =	sld [smem:$0x3FFD];
	_ =	sdelay $0x3  }
0x96: {  	_ =	strace s2  }
0x97: {  	_ =	strace $0x8FFFFFFF  }
0x98: {  	s18 =	sld [smem:$0x3FDB];
	_ =	sdelay $0x1  }
0x99: {  	s19 =	simm.s32 $_scs_section_size  }
0x9a: {  	s4 =	simm.s32 $_size__tile_overlayer_lowered;
	s5 =	simm.s32 $_tile_overlayer_lowered  }
0x9b: {  	s22 =	simm.s32 $0x1BFF;
	s21 =	sshll.u32 s5, $0x1;
	s2 =	sadd.s32 s19, s18  }
0x9c: {  	s6 =	simm.s32 $0x0;
	s20 =	sshll.u32 s4, $0x1;
	s4 =	sadd.s32 s21, s2  }
0x9d: {  	[timem:s6], [sflag:s22] =	dma.local [hbm:s4], s20  }
0x9e: {  	_ =	swait.ge [sflag:s22], s20  }
0x9f: {  	s3 =	ssub.s32 $0x0, s20;
	[sflag:s22] =	ssyncset.done $0x0  }
0xa0: {  	[sflag:s22] =	ssyncadd.s32 s3;
	_ =	sdelay $0x1  }
0xa1: {  	s23 =	simm.s32 $0x1B8B  }
0xa2: {  	_ =	swait.ge [sflag:s23], $0x1  }
0xa3: {  	[sflag:s23] =	ssyncset.done $0x0  }
0xa4: {  	s25 =	simm.s32 $0x1B8E;
	s24 =	sld [smem:$0x3FFE];
	[sflag:s23] =	ssyncadd.s32 $0xFFFFFFFF  }
0xa5: {  	s26 =	simm.s32 $execute0_lowered;
	[smem:$0x3FD2] =	sst s25  }
0xa6: {  	s4 =	sshll.u32 s26, $0x1;
	_ =	strace $0x80000046;
	[dreg:$0x1] =	wrdreg $0xFFFFFFFF  }
0xa7: {  	s28 =	simm.s32 $_size_execute0_lowered;
	s2 =	sadd.s32 s2, s4;
	[dreg:$0x0] =	wrdreg $0x0  }
0xa8: {  	s4 =	sshll.u32 s28, $0x1;
	[dreg:$0x2] =	wrdreg s2  }
0xa9: {  	[dreg:$0x3] =	wrdreg s4  }
0xaa: {  	[dreg:$0x4] =	wrdreg $0xC0  }
0xab: {  	_ =	task [dreg:s6], $0x5FFFF  }
0xac: {  	[dreg:$0x1] =	wrdreg $0xFFFFFFFF  }
0xad: {  	[dreg:$0x0] =	wrdreg $0x60  }
0xae: {  	[dreg:$0x2] =	wrdreg s24  }
0xaf: {  	[dreg:$0x3] =	wrdreg $0x9  }
0xb0: {  	_ =	task.clear_ibuf [dreg:s6], $0x4FFFF;
	_ =	strace $0x90000046  }
0xb1: {  	s29 =	simm.s32 $0x9;
	_ =	strace $0x80000048  }
0xb2: {  	_ =	swait.ge [sflag:s29], $0x1  }
0xb3: {  	[sflag:s29] =	ssyncadd.s32 $0xFFFFFFFF  }
0xb4: {  	_ =	strace $0x90000048  }
0xb5: {  	_ =	sfence  }
0xb6: {  	s30 =	sld [smem:$0x0];
	_ =	sdelay $0x2  }
0xb7: {  	s31 =	sshll.u32 s1, $0xD;
	s1 =	sshrl.u32 s1, $0x2  }
0xb8: {  	s3 =	sand.u32 $0x4000, s31;
	s1 =	sadd.s32 s1, s30  }
0xb9: {  	s0 =	sor.u32 s3, s0;
	s1 =	sshll.u32 s1, $0x11  }
0xba: {  	s0 =	sor.u32 s1, s0  }
0xbb: {  	s0 =	sadd.s32 $0x8F2B, s0  }
0xbc: {  	[sflag:s0] =	ssyncadd.remote.s32 $0x1  }
0xbd: {  	_ =	sfence.sel $0xFFFF  }
0xbe: {  	[dreg:$0x0] =	wrdreg $0xFFFFFFFF;
	(pc) =	sbr.abs _section_cstart, $3  }
0xbf: {  	[dreg:$0x1] =	wrdreg $0xFFFFFFFF  }
0xc0: {  	_ =	task.clear_ibuf [dreg:s6], $0x2FFFF;
	_ =	strace $0x9FFFFFFF  }
0xc1: {  	(tm) =	ssettm $0x7FFFFFFF  }
tec
execute0_lowered:
.L_overlay_start_1:
0x0: {  	(tag) =	ssettag $0x1  }
0x1: {  	s9 =	rddreg [dreg:$0x0];
	s0 =	srdreg.scid  }
0x2: {  	s1 =	stileid.u32;
	s3 =	simm.s32 $0x0;
	s29 =	simm.s32 $0x18700  }
0x3: {  	s30 =	simm.s32 $0x1AF00;
	s31 =	simm.s32 $0x18F00;
	s12 =	simm.s32 $0x6  }
0x4: {  	s0 =	sand.u32 $0x1, s0;
	s1 =	sshll.u32 s1, $0x1;
	[smem:$0x7FF] =	sst s3  }
0x5: {  	s4 =	sadd.s32 $0x189C00, s9;
	s5 =	sadd.s32 $0x24D200, s9;
	s1 =	sor.u32 s0, s1  }
0x6: {  	_ =	strace $0x80000047;
	s0 =	ssub.s32 $0x2, s0;
	s2 =	smul.u32 $0xC35, s1  }
0x7: {  	s7 =	sshll.u32 s1, $0x4;
	s8 =	sshrl.u32 s0, $0x1;
	s1 =	smul.u32 $0x30D40, s1  }
0x8: {  	s7 =	sadd.s32 s7, s9;
	s0 =	ssub.s32 s0, s8;
	s2 =	sand.u32 $0x1FFF8, s2  }
0x9: {  	s15 =	sshrl.u32 s1, $0x3;
	s28 =	sadd.s32 $0x3200, s7;
	s0 =	smax.u32 s0, $0x1  }
0xa: {  	s7 =	simm.s32 $0x19F00;
	s6 =	sadd.s32 $0x8, s2;
	[dreg:$0x10] =	wrdreg s28  }
0xb: {  	s14 =	sadd.s32 $0xFFFE7968, s2;
	s16 =	ssub.s32 $0x18698, s2;
	[dreg:$0x11] =	wrdreg s0  }
0xc: {  	s17 =	sadd.s32 s5, s15;
	s10 =	sadd.s32 $0xFA, s15;
	[dreg:$0x3] =	wrdreg s14  }
0xd: {  	s18 =	sadd.s32 s4, s15;
	s11 =	sadd.s32 $0x1F4, s15;
	[dreg:$0x4] =	wrdreg s16  }
0xe: {  	s22 =	sadd.s32 $0x2EE, s15;
	s2 =	sxor.u32 $0xFFFFFFF8, s2;
	[dreg:$0x5] =	wrdreg s17  }
0xf: {  	s0 =	simm.s32 $0x1B700;
	s13 =	sshrl.u32 s6, $0x3;
	[dreg:$0x6] =	wrdreg s18  }
0x10: {  	s19 =	sadd.s32 s5, s10;
	s20 =	sadd.s32 s4, s10;
	[dreg:$0xf] =	wrdreg s2  }
0x11: {  	s21 =	sadd.s32 s5, s11;
	s23 =	sadd.s32 s4, s11;
	[dreg:$0x7] =	wrdreg s19  }
0x12: {  	s24 =	sadd.s32 s5, s22;
	s25 =	sadd.s32 s4, s22;
	[dreg:$0x8] =	wrdreg s20  }
0x13: {  	s22 =	sadd.s32 $0x2EE0, s1;
	s2 =	simm.s32 $0x1BF00;
	[dreg:$0x9] =	wrdreg s21  }
0x14: {  	s10 =	simm.s32 $0x1A700;
	s11 =	simm.s32 $0x1CF00;
	[dreg:$0xa] =	wrdreg s23  }
0x15: {  	s14 =	simm.s32 $0x2;
	s16 =	simm.s32 $0x4;
	[dreg:$0xb] =	wrdreg s24  }
0x16: {  	s17 =	simm.s32 $0x5;
	s8 =	sadd.s32 s9, s13;
	[dreg:$0xc] =	wrdreg s25  }
0x17: {  	s21 =	sadd.s32 $0x2710, s1;
	s23 =	sadd.s32 $0x36B0, s1;
	s24 =	sadd.s32 $0x3E80, s1  }
0x18: {  	s25 =	sadd.s32 $0x4650, s1;
	[dreg:$0x2] =	wrdreg s8;
	s8 =	sadd.s32 $0x3E8, s15  }
0x19: {  	s1 =	simm.s32 $0x19700;
	s13 =	simm.s32 $0x1;
	s26 =	sadd.s32 s5, s8  }
0x1a: {  	s19 =	simm.s32 $0x0;
	s8 =	sadd.s32 s4, s8;
	[dreg:$0xd] =	wrdreg s26  }
0x1b: {  	s15 =	simm.s32 $0x3;
	[dreg:$0xe] =	wrdreg s8;
	s8 =	simm.s32 $0x1C700  }
.LBB2_1:
0x1c: {  	s9 =	rddreg [dreg:$0x2]  }
0x1d: {  	s18 =	rddreg [dreg:$0x4]  }
0x1e: {  	[tilespmem:s6], [sflag:$0x6] =	stream.linear.gather [hbm4b:s9+s3], s18, $0x38;
	[tilespmem:$0x1D780] =	vst v63  }
0x1f: {  	s28 =	rddreg [dreg:$0x0]  }
0x20: {  	[tilespmem:s3], [sflag:$0x6] =	stream.linear.gather [hbm4b:s28+s3], s6, $0x38;
	[tilespmem:$0x1D780] =	vst v63  }
0x21: {  	s20 =	rddreg [dreg:$0x5]  }
0x22: {  	[tilespmem:s29], [sflag:$0x1] =	stream.linear.gather [hbm4b:s20+s3], $0x7D0, $0x38;
	[tilespmem:$0x1D780] =	vst v63  }
0x23: {  	s26 =	rddreg [dreg:$0x6]  }
0x24: {  	[tilespmem:s30], [sflag:$0x1] =	stream.linear.gather [hbm4b:s26+s3], $0x7D0, $0x38;
	[tilespmem:$0x1D780] =	vst v63  }
0x25: {  	s28 =	rddreg [dreg:$0x7]  }
0x26: {  	[tilespmem:s31], [sflag:$0x2] =	stream.linear.gather [hbm4b:s28+s3], $0x7D0, $0x38;
	[tilespmem:$0x1D780] =	vst v63  }
0x27: {  	s20 =	rddreg [dreg:$0x8]  }
0x28: {  	[tilespmem:s0], [sflag:$0x2] =	stream.linear.gather [hbm4b:s20+s3], $0x7D0, $0x38;
	[tilespmem:$0x1D780] =	vst v63  }
0x29: {  	s26 =	rddreg [dreg:$0x9]  }
0x2a: {  	[tilespmem:s1], [sflag:$0x3] =	stream.linear.gather [hbm4b:s26+s3], $0x7D0, $0x38;
	[tilespmem:$0x1D780] =	vst v63  }
0x2b: {  	s28 =	rddreg [dreg:$0xa]  }
0x2c: {  	[tilespmem:s2], [sflag:$0x3] =	stream.linear.gather [hbm4b:s28+s3], $0x7D0, $0x38;
	[tilespmem:$0x1D780] =	vst v63  }
0x2d: {  	s20 =	rddreg [dreg:$0xb]  }
0x2e: {  	[tilespmem:s7], [sflag:$0x4] =	stream.linear.gather [hbm4b:s20+s3], $0x7D0, $0x38;
	[tilespmem:$0x1D780] =	vst v63  }
0x2f: {  	s26 =	rddreg [dreg:$0xc]  }
0x30: {  	[tilespmem:s8], [sflag:$0x4] =	stream.linear.gather [hbm4b:s26+s3], $0x7D0, $0x38;
	[tilespmem:$0x1D780] =	vst v63  }
0x31: {  	s28 =	rddreg [dreg:$0xd]  }
0x32: {  	[tilespmem:s10], [sflag:$0x5] =	stream.linear.gather [hbm4b:s28+s3], $0x7D0, $0x38;
	[tilespmem:$0x1D780] =	vst v63  }
0x33: {  	s20 =	rddreg [dreg:$0xe]  }
0x34: {  	[tilespmem:s11], [sflag:$0x5] =	stream.linear.gather [hbm4b:s20+s3], $0x7D0, $0x38;
	[tilespmem:$0x1D780] =	vst v63  }
0x35: {  	_ =	swait.ge [sflag:s12], s18  }
0x36: {  	[sflag:s12] =	ssyncset.done $0x0;
	s26 =	rddreg [dreg:$0x3]  }
0x37: {  	[sflag:s12] =	ssyncadd.s32 s26  }
0x38: {  	_ =	swait.ge [sflag:s12], s6  }
0x39: {  	[sflag:s12] =	ssyncset.done $0x0;
	s28 =	rddreg [dreg:$0xf]  }
0x3a: {  	v0 =	vimm.f32 $0.0e+00;
	s20 =	simm.s32 $0x0;
	[sflag:s12] =	ssyncadd.s32 s28  }
.LBB2_2:
0x3b: {  	_ =	swait.ge [sflag:s13], $0x7D0  }
0x3c: {  	[sflag:s13] =	ssyncset.done $0x0  }
0x3d: {  	[sflag:s13] =	ssyncadd.s32 $0xFFFFF830  }
0x3e: {  	_ =	swait.ge [sflag:s13], $0x7D0  }
0x3f: {  	[sflag:s13] =	ssyncset.done $0x0  }
0x40: {  	s18 =	simm.s32 $0x0;
	[sflag:s13] =	ssyncadd.s32 $0xFFFFF830  }
0x41: {  	v3 =	vld [tilespmem:s18+$0x18700]  }
0x42: {  	v4 =	vld [tilespmem:s18+$0x18710]  }
0x43: {  	v1 =	vld [tilespmem:s18+$0x1AF40]  }
0x44: {  	v5 =	vld [tilespmem:s18+$0x18720]  }
0x45: {  	v2 =	vld [tilespmem:s18+$0x1AF30]  }
0x46: {  	v10 =	vld [tilespmem:s18+$0x18730]  }
0x47: {  	v8 =	vld [tilespmem:s18+$0x18740]  }
0x48: {  	v11 =	vld [tilespmem:s18+$0x1AF00]  }
0x49: {  	v9 =	vld.idx.msk [tilespmem:v3+s3+$0x0], $0xffff  }
0x4a: {  	v7 =	vld [tilespmem:s18+$0x1AF10]  }
0x4b: {  	v6 =	vld.idx.msk [tilespmem:v4+s3+$0x0], $0xffff  }
0x4c: {  	v3 =	vld.idx.msk [tilespmem:v5+s3+$0x0], $0xffff  }
0x4d: {  	v5 =	vld [tilespmem:s18+$0x1AF20]  }
0x4e: {  	s28 =	simm.s32 $0x50;
	s26 =	simm.s32 $0x280;
	v4 =	vld.idx.msk [tilespmem:v10+s3+$0x0], $0xffff;
	v9 =	vmul.f32 v9, v11  }
.LBB2_3:
0x4f: {  	p0 =	sne.s32 s26, $0x1E00;
	v10 =	vld [tilespmem:s28+$0x18700]  }
0x50: {  	v0 =	vadd.f32 v9, v0;
	v6 =	vmul.f32 v6, v7;
	v7 =	vld.idx.msk [tilespmem:v8+s3+$0x0], $0xffff  }
0x51: {  	v9 =	vld [tilespmem:s28+$0x18710]  }
0x52: {  	v11 =	vld [tilespmem:s28+$0x1AF40];
	v0 =	vadd.f32 v6, v0;
	v3 =	vmul.f32 v3, v5  }
0x53: {  	v5 =	vld [tilespmem:s28+$0x18720]  }
0x54: {  	v0 =	vadd.f32 v3, v0;
	v3 =	vmul.f32 v4, v2;
	v2 =	vld [tilespmem:s28+$0x1AF30]  }
0x55: {  	v4 =	vld [tilespmem:s28+$0x18730]  }
0x56: {  	v8 =	vld [tilespmem:s28+$0x18740];
	v0 =	vadd.f32 v3, v0;
	v3 =	vmul.f32 v7, v1  }
0x57: {  	v10 =	vld.idx.msk [tilespmem:v10+s3+$0x0], $0xffff;
	v1 =	vmov v11  }
0x58: {  	v11 =	vld [tilespmem:s28+$0x1AF00];
	v0 =	vadd.f32 v3, v0  }
.Ltmp0:
0x59: {  	v6 =	vld.idx.msk [tilespmem:v9+s3+$0x0], $0xffff;
	(pc) =	sbr.rel @p0 .LBB2_3-.Ltmp0, $4  }
0x5a: {  	v7 =	vld [tilespmem:s28+$0x1AF10]  }
0x5b: {  	v3 =	vld.idx.msk [tilespmem:v5+s3+$0x0], $0xffff  }
0x5c: {  	v5 =	vld [tilespmem:s28+$0x1AF20]  }
0x5d: {  	s28 =	sshra.s32 s26, $0x2;
	s26 =	sadd.s32 $0x140, s26;
	v9 =	vmul.f32 v10, v11;
	v4 =	vld.idx.msk [tilespmem:v4+s3+$0x0], $0xffff  }
0x5e: {  	_ =	sdelay $0x2  }
0x5f: {  	v10 =	vld [tilespmem:s28+$0x18700]  }
0x60: {  	v8 =	vld.idx.msk [tilespmem:v8+s3+$0x0], $0xffff  }
0x61: {  	v11 =	vld [tilespmem:s28+$0x18710]  }
0x62: {  	v12 =	vld [tilespmem:s28+$0x1AF40]  }
0x63: {  	v13 =	vld [tilespmem:s28+$0x18720]  }
0x64: {  	v14 =	vld [tilespmem:s28+$0x1AF30]  }
0x65: {  	v15 =	vld [tilespmem:s28+$0x18730]  }
0x66: {  	v16 =	vld [tilespmem:s28+$0x18740]  }
0x67: {  	v17 =	vld [tilespmem:s28+$0x1AF00]  }
0x68: {  	v18 =	vld [tilespmem:s28+$0x1AF10]  }
0x69: {  	s26 =	smul.u32 $0x2710, s20;
	v19 =	vld [tilespmem:s28+$0x1AF20]  }
0x6a: {  	v10 =	vld.idx.msk [tilespmem:v10+s3+$0x0], $0xffff  }
0x6b: {  	s18 =	sadd.s32 s26, s21;
	v11 =	vld.idx.msk [tilespmem:v11+s3+$0x0], $0xffff  }
0x6c: {  	s18 =	sshrl.u32 s18, $0x3;
	v13 =	vld.idx.msk [tilespmem:v13+s3+$0x0], $0xffff  }
0x6d: {  	s9 =	simm.s32 $0x0;
	s28 =	sadd.s32 s5, s18;
	v15 =	vld.idx.msk [tilespmem:v15+s3+$0x0], $0xffff  }
0x6e: {  	v16 =	vld.idx.msk [tilespmem:v16+s3+$0x0], $0xffff;
	[tilespmem:s29], [sflag:$0x1] =	stream.linear.gather [hbm4b:s28+s9], $0x7D0, $0x38  }
0x6f: {  	s18 =	sadd.s32 s4, s18  }
0x70: {  	[tilespmem:s30], [sflag:$0x1] =	stream.linear.gather [hbm4b:s18+s9], $0x7D0, $0x38;
	[tilespmem:$0x1D780] =	vst v63  }
0x71: {  	_ =	swait.ge [sflag:s14], $0x7D0  }
0x72: {  	v0 =	vadd.f32 v9, v0;
	v6 =	vmul.f32 v6, v7;
	[sflag:s14] =	ssyncset.done $0x0  }
0x73: {  	[sflag:s14] =	ssyncadd.s32 $0xFFFFF830  }
0x74: {  	v0 =	vadd.f32 v6, v0;
	v3 =	vmul.f32 v3, v5;
	_ =	swait.ge [sflag:s14], $0x7D0  }
0x75: {  	[sflag:s14] =	ssyncset.done $0x0  }
0x76: {  	v2 =	vmul.f32 v4, v2;
	v0 =	vadd.f32 v3, v0;
	s18 =	simm.s32 $0x0;
	[sflag:s14] =	ssyncadd.s32 $0xFFFFF830  }
0x77: {  	v3 =	vld [tilespmem:s18+$0x18F00]  }
0x78: {  	v1 =	vmul.f32 v8, v1;
	v2 =	vadd.f32 v2, v0;
	v4 =	vld [tilespmem:s18+$0x18F10]  }
0x79: {  	v0 =	vld [tilespmem:s18+$0x1B740]  }
0x7a: {  	v2 =	vadd.f32 v1, v2;
	v5 =	vmul.f32 v10, v17;
	v7 =	vld [tilespmem:s18+$0x18F20]  }
0x7b: {  	v1 =	vld [tilespmem:s18+$0x1B730]  }
0x7c: {  	v2 =	vadd.f32 v5, v2;
	v5 =	vmul.f32 v11, v18;
	v10 =	vld [tilespmem:s18+$0x18F30]  }
0x7d: {  	v8 =	vld [tilespmem:s18+$0x18F40]  }
0x7e: {  	v2 =	vadd.f32 v5, v2;
	v5 =	vmul.f32 v13, v19;
	v11 =	vld [tilespmem:s18+$0x1B700]  }
0x7f: {  	v9 =	vld.idx.msk [tilespmem:v3+s3+$0x0], $0xffff  }
0x80: {  	v6 =	vld [tilespmem:s18+$0x1B710];
	v2 =	vadd.f32 v5, v2;
	v5 =	vmul.f32 v15, v14  }
0x81: {  	v3 =	vld.idx.msk [tilespmem:v4+s3+$0x0], $0xffff  }
0x82: {  	v12 =	vmul.f32 v16, v12;
	v5 =	vadd.f32 v5, v2;
	v2 =	vld.idx.msk [tilespmem:v7+s3+$0x0], $0xffff  }
0x83: {  	v4 =	vld [tilespmem:s18+$0x1B720]  }
0x84: {  	s28 =	simm.s32 $0x50;
	v7 =	vadd.f32 v12, v5;
	s18 =	simm.s32 $0x280;
	v5 =	vld.idx.msk [tilespmem:v10+s3+$0x0], $0xffff;
	v9 =	vmul.f32 v9, v11  }
.LBB2_5:
0x85: {  	p0 =	sne.s32 s18, $0x1E00;
	v10 =	vld [tilespmem:s28+$0x18F00]  }
0x86: {  	v7 =	vadd.f32 v9, v7;
	v3 =	vmul.f32 v3, v6;
	v6 =	vld.idx.msk [tilespmem:v8+s3+$0x0], $0xffff  }
0x87: {  	v9 =	vld [tilespmem:s28+$0x18F10]  }
0x88: {  	v11 =	vld [tilespmem:s28+$0x1B740];
	v3 =	vadd.f32 v3, v7;
	v2 =	vmul.f32 v2, v4  }
0x89: {  	v4 =	vld [tilespmem:s28+$0x18F20]  }
0x8a: {  	v2 =	vadd.f32 v2, v3;
	v3 =	vmul.f32 v5, v1;
	v1 =	vld [tilespmem:s28+$0x1B730]  }
0x8b: {  	v5 =	vld [tilespmem:s28+$0x18F30]  }
0x8c: {  	v8 =	vld [tilespmem:s28+$0x18F40];
	v2 =	vadd.f32 v3, v2;
	v3 =	vmul.f32 v6, v0  }
0x8d: {  	v10 =	vld.idx.msk [tilespmem:v10+s3+$0x0], $0xffff;
	v0 =	vmov v11  }
0x8e: {  	v11 =	vld [tilespmem:s28+$0x1B700];
	v7 =	vadd.f32 v3, v2  }
.Ltmp1:
0x8f: {  	v3 =	vld.idx.msk [tilespmem:v9+s3+$0x0], $0xffff;
	(pc) =	sbr.rel @p0 .LBB2_5-.Ltmp1, $4  }
0x90: {  	v6 =	vld [tilespmem:s28+$0x1B710]  }
0x91: {  	v2 =	vld.idx.msk [tilespmem:v4+s3+$0x0], $0xffff  }
0x92: {  	v4 =	vld [tilespmem:s28+$0x1B720]  }
0x93: {  	s28 =	sshra.s32 s18, $0x2;
	s18 =	sadd.s32 $0x140, s18;
	v9 =	vmul.f32 v10, v11;
	v5 =	vld.idx.msk [tilespmem:v5+s3+$0x0], $0xffff  }
0x94: {  	_ =	sdelay $0x2  }
0x95: {  	v10 =	vld [tilespmem:s28+$0x18F00]  }
0x96: {  	v8 =	vld.idx.msk [tilespmem:v8+s3+$0x0], $0xffff  }
0x97: {  	v11 =	vld [tilespmem:s28+$0x18F10]  }
0x98: {  	v12 =	vld [tilespmem:s28+$0x1B740]  }
0x99: {  	v13 =	vld [tilespmem:s28+$0x18F20]  }
0x9a: {  	v14 =	vld [tilespmem:s28+$0x1B730]  }
0x9b: {  	v15 =	vld [tilespmem:s28+$0x18F30]  }
0x9c: {  	v16 =	vld [tilespmem:s28+$0x18F40]  }
0x9d: {  	v17 =	vld [tilespmem:s28+$0x1B700]  }
0x9e: {  	v18 =	vld [tilespmem:s28+$0x1B710]  }
0x9f: {  	v19 =	vld [tilespmem:s28+$0x1B720]  }
0xa0: {  	v10 =	vld.idx.msk [tilespmem:v10+s3+$0x0], $0xffff  }
0xa1: {  	s9 =	sadd.s32 s26, s22;
	v11 =	vld.idx.msk [tilespmem:v11+s3+$0x0], $0xffff  }
0xa2: {  	s9 =	sshrl.u32 s9, $0x3;
	v13 =	vld.idx.msk [tilespmem:v13+s3+$0x0], $0xffff  }
0xa3: {  	s28 =	simm.s32 $0x0;
	s18 =	sadd.s32 s5, s9;
	v15 =	vld.idx.msk [tilespmem:v15+s3+$0x0], $0xffff  }
0xa4: {  	v16 =	vld.idx.msk [tilespmem:v16+s3+$0x0], $0xffff;
	[tilespmem:s31], [sflag:$0x2] =	stream.linear.gather [hbm4b:s18+s28], $0x7D0, $0x38  }
0xa5: {  	s9 =	sadd.s32 s4, s9  }
0xa6: {  	[tilespmem:s0], [sflag:$0x2] =	stream.linear.gather [hbm4b:s9+s28], $0x7D0, $0x38;
	[tilespmem:$0x1D780] =	vst v63  }
0xa7: {  	_ =	swait.ge [sflag:s15], $0x7D0  }
0xa8: {  	v7 =	vadd.f32 v9, v7;
	v3 =	vmul.f32 v3, v6;
	[sflag:s15] =	ssyncset.done $0x0  }
0xa9: {  	[sflag:s15] =	ssyncadd.s32 $0xFFFFF830  }
0xaa: {  	v3 =	vadd.f32 v3, v7;
	v2 =	vmul.f32 v2, v4;
	_ =	swait.ge [sflag:s15], $0x7D0  }
0xab: {  	[sflag:s15] =	ssyncset.done $0x0  }
0xac: {  	v1 =	vmul.f32 v5, v1;
	v2 =	vadd.f32 v2, v3;
	s18 =	simm.s32 $0x0;
	[sflag:s15] =	ssyncadd.s32 $0xFFFFF830  }
0xad: {  	v3 =	vld [tilespmem:s18+$0x19700]  }
0xae: {  	v1 =	vadd.f32 v1, v2;
	v2 =	vmul.f32 v8, v0;
	v4 =	vld [tilespmem:s18+$0x19710]  }
0xaf: {  	v0 =	vld [tilespmem:s18+$0x1BF40]  }
0xb0: {  	v2 =	vadd.f32 v2, v1;
	v5 =	vmul.f32 v10, v17;
	v7 =	vld [tilespmem:s18+$0x19720]  }
0xb1: {  	v1 =	vld [tilespmem:s18+$0x1BF30]  }
0xb2: {  	v2 =	vadd.f32 v5, v2;
	v5 =	vmul.f32 v11, v18;
	v10 =	vld [tilespmem:s18+$0x19730]  }
0xb3: {  	v8 =	vld [tilespmem:s18+$0x19740]  }
0xb4: {  	v2 =	vadd.f32 v5, v2;
	v5 =	vmul.f32 v13, v19;
	v11 =	vld [tilespmem:s18+$0x1BF00]  }
0xb5: {  	v9 =	vld.idx.msk [tilespmem:v3+s3+$0x0], $0xffff  }
0xb6: {  	v6 =	vld [tilespmem:s18+$0x1BF10];
	v2 =	vadd.f32 v5, v2;
	v5 =	vmul.f32 v15, v14  }
0xb7: {  	v3 =	vld.idx.msk [tilespmem:v4+s3+$0x0], $0xffff  }
0xb8: {  	v12 =	vmul.f32 v16, v12;
	v5 =	vadd.f32 v5, v2;
	v2 =	vld.idx.msk [tilespmem:v7+s3+$0x0], $0xffff  }
0xb9: {  	v4 =	vld [tilespmem:s18+$0x1BF20]  }
0xba: {  	s28 =	simm.s32 $0x50;
	v7 =	vadd.f32 v12, v5;
	s18 =	simm.s32 $0x280;
	v5 =	vld.idx.msk [tilespmem:v10+s3+$0x0], $0xffff;
	v9 =	vmul.f32 v9, v11  }
.LBB2_7:
0xbb: {  	p0 =	sne.s32 s18, $0x1E00;
	v10 =	vld [tilespmem:s28+$0x19700]  }
0xbc: {  	v7 =	vadd.f32 v9, v7;
	v3 =	vmul.f32 v3, v6;
	v6 =	vld.idx.msk [tilespmem:v8+s3+$0x0], $0xffff  }
0xbd: {  	v9 =	vld [tilespmem:s28+$0x19710]  }
0xbe: {  	v11 =	vld [tilespmem:s28+$0x1BF40];
	v3 =	vadd.f32 v3, v7;
	v2 =	vmul.f32 v2, v4  }
0xbf: {  	v4 =	vld [tilespmem:s28+$0x19720]  }
0xc0: {  	v2 =	vadd.f32 v2, v3;
	v3 =	vmul.f32 v5, v1;
	v1 =	vld [tilespmem:s28+$0x1BF30]  }
0xc1: {  	v5 =	vld [tilespmem:s28+$0x19730]  }
0xc2: {  	v8 =	vld [tilespmem:s28+$0x19740];
	v2 =	vadd.f32 v3, v2;
	v3 =	vmul.f32 v6, v0  }
0xc3: {  	v10 =	vld.idx.msk [tilespmem:v10+s3+$0x0], $0xffff;
	v0 =	vmov v11  }
0xc4: {  	v11 =	vld [tilespmem:s28+$0x1BF00];
	v7 =	vadd.f32 v3, v2  }
.Ltmp2:
0xc5: {  	v3 =	vld.idx.msk [tilespmem:v9+s3+$0x0], $0xffff;
	(pc) =	sbr.rel @p0 .LBB2_7-.Ltmp2, $4  }
0xc6: {  	v6 =	vld [tilespmem:s28+$0x1BF10]  }
0xc7: {  	v2 =	vld.idx.msk [tilespmem:v4+s3+$0x0], $0xffff  }
0xc8: {  	v4 =	vld [tilespmem:s28+$0x1BF20]  }
0xc9: {  	s28 =	sshra.s32 s18, $0x2;
	s18 =	sadd.s32 $0x140, s18;
	v9 =	vmul.f32 v10, v11;
	v5 =	vld.idx.msk [tilespmem:v5+s3+$0x0], $0xffff  }
0xca: {  	_ =	sdelay $0x2  }
0xcb: {  	v10 =	vld [tilespmem:s28+$0x19700]  }
0xcc: {  	v8 =	vld.idx.msk [tilespmem:v8+s3+$0x0], $0xffff  }
0xcd: {  	v11 =	vld [tilespmem:s28+$0x19710]  }
0xce: {  	v12 =	vld [tilespmem:s28+$0x1BF40]  }
0xcf: {  	v13 =	vld [tilespmem:s28+$0x19720]  }
0xd0: {  	v14 =	vld [tilespmem:s28+$0x1BF30]  }
0xd1: {  	v15 =	vld [tilespmem:s28+$0x19730]  }
0xd2: {  	v16 =	vld [tilespmem:s28+$0x19740]  }
0xd3: {  	v17 =	vld [tilespmem:s28+$0x1BF00]  }
0xd4: {  	v18 =	vld [tilespmem:s28+$0x1BF10]  }
0xd5: {  	v19 =	vld [tilespmem:s28+$0x1BF20]  }
0xd6: {  	v10 =	vld.idx.msk [tilespmem:v10+s3+$0x0], $0xffff  }
0xd7: {  	s9 =	sadd.s32 s26, s23;
	v11 =	vld.idx.msk [tilespmem:v11+s3+$0x0], $0xffff  }
0xd8: {  	s9 =	sshrl.u32 s9, $0x3;
	v13 =	vld.idx.msk [tilespmem:v13+s3+$0x0], $0xffff  }
0xd9: {  	s28 =	simm.s32 $0x0;
	s18 =	sadd.s32 s5, s9;
	v15 =	vld.idx.msk [tilespmem:v15+s3+$0x0], $0xffff  }
0xda: {  	v16 =	vld.idx.msk [tilespmem:v16+s3+$0x0], $0xffff;
	[tilespmem:s1], [sflag:$0x3] =	stream.linear.gather [hbm4b:s18+s28], $0x7D0, $0x38  }
0xdb: {  	s9 =	sadd.s32 s4, s9  }
0xdc: {  	[tilespmem:s2], [sflag:$0x3] =	stream.linear.gather [hbm4b:s9+s28], $0x7D0, $0x38;
	[tilespmem:$0x1D780] =	vst v63  }
0xdd: {  	_ =	swait.ge [sflag:s16], $0x7D0  }
0xde: {  	v7 =	vadd.f32 v9, v7;
	v3 =	vmul.f32 v3, v6;
	[sflag:s16] =	ssyncset.done $0x0  }
0xdf: {  	[sflag:s16] =	ssyncadd.s32 $0xFFFFF830  }
0xe0: {  	v3 =	vadd.f32 v3, v7;
	v2 =	vmul.f32 v2, v4;
	_ =	swait.ge [sflag:s16], $0x7D0  }
0xe1: {  	[sflag:s16] =	ssyncset.done $0x0  }
0xe2: {  	v1 =	vmul.f32 v5, v1;
	v2 =	vadd.f32 v2, v3;
	s18 =	simm.s32 $0x0;
	[sflag:s16] =	ssyncadd.s32 $0xFFFFF830  }
0xe3: {  	v3 =	vld [tilespmem:s18+$0x19F00]  }
0xe4: {  	v1 =	vadd.f32 v1, v2;
	v2 =	vmul.f32 v8, v0;
	v4 =	vld [tilespmem:s18+$0x19F10]  }
0xe5: {  	v0 =	vld [tilespmem:s18+$0x1C740]  }
0xe6: {  	v2 =	vadd.f32 v2, v1;
	v5 =	vmul.f32 v10, v17;
	v7 =	vld [tilespmem:s18+$0x19F20]  }
0xe7: {  	v1 =	vld [tilespmem:s18+$0x1C730]  }
0xe8: {  	v2 =	vadd.f32 v5, v2;
	v5 =	vmul.f32 v11, v18;
	v10 =	vld [tilespmem:s18+$0x19F30]  }
0xe9: {  	v8 =	vld [tilespmem:s18+$0x19F40]  }
0xea: {  	v2 =	vadd.f32 v5, v2;
	v5 =	vmul.f32 v13, v19;
	v11 =	vld [tilespmem:s18+$0x1C700]  }
0xeb: {  	v9 =	vld.idx.msk [tilespmem:v3+s3+$0x0], $0xffff  }
0xec: {  	v6 =	vld [tilespmem:s18+$0x1C710];
	v2 =	vadd.f32 v5, v2;
	v5 =	vmul.f32 v15, v14  }
0xed: {  	v3 =	vld.idx.msk [tilespmem:v4+s3+$0x0], $0xffff  }
0xee: {  	v12 =	vmul.f32 v16, v12;
	v5 =	vadd.f32 v5, v2;
	v2 =	vld.idx.msk [tilespmem:v7+s3+$0x0], $0xffff  }
0xef: {  	v4 =	vld [tilespmem:s18+$0x1C720]  }
0xf0: {  	s28 =	simm.s32 $0x50;
	v7 =	vadd.f32 v12, v5;
	s18 =	simm.s32 $0x280;
	v5 =	vld.idx.msk [tilespmem:v10+s3+$0x0], $0xffff;
	v9 =	vmul.f32 v9, v11  }
.LBB2_9:
0xf1: {  	p0 =	sne.s32 s18, $0x1E00;
	v10 =	vld [tilespmem:s28+$0x19F00]  }
0xf2: {  	v7 =	vadd.f32 v9, v7;
	v3 =	vmul.f32 v3, v6;
	v6 =	vld.idx.msk [tilespmem:v8+s3+$0x0], $0xffff  }
0xf3: {  	v9 =	vld [tilespmem:s28+$0x19F10]  }
0xf4: {  	v11 =	vld [tilespmem:s28+$0x1C740];
	v3 =	vadd.f32 v3, v7;
	v2 =	vmul.f32 v2, v4  }
0xf5: {  	v4 =	vld [tilespmem:s28+$0x19F20]  }
0xf6: {  	v2 =	vadd.f32 v2, v3;
	v3 =	vmul.f32 v5, v1;
	v1 =	vld [tilespmem:s28+$0x1C730]  }
0xf7: {  	v5 =	vld [tilespmem:s28+$0x19F30]  }
0xf8: {  	v8 =	vld [tilespmem:s28+$0x19F40];
	v2 =	vadd.f32 v3, v2;
	v3 =	vmul.f32 v6, v0  }
0xf9: {  	v10 =	vld.idx.msk [tilespmem:v10+s3+$0x0], $0xffff;
	v0 =	vmov v11  }
0xfa: {  	v11 =	vld [tilespmem:s28+$0x1C700];
	v7 =	vadd.f32 v3, v2  }
.Ltmp3:
0xfb: {  	v3 =	vld.idx.msk [tilespmem:v9+s3+$0x0], $0xffff;
	(pc) =	sbr.rel @p0 .LBB2_9-.Ltmp3, $4  }
0xfc: {  	v6 =	vld [tilespmem:s28+$0x1C710]  }
0xfd: {  	v2 =	vld.idx.msk [tilespmem:v4+s3+$0x0], $0xffff  }
0xfe: {  	v4 =	vld [tilespmem:s28+$0x1C720]  }
0xff: {  	s28 =	sshra.s32 s18, $0x2;
	s18 =	sadd.s32 $0x140, s18;
	v9 =	vmul.f32 v10, v11;
	v5 =	vld.idx.msk [tilespmem:v5+s3+$0x0], $0xffff  }
0x100: {  	_ =	sdelay $0x2  }
0x101: {  	v10 =	vld [tilespmem:s28+$0x19F00]  }
0x102: {  	v8 =	vld.idx.msk [tilespmem:v8+s3+$0x0], $0xffff  }
0x103: {  	v11 =	vld [tilespmem:s28+$0x19F10]  }
0x104: {  	v12 =	vld [tilespmem:s28+$0x1C740]  }
0x105: {  	v13 =	vld [tilespmem:s28+$0x19F20]  }
0x106: {  	v14 =	vld [tilespmem:s28+$0x1C730]  }
0x107: {  	v15 =	vld [tilespmem:s28+$0x19F30]  }
0x108: {  	v16 =	vld [tilespmem:s28+$0x19F40]  }
0x109: {  	v17 =	vld [tilespmem:s28+$0x1C700]  }
0x10a: {  	v18 =	vld [tilespmem:s28+$0x1C710]  }
0x10b: {  	v19 =	vld [tilespmem:s28+$0x1C720]  }
0x10c: {  	v10 =	vld.idx.msk [tilespmem:v10+s3+$0x0], $0xffff  }
0x10d: {  	s9 =	sadd.s32 s26, s24;
	v11 =	vld.idx.msk [tilespmem:v11+s3+$0x0], $0xffff  }
0x10e: {  	s9 =	sshrl.u32 s9, $0x3;
	v13 =	vld.idx.msk [tilespmem:v13+s3+$0x0], $0xffff  }
0x10f: {  	s28 =	simm.s32 $0x0;
	s18 =	sadd.s32 s5, s9;
	v15 =	vld.idx.msk [tilespmem:v15+s3+$0x0], $0xffff  }
0x110: {  	v16 =	vld.idx.msk [tilespmem:v16+s3+$0x0], $0xffff;
	[tilespmem:s7], [sflag:$0x4] =	stream.linear.gather [hbm4b:s18+s28], $0x7D0, $0x38  }
0x111: {  	s9 =	sadd.s32 s4, s9  }
0x112: {  	[tilespmem:s8], [sflag:$0x4] =	stream.linear.gather [hbm4b:s9+s28], $0x7D0, $0x38;
	[tilespmem:$0x1D780] =	vst v63  }
0x113: {  	_ =	swait.ge [sflag:s17], $0x7D0  }
0x114: {  	v7 =	vadd.f32 v9, v7;
	v3 =	vmul.f32 v3, v6;
	[sflag:s17] =	ssyncset.done $0x0  }
0x115: {  	[sflag:s17] =	ssyncadd.s32 $0xFFFFF830  }
0x116: {  	v3 =	vadd.f32 v3, v7;
	v2 =	vmul.f32 v2, v4;
	_ =	swait.ge [sflag:s17], $0x7D0  }
0x117: {  	[sflag:s17] =	ssyncset.done $0x0  }
0x118: {  	v1 =	vmul.f32 v5, v1;
	v2 =	vadd.f32 v2, v3;
	s18 =	simm.s32 $0x0;
	[sflag:s17] =	ssyncadd.s32 $0xFFFFF830  }
0x119: {  	v3 =	vld [tilespmem:s18+$0x1A700]  }
0x11a: {  	v1 =	vadd.f32 v1, v2;
	v2 =	vmul.f32 v8, v0;
	v4 =	vld [tilespmem:s18+$0x1A710]  }
0x11b: {  	v0 =	vld [tilespmem:s18+$0x1CF40]  }
0x11c: {  	v2 =	vadd.f32 v2, v1;
	v5 =	vmul.f32 v10, v17;
	v6 =	vld [tilespmem:s18+$0x1A720]  }
0x11d: {  	v1 =	vld [tilespmem:s18+$0x1CF30]  }
0x11e: {  	v7 =	vmul.f32 v11, v18;
	v5 =	vadd.f32 v5, v2;
	v10 =	vld [tilespmem:s18+$0x1A730]  }
0x11f: {  	v2 =	vld [tilespmem:s18+$0x1A740]  }
0x120: {  	v5 =	vadd.f32 v7, v5;
	v7 =	vmul.f32 v13, v19;
	v11 =	vld [tilespmem:s18+$0x1CF00]  }
0x121: {  	v9 =	vld.idx.msk [tilespmem:v3+s3+$0x0], $0xffff  }
0x122: {  	v3 =	vadd.f32 v7, v5;
	v5 =	vmul.f32 v15, v14;
	v4 =	vld.idx.msk [tilespmem:v4+s3+$0x0], $0xffff  }
0x123: {  	v7 =	vld [tilespmem:s18+$0x1CF10]  }
0x124: {  	v12 =	vmul.f32 v16, v12;
	v8 =	vadd.f32 v5, v3;
	v3 =	vld.idx.msk [tilespmem:v6+s3+$0x0], $0xffff  }
0x125: {  	v5 =	vld [tilespmem:s18+$0x1CF20]  }
0x126: {  	s28 =	simm.s32 $0x50;
	s18 =	simm.s32 $0x280;
	v6 =	vld.idx.msk [tilespmem:v10+s3+$0x0], $0xffff;
	v8 =	vadd.f32 v12, v8;
	v9 =	vmul.f32 v9, v11  }
.LBB2_11:
0x127: {  	p0 =	sne.s32 s18, $0x1E00;
	v10 =	vld [tilespmem:s28+$0x1A700]  }
0x128: {  	v8 =	vadd.f32 v9, v8;
	v4 =	vmul.f32 v4, v7;
	v7 =	vld.idx.msk [tilespmem:v2+s3+$0x0], $0xffff  }
0x129: {  	v9 =	vld [tilespmem:s28+$0x1A710]  }
0x12a: {  	v11 =	vld [tilespmem:s28+$0x1CF40];
	v2 =	vadd.f32 v4, v8;
	v3 =	vmul.f32 v3, v5  }
0x12b: {  	v5 =	vld [tilespmem:s28+$0x1A720]  }
0x12c: {  	v4 =	vmul.f32 v6, v1;
	v3 =	vadd.f32 v3, v2;
	v1 =	vld [tilespmem:s28+$0x1CF30]  }
0x12d: {  	v6 =	vld [tilespmem:s28+$0x1A730]  }
0x12e: {  	v2 =	vld [tilespmem:s28+$0x1A740];
	v3 =	vadd.f32 v4, v3;
	v4 =	vmul.f32 v7, v0  }
0x12f: {  	v10 =	vld.idx.msk [tilespmem:v10+s3+$0x0], $0xffff;
	v0 =	vmov v11  }
0x130: {  	v11 =	vld [tilespmem:s28+$0x1CF00];
	v8 =	vadd.f32 v4, v3  }
.Ltmp4:
0x131: {  	v4 =	vld.idx.msk [tilespmem:v9+s3+$0x0], $0xffff;
	(pc) =	sbr.rel @p0 .LBB2_11-.Ltmp4, $4  }
0x132: {  	v7 =	vld [tilespmem:s28+$0x1CF10]  }
0x133: {  	v3 =	vld.idx.msk [tilespmem:v5+s3+$0x0], $0xffff  }
0x134: {  	v5 =	vld [tilespmem:s28+$0x1CF20]  }
0x135: {  	s28 =	sshra.s32 s18, $0x2;
	s18 =	sadd.s32 $0x140, s18;
	v9 =	vmul.f32 v10, v11;
	v6 =	vld.idx.msk [tilespmem:v6+s3+$0x0], $0xffff  }
0x136: {  	v10 =	vld [tilespmem:s28+$0x1A700];
	_ =	sdelay $0x1  }
0x137: {  	v11 =	vld [tilespmem:s28+$0x1A710]  }
0x138: {  	v12 =	vld [tilespmem:s28+$0x1A720]  }
0x139: {  	v2 =	vld.idx.msk [tilespmem:v2+s3+$0x0], $0xffff  }
0x13a: {  	v54 =	vld [tilespmem:s28+$0x1A730];
	v8 =	vadd.f32 v9, v8;
	v4 =	vmul.f32 v4, v7  }
0x13b: {  	v55 =	vld [tilespmem:s28+$0x1A740]  }
0x13c: {  	v57 =	vld [tilespmem:s28+$0x1CF00];
	v4 =	vadd.f32 v4, v8;
	v3 =	vmul.f32 v3, v5  }
0x13d: {  	v56 =	vld.idx.msk [tilespmem:v10+s3+$0x0], $0xffff  }
0x13e: {  	v59 =	vld [tilespmem:s28+$0x1CF10];
	v1 =	vmul.f32 v6, v1;
	v3 =	vadd.f32 v3, v4  }
0x13f: {  	v58 =	vld.idx.msk [tilespmem:v11+s3+$0x0], $0xffff  }
0x140: {  	v0 =	vmul.f32 v2, v0;
	v1 =	vadd.f32 v1, v3;
	v3 =	vld [tilespmem:s28+$0x1CF20]  }
0x141: {  	v2 =	vld.idx.msk [tilespmem:v12+s3+$0x0], $0xffff  }
0x142: {  	v60 =	vld [tilespmem:s28+$0x1CF30];
	v0 =	vadd.f32 v0, v1;
	v1 =	vmul.f32 v56, v57  }
0x143: {  	v61 =	vld.idx.msk [tilespmem:v54+s3+$0x0], $0xffff  }
0x144: {  	v62 =	vld [tilespmem:s28+$0x1CF40];
	v0 =	vadd.f32 v1, v0;
	v1 =	vmul.f32 v58, v59  }
0x145: {  	v63 =	vld.idx.msk [tilespmem:v55+s3+$0x0], $0xffff  }
0x146: {  	s20 =	sadd.s32 $0x1, s20;
	v0 =	vadd.f32 v1, v0;
	v1 =	vmul.f32 v2, v3  }
0x147: {  	s9 =	sadd.s32 s26, s25;
	p0 =	sne.s32 s20, $0x13  }
.Ltmp5:
0x148: {  	s9 =	sshrl.u32 s9, $0x3;
	v0 =	vadd.f32 v1, v0;
	v1 =	vmul.f32 v61, v60;
	(pc) =	sbr.rel @p0 .LBB2_2-.Ltmp5, $4  }
0x149: {  	s18 =	sadd.s32 s5, s9  }
0x14a: {  	[tilespmem:s10], [sflag:$0x5] =	stream.linear.gather [hbm4b:s18+s3], $0x7D0, $0x38;
	v0 =	vadd.f32 v1, v0;
	v1 =	vmul.f32 v63, v62;
	[tilespmem:$0x1D780] =	vst v63  }
0x14b: {  	s9 =	sadd.s32 s4, s9  }
0x14c: {  	[tilespmem:s11], [sflag:$0x5] =	stream.linear.gather [hbm4b:s9+s3], $0x7D0, $0x38;
	v0 =	vadd.f32 v1, v0;
	[tilespmem:$0x1D780] =	vst v63  }
0x14d: {  	_ =	swait.ge [sflag:s13], $0x7D0  }
0x14e: {  	[sflag:s13] =	ssyncset.done $0x0  }
0x14f: {  	[sflag:s13] =	ssyncadd.s32 $0xFFFFF830  }
0x150: {  	_ =	swait.ge [sflag:s13], $0x7D0  }
0x151: {  	[sflag:s13] =	ssyncset.done $0x0  }
0x152: {  	s9 =	simm.s32 $0x0;
	[sflag:s13] =	ssyncadd.s32 $0xFFFFF830  }
0x153: {  	v3 =	vld [tilespmem:s9+$0x18700]  }
0x154: {  	v4 =	vld [tilespmem:s9+$0x18710]  }
0x155: {  	v1 =	vld [tilespmem:s9+$0x1AF40]  }
0x156: {  	v5 =	vld [tilespmem:s9+$0x18720]  }
0x157: {  	v2 =	vld [tilespmem:s9+$0x1AF30]  }
0x158: {  	v10 =	vld [tilespmem:s9+$0x18730]  }
0x159: {  	v8 =	vld [tilespmem:s9+$0x18740]  }
0x15a: {  	v11 =	vld [tilespmem:s9+$0x1AF00]  }
0x15b: {  	v9 =	vld.idx.msk [tilespmem:v3+s3+$0x0], $0xffff  }
0x15c: {  	v7 =	vld [tilespmem:s9+$0x1AF10]  }
0x15d: {  	v6 =	vld.idx.msk [tilespmem:v4+s3+$0x0], $0xffff  }
0x15e: {  	v3 =	vld.idx.msk [tilespmem:v5+s3+$0x0], $0xffff  }
0x15f: {  	v5 =	vld [tilespmem:s9+$0x1AF20]  }
0x160: {  	s20 =	simm.s32 $0x50;
	s18 =	simm.s32 $0x280;
	v4 =	vld.idx.msk [tilespmem:v10+s3+$0x0], $0xffff;
	v9 =	vmul.f32 v9, v11  }
.LBB2_14:
0x161: {  	p0 =	sne.s32 s18, $0x1E00;
	v10 =	vld [tilespmem:s20+$0x18700]  }
0x162: {  	v0 =	vadd.f32 v9, v0;
	v6 =	vmul.f32 v6, v7;
	v7 =	vld.idx.msk [tilespmem:v8+s3+$0x0], $0xffff  }
0x163: {  	v9 =	vld [tilespmem:s20+$0x18710]  }
0x164: {  	v11 =	vld [tilespmem:s20+$0x1AF40];
	v0 =	vadd.f32 v6, v0;
	v3 =	vmul.f32 v3, v5  }
0x165: {  	v5 =	vld [tilespmem:s20+$0x18720]  }
0x166: {  	v0 =	vadd.f32 v3, v0;
	v3 =	vmul.f32 v4, v2;
	v2 =	vld [tilespmem:s20+$0x1AF30]  }
0x167: {  	v4 =	vld [tilespmem:s20+$0x18730]  }
0x168: {  	v8 =	vld [tilespmem:s20+$0x18740];
	v0 =	vadd.f32 v3, v0;
	v3 =	vmul.f32 v7, v1  }
0x169: {  	v10 =	vld.idx.msk [tilespmem:v10+s3+$0x0], $0xffff;
	v1 =	vmov v11  }
0x16a: {  	v11 =	vld [tilespmem:s20+$0x1AF00];
	v0 =	vadd.f32 v3, v0  }
.Ltmp6:
0x16b: {  	v6 =	vld.idx.msk [tilespmem:v9+s3+$0x0], $0xffff;
	(pc) =	sbr.rel @p0 .LBB2_14-.Ltmp6, $4  }
0x16c: {  	v7 =	vld [tilespmem:s20+$0x1AF10]  }
0x16d: {  	v3 =	vld.idx.msk [tilespmem:v5+s3+$0x0], $0xffff  }
0x16e: {  	v5 =	vld [tilespmem:s20+$0x1AF20]  }
0x16f: {  	s20 =	sshra.s32 s18, $0x2;
	s18 =	sadd.s32 $0x140, s18;
	v9 =	vmul.f32 v10, v11;
	v4 =	vld.idx.msk [tilespmem:v4+s3+$0x0], $0xffff  }
0x170: {  	_ =	sdelay $0x2  }
0x171: {  	v10 =	vld [tilespmem:s20+$0x18700]  }
0x172: {  	v8 =	vld.idx.msk [tilespmem:v8+s3+$0x0], $0xffff  }
0x173: {  	v11 =	vld [tilespmem:s20+$0x18710]  }
0x174: {  	v12 =	vld [tilespmem:s20+$0x1AF40]  }
0x175: {  	v13 =	vld [tilespmem:s20+$0x18720]  }
0x176: {  	v14 =	vld [tilespmem:s20+$0x1AF30]  }
0x177: {  	v15 =	vld [tilespmem:s20+$0x18730]  }
0x178: {  	v16 =	vld [tilespmem:s20+$0x18740]  }
0x179: {  	v17 =	vld [tilespmem:s20+$0x1AF00]  }
0x17a: {  	v18 =	vld [tilespmem:s20+$0x1AF10]  }
0x17b: {  	v19 =	vld [tilespmem:s20+$0x1AF20]  }
0x17c: {  	v10 =	vld.idx.msk [tilespmem:v10+s3+$0x0], $0xffff  }
0x17d: {  	v11 =	vld.idx.msk [tilespmem:v11+s3+$0x0], $0xffff  }
0x17e: {  	v13 =	vld.idx.msk [tilespmem:v13+s3+$0x0], $0xffff  }
0x17f: {  	v15 =	vld.idx.msk [tilespmem:v15+s3+$0x0], $0xffff  }
0x180: {  	v16 =	vld.idx.msk [tilespmem:v16+s3+$0x0], $0xffff;
	_ =	swait.ge [sflag:s14], $0x7D0  }
0x181: {  	v0 =	vadd.f32 v9, v0;
	v6 =	vmul.f32 v6, v7;
	[sflag:s14] =	ssyncset.done $0x0  }
0x182: {  	[sflag:s14] =	ssyncadd.s32 $0xFFFFF830  }
0x183: {  	v0 =	vadd.f32 v6, v0;
	v3 =	vmul.f32 v3, v5;
	_ =	swait.ge [sflag:s14], $0x7D0  }
0x184: {  	[sflag:s14] =	ssyncset.done $0x0  }
0x185: {  	s9 =	simm.s32 $0x0;
	v2 =	vmul.f32 v4, v2;
	v0 =	vadd.f32 v3, v0;
	[sflag:s14] =	ssyncadd.s32 $0xFFFFF830  }
0x186: {  	v3 =	vld [tilespmem:s9+$0x18F00]  }
0x187: {  	v1 =	vmul.f32 v8, v1;
	v2 =	vadd.f32 v2, v0;
	v5 =	vld [tilespmem:s9+$0x18F10]  }
0x188: {  	v0 =	vld [tilespmem:s9+$0x1B740]  }
0x189: {  	v2 =	vadd.f32 v1, v2;
	v4 =	vmul.f32 v10, v17;
	v6 =	vld [tilespmem:s9+$0x18F20]  }
0x18a: {  	v1 =	vld [tilespmem:s9+$0x1B730]  }
0x18b: {  	v7 =	vmul.f32 v11, v18;
	v10 =	vld [tilespmem:s9+$0x18F30];
	v2 =	vadd.f32 v4, v2  }
0x18c: {  	v11 =	vld [tilespmem:s9+$0x1B700]  }
0x18d: {  	v4 =	vld [tilespmem:s9+$0x18F40];
	v2 =	vadd.f32 v7, v2;
	v7 =	vmul.f32 v13, v19  }
0x18e: {  	v9 =	vld.idx.msk [tilespmem:v3+s3+$0x0], $0xffff  }
0x18f: {  	v8 =	vmul.f32 v15, v14;
	v2 =	vadd.f32 v7, v2;
	v7 =	vld [tilespmem:s9+$0x1B710]  }
0x190: {  	v3 =	vld.idx.msk [tilespmem:v5+s3+$0x0], $0xffff  }
0x191: {  	v12 =	vmul.f32 v16, v12;
	v8 =	vadd.f32 v8, v2;
	v2 =	vld.idx.msk [tilespmem:v6+s3+$0x0], $0xffff  }
0x192: {  	v5 =	vld [tilespmem:s9+$0x1B720]  }
0x193: {  	s20 =	simm.s32 $0x50;
	s18 =	simm.s32 $0x280;
	v6 =	vld.idx.msk [tilespmem:v10+s3+$0x0], $0xffff;
	v8 =	vadd.f32 v12, v8;
	v9 =	vmul.f32 v9, v11  }
.LBB2_16:
0x194: {  	p0 =	sne.s32 s18, $0x1E00;
	v10 =	vld [tilespmem:s20+$0x18F00]  }
0x195: {  	v8 =	vadd.f32 v9, v8;
	v3 =	vmul.f32 v3, v7;
	v7 =	vld.idx.msk [tilespmem:v4+s3+$0x0], $0xffff  }
0x196: {  	v9 =	vld [tilespmem:s20+$0x18F10]  }
0x197: {  	v11 =	vld [tilespmem:s20+$0x1B740];
	v3 =	vadd.f32 v3, v8;
	v2 =	vmul.f32 v2, v5  }
0x198: {  	v5 =	vld [tilespmem:s20+$0x18F20]  }
0x199: {  	v2 =	vadd.f32 v2, v3;
	v3 =	vmul.f32 v6, v1;
	v1 =	vld [tilespmem:s20+$0x1B730]  }
0x19a: {  	v6 =	vld [tilespmem:s20+$0x18F30]  }
0x19b: {  	v4 =	vld [tilespmem:s20+$0x18F40];
	v2 =	vadd.f32 v3, v2;
	v3 =	vmul.f32 v7, v0  }
0x19c: {  	v10 =	vld.idx.msk [tilespmem:v10+s3+$0x0], $0xffff;
	v0 =	vmov v11  }
0x19d: {  	v11 =	vld [tilespmem:s20+$0x1B700];
	v8 =	vadd.f32 v3, v2  }
.Ltmp7:
0x19e: {  	v3 =	vld.idx.msk [tilespmem:v9+s3+$0x0], $0xffff;
	(pc) =	sbr.rel @p0 .LBB2_16-.Ltmp7, $4  }
0x19f: {  	v7 =	vld [tilespmem:s20+$0x1B710]  }
0x1a0: {  	v2 =	vld.idx.msk [tilespmem:v5+s3+$0x0], $0xffff  }
0x1a1: {  	v5 =	vld [tilespmem:s20+$0x1B720]  }
0x1a2: {  	s20 =	sshra.s32 s18, $0x2;
	s18 =	sadd.s32 $0x140, s18;
	v9 =	vmul.f32 v10, v11;
	v6 =	vld.idx.msk [tilespmem:v6+s3+$0x0], $0xffff  }
0x1a3: {  	_ =	sdelay $0x2  }
0x1a4: {  	v10 =	vld [tilespmem:s20+$0x18F00]  }
0x1a5: {  	v4 =	vld.idx.msk [tilespmem:v4+s3+$0x0], $0xffff  }
0x1a6: {  	v11 =	vld [tilespmem:s20+$0x18F10]  }
0x1a7: {  	v12 =	vld [tilespmem:s20+$0x1B740]  }
0x1a8: {  	v13 =	vld [tilespmem:s20+$0x18F20]  }
0x1a9: {  	v14 =	vld [tilespmem:s20+$0x1B730]  }
0x1aa: {  	v15 =	vld [tilespmem:s20+$0x18F30]  }
0x1ab: {  	v16 =	vld [tilespmem:s20+$0x18F40]  }
0x1ac: {  	v17 =	vld [tilespmem:s20+$0x1B700]  }
0x1ad: {  	v18 =	vld [tilespmem:s20+$0x1B710]  }
0x1ae: {  	v19 =	vld [tilespmem:s20+$0x1B720]  }
0x1af: {  	v10 =	vld.idx.msk [tilespmem:v10+s3+$0x0], $0xffff  }
0x1b0: {  	v11 =	vld.idx.msk [tilespmem:v11+s3+$0x0], $0xffff  }
0x1b1: {  	v13 =	vld.idx.msk [tilespmem:v13+s3+$0x0], $0xffff  }
0x1b2: {  	v15 =	vld.idx.msk [tilespmem:v15+s3+$0x0], $0xffff  }
0x1b3: {  	v16 =	vld.idx.msk [tilespmem:v16+s3+$0x0], $0xffff;
	_ =	swait.ge [sflag:s15], $0x7D0  }
0x1b4: {  	v8 =	vadd.f32 v9, v8;
	v3 =	vmul.f32 v3, v7;
	[sflag:s15] =	ssyncset.done $0x0  }
0x1b5: {  	[sflag:s15] =	ssyncadd.s32 $0xFFFFF830  }
0x1b6: {  	v3 =	vadd.f32 v3, v8;
	v2 =	vmul.f32 v2, v5;
	_ =	swait.ge [sflag:s15], $0x7D0  }
0x1b7: {  	[sflag:s15] =	ssyncset.done $0x0  }
0x1b8: {  	s9 =	simm.s32 $0x0;
	v1 =	vmul.f32 v6, v1;
	v2 =	vadd.f32 v2, v3;
	[sflag:s15] =	ssyncadd.s32 $0xFFFFF830  }
0x1b9: {  	v3 =	vld [tilespmem:s9+$0x19700]  }
0x1ba: {  	v1 =	vadd.f32 v1, v2;
	v2 =	vmul.f32 v4, v0;
	v5 =	vld [tilespmem:s9+$0x19710]  }
0x1bb: {  	v0 =	vld [tilespmem:s9+$0x1BF40]  }
0x1bc: {  	v2 =	vadd.f32 v2, v1;
	v4 =	vmul.f32 v10, v17;
	v6 =	vld [tilespmem:s9+$0x19720]  }
0x1bd: {  	v1 =	vld [tilespmem:s9+$0x1BF30]  }
0x1be: {  	v7 =	vmul.f32 v11, v18;
	v10 =	vld [tilespmem:s9+$0x19730];
	v2 =	vadd.f32 v4, v2  }
0x1bf: {  	v11 =	vld [tilespmem:s9+$0x1BF00]  }
0x1c0: {  	v4 =	vld [tilespmem:s9+$0x19740];
	v2 =	vadd.f32 v7, v2;
	v7 =	vmul.f32 v13, v19  }
0x1c1: {  	v9 =	vld.idx.msk [tilespmem:v3+s3+$0x0], $0xffff  }
0x1c2: {  	v8 =	vmul.f32 v15, v14;
	v2 =	vadd.f32 v7, v2;
	v7 =	vld [tilespmem:s9+$0x1BF10]  }
0x1c3: {  	v3 =	vld.idx.msk [tilespmem:v5+s3+$0x0], $0xffff  }
0x1c4: {  	v12 =	vmul.f32 v16, v12;
	v8 =	vadd.f32 v8, v2;
	v2 =	vld.idx.msk [tilespmem:v6+s3+$0x0], $0xffff  }
0x1c5: {  	v5 =	vld [tilespmem:s9+$0x1BF20]  }
0x1c6: {  	s20 =	simm.s32 $0x50;
	s18 =	simm.s32 $0x280;
	v6 =	vld.idx.msk [tilespmem:v10+s3+$0x0], $0xffff;
	v8 =	vadd.f32 v12, v8;
	v9 =	vmul.f32 v9, v11  }
.LBB2_18:
0x1c7: {  	p0 =	sne.s32 s18, $0x1E00;
	v10 =	vld [tilespmem:s20+$0x19700]  }
0x1c8: {  	v8 =	vadd.f32 v9, v8;
	v3 =	vmul.f32 v3, v7;
	v7 =	vld.idx.msk [tilespmem:v4+s3+$0x0], $0xffff  }
0x1c9: {  	v9 =	vld [tilespmem:s20+$0x19710]  }
0x1ca: {  	v11 =	vld [tilespmem:s20+$0x1BF40];
	v3 =	vadd.f32 v3, v8;
	v2 =	vmul.f32 v2, v5  }
0x1cb: {  	v5 =	vld [tilespmem:s20+$0x19720]  }
0x1cc: {  	v2 =	vadd.f32 v2, v3;
	v3 =	vmul.f32 v6, v1;
	v1 =	vld [tilespmem:s20+$0x1BF30]  }
0x1cd: {  	v6 =	vld [tilespmem:s20+$0x19730]  }
0x1ce: {  	v4 =	vld [tilespmem:s20+$0x19740];
	v2 =	vadd.f32 v3, v2;
	v3 =	vmul.f32 v7, v0  }
0x1cf: {  	v10 =	vld.idx.msk [tilespmem:v10+s3+$0x0], $0xffff;
	v0 =	vmov v11  }
0x1d0: {  	v11 =	vld [tilespmem:s20+$0x1BF00];
	v8 =	vadd.f32 v3, v2  }
.Ltmp8:
0x1d1: {  	v3 =	vld.idx.msk [tilespmem:v9+s3+$0x0], $0xffff;
	(pc) =	sbr.rel @p0 .LBB2_18-.Ltmp8, $4  }
0x1d2: {  	v7 =	vld [tilespmem:s20+$0x1BF10]  }
0x1d3: {  	v2 =	vld.idx.msk [tilespmem:v5+s3+$0x0], $0xffff  }
0x1d4: {  	v5 =	vld [tilespmem:s20+$0x1BF20]  }
0x1d5: {  	s20 =	sshra.s32 s18, $0x2;
	s18 =	sadd.s32 $0x140, s18;
	v9 =	vmul.f32 v10, v11;
	v6 =	vld.idx.msk [tilespmem:v6+s3+$0x0], $0xffff  }
0x1d6: {  	_ =	sdelay $0x2  }
0x1d7: {  	v10 =	vld [tilespmem:s20+$0x19700]  }
0x1d8: {  	v4 =	vld.idx.msk [tilespmem:v4+s3+$0x0], $0xffff  }
0x1d9: {  	v11 =	vld [tilespmem:s20+$0x19710]  }
0x1da: {  	v12 =	vld [tilespmem:s20+$0x1BF40]  }
0x1db: {  	v13 =	vld [tilespmem:s20+$0x19720]  }
0x1dc: {  	v14 =	vld [tilespmem:s20+$0x1BF30]  }
0x1dd: {  	v15 =	vld [tilespmem:s20+$0x19730]  }
0x1de: {  	v16 =	vld [tilespmem:s20+$0x19740]  }
0x1df: {  	v17 =	vld [tilespmem:s20+$0x1BF00]  }
0x1e0: {  	v18 =	vld [tilespmem:s20+$0x1BF10]  }
0x1e1: {  	v19 =	vld [tilespmem:s20+$0x1BF20]  }
0x1e2: {  	v10 =	vld.idx.msk [tilespmem:v10+s3+$0x0], $0xffff  }
0x1e3: {  	v11 =	vld.idx.msk [tilespmem:v11+s3+$0x0], $0xffff  }
0x1e4: {  	v13 =	vld.idx.msk [tilespmem:v13+s3+$0x0], $0xffff  }
0x1e5: {  	v15 =	vld.idx.msk [tilespmem:v15+s3+$0x0], $0xffff  }
0x1e6: {  	v16 =	vld.idx.msk [tilespmem:v16+s3+$0x0], $0xffff;
	_ =	swait.ge [sflag:s16], $0x7D0  }
0x1e7: {  	v8 =	vadd.f32 v9, v8;
	v3 =	vmul.f32 v3, v7;
	[sflag:s16] =	ssyncset.done $0x0  }
0x1e8: {  	[sflag:s16] =	ssyncadd.s32 $0xFFFFF830  }
0x1e9: {  	v3 =	vadd.f32 v3, v8;
	v2 =	vmul.f32 v2, v5;
	_ =	swait.ge [sflag:s16], $0x7D0  }
0x1ea: {  	[sflag:s16] =	ssyncset.done $0x0  }
0x1eb: {  	s9 =	simm.s32 $0x0;
	v1 =	vmul.f32 v6, v1;
	v2 =	vadd.f32 v2, v3;
	[sflag:s16] =	ssyncadd.s32 $0xFFFFF830  }
0x1ec: {  	v3 =	vld [tilespmem:s9+$0x19F00]  }
0x1ed: {  	v1 =	vadd.f32 v1, v2;
	v2 =	vmul.f32 v4, v0;
	v5 =	vld [tilespmem:s9+$0x19F10]  }
0x1ee: {  	v0 =	vld [tilespmem:s9+$0x1C740]  }
0x1ef: {  	v2 =	vadd.f32 v2, v1;
	v4 =	vmul.f32 v10, v17;
	v6 =	vld [tilespmem:s9+$0x19F20]  }
0x1f0: {  	v1 =	vld [tilespmem:s9+$0x1C730]  }
0x1f1: {  	v7 =	vmul.f32 v11, v18;
	v10 =	vld [tilespmem:s9+$0x19F30];
	v2 =	vadd.f32 v4, v2  }
0x1f2: {  	v11 =	vld [tilespmem:s9+$0x1C700]  }
0x1f3: {  	v4 =	vld [tilespmem:s9+$0x19F40];
	v2 =	vadd.f32 v7, v2;
	v7 =	vmul.f32 v13, v19  }
0x1f4: {  	v9 =	vld.idx.msk [tilespmem:v3+s3+$0x0], $0xffff  }
0x1f5: {  	v8 =	vmul.f32 v15, v14;
	v2 =	vadd.f32 v7, v2;
	v7 =	vld [tilespmem:s9+$0x1C710]  }
0x1f6: {  	v3 =	vld.idx.msk [tilespmem:v5+s3+$0x0], $0xffff  }
0x1f7: {  	v12 =	vmul.f32 v16, v12;
	v8 =	vadd.f32 v8, v2;
	v2 =	vld.idx.msk [tilespmem:v6+s3+$0x0], $0xffff  }
0x1f8: {  	v5 =	vld [tilespmem:s9+$0x1C720]  }
0x1f9: {  	s20 =	simm.s32 $0x50;
	s18 =	simm.s32 $0x280;
	v6 =	vld.idx.msk [tilespmem:v10+s3+$0x0], $0xffff;
	v8 =	vadd.f32 v12, v8;
	v9 =	vmul.f32 v9, v11  }
.LBB2_20:
0x1fa: {  	p0 =	sne.s32 s18, $0x1E00;
	v10 =	vld [tilespmem:s20+$0x19F00]  }
0x1fb: {  	v8 =	vadd.f32 v9, v8;
	v3 =	vmul.f32 v3, v7;
	v7 =	vld.idx.msk [tilespmem:v4+s3+$0x0], $0xffff  }
0x1fc: {  	v9 =	vld [tilespmem:s20+$0x19F10]  }
0x1fd: {  	v11 =	vld [tilespmem:s20+$0x1C740];
	v3 =	vadd.f32 v3, v8;
	v2 =	vmul.f32 v2, v5  }
0x1fe: {  	v5 =	vld [tilespmem:s20+$0x19F20]  }
0x1ff: {  	v2 =	vadd.f32 v2, v3;
	v3 =	vmul.f32 v6, v1;
	v1 =	vld [tilespmem:s20+$0x1C730]  }
0x200: {  	v6 =	vld [tilespmem:s20+$0x19F30]  }
0x201: {  	v4 =	vld [tilespmem:s20+$0x19F40];
	v2 =	vadd.f32 v3, v2;
	v3 =	vmul.f32 v7, v0  }
0x202: {  	v10 =	vld.idx.msk [tilespmem:v10+s3+$0x0], $0xffff;
	v0 =	vmov v11  }
0x203: {  	v11 =	vld [tilespmem:s20+$0x1C700];
	v8 =	vadd.f32 v3, v2  }
.Ltmp9:
0x204: {  	v3 =	vld.idx.msk [tilespmem:v9+s3+$0x0], $0xffff;
	(pc) =	sbr.rel @p0 .LBB2_20-.Ltmp9, $4  }
0x205: {  	v7 =	vld [tilespmem:s20+$0x1C710]  }
0x206: {  	v2 =	vld.idx.msk [tilespmem:v5+s3+$0x0], $0xffff  }
0x207: {  	v5 =	vld [tilespmem:s20+$0x1C720]  }
0x208: {  	s20 =	sshra.s32 s18, $0x2;
	s18 =	sadd.s32 $0x140, s18;
	v9 =	vmul.f32 v10, v11;
	v6 =	vld.idx.msk [tilespmem:v6+s3+$0x0], $0xffff  }
0x209: {  	_ =	sdelay $0x2  }
0x20a: {  	v10 =	vld [tilespmem:s20+$0x19F00]  }
0x20b: {  	v4 =	vld.idx.msk [tilespmem:v4+s3+$0x0], $0xffff  }
0x20c: {  	v11 =	vld [tilespmem:s20+$0x19F10]  }
0x20d: {  	v12 =	vld [tilespmem:s20+$0x1C740]  }
0x20e: {  	v13 =	vld [tilespmem:s20+$0x19F20]  }
0x20f: {  	v14 =	vld [tilespmem:s20+$0x1C730]  }
0x210: {  	v15 =	vld [tilespmem:s20+$0x19F30]  }
0x211: {  	v16 =	vld [tilespmem:s20+$0x19F40]  }
0x212: {  	v17 =	vld [tilespmem:s20+$0x1C700]  }
0x213: {  	v18 =	vld [tilespmem:s20+$0x1C710]  }
0x214: {  	v19 =	vld [tilespmem:s20+$0x1C720]  }
0x215: {  	v10 =	vld.idx.msk [tilespmem:v10+s3+$0x0], $0xffff  }
0x216: {  	v11 =	vld.idx.msk [tilespmem:v11+s3+$0x0], $0xffff  }
0x217: {  	v13 =	vld.idx.msk [tilespmem:v13+s3+$0x0], $0xffff  }
0x218: {  	v15 =	vld.idx.msk [tilespmem:v15+s3+$0x0], $0xffff  }
0x219: {  	v16 =	vld.idx.msk [tilespmem:v16+s3+$0x0], $0xffff;
	_ =	swait.ge [sflag:s17], $0x7D0  }
0x21a: {  	v8 =	vadd.f32 v9, v8;
	v3 =	vmul.f32 v3, v7;
	[sflag:s17] =	ssyncset.done $0x0  }
0x21b: {  	[sflag:s17] =	ssyncadd.s32 $0xFFFFF830  }
0x21c: {  	v3 =	vadd.f32 v3, v8;
	v2 =	vmul.f32 v2, v5;
	_ =	swait.ge [sflag:s17], $0x7D0  }
0x21d: {  	[sflag:s17] =	ssyncset.done $0x0  }
0x21e: {  	s9 =	simm.s32 $0x0;
	v1 =	vmul.f32 v6, v1;
	v2 =	vadd.f32 v2, v3;
	[sflag:s17] =	ssyncadd.s32 $0xFFFFF830  }
0x21f: {  	v3 =	vld [tilespmem:s9+$0x1A700]  }
0x220: {  	v1 =	vadd.f32 v1, v2;
	v2 =	vmul.f32 v4, v0;
	v4 =	vld [tilespmem:s9+$0x1A710]  }
0x221: {  	v0 =	vld [tilespmem:s9+$0x1CF40]  }
0x222: {  	v2 =	vadd.f32 v2, v1;
	v5 =	vmul.f32 v10, v17;
	v6 =	vld [tilespmem:s9+$0x1A720]  }
0x223: {  	v1 =	vld [tilespmem:s9+$0x1CF30]  }
0x224: {  	v7 =	vmul.f32 v11, v18;
	v10 =	vld [tilespmem:s9+$0x1A730];
	v5 =	vadd.f32 v5, v2  }
0x225: {  	v11 =	vld [tilespmem:s9+$0x1CF00]  }
0x226: {  	v2 =	vld [tilespmem:s9+$0x1A740];
	v5 =	vadd.f32 v7, v5;
	v7 =	vmul.f32 v13, v19  }
0x227: {  	v9 =	vld.idx.msk [tilespmem:v3+s3+$0x0], $0xffff  }
0x228: {  	v3 =	vadd.f32 v7, v5;
	v5 =	vmul.f32 v15, v14;
	v4 =	vld.idx.msk [tilespmem:v4+s3+$0x0], $0xffff  }
0x229: {  	v7 =	vld [tilespmem:s9+$0x1CF10]  }
0x22a: {  	v12 =	vmul.f32 v16, v12;
	v8 =	vadd.f32 v5, v3;
	v3 =	vld.idx.msk [tilespmem:v6+s3+$0x0], $0xffff  }
0x22b: {  	v5 =	vld [tilespmem:s9+$0x1CF20]  }
0x22c: {  	s20 =	simm.s32 $0x50;
	s18 =	simm.s32 $0x280;
	v6 =	vld.idx.msk [tilespmem:v10+s3+$0x0], $0xffff;
	v8 =	vadd.f32 v12, v8;
	v9 =	vmul.f32 v9, v11  }
.LBB2_22:
0x22d: {  	p0 =	sne.s32 s18, $0x1E00;
	v10 =	vld [tilespmem:s20+$0x1A700]  }
0x22e: {  	v8 =	vadd.f32 v9, v8;
	v4 =	vmul.f32 v4, v7;
	v7 =	vld.idx.msk [tilespmem:v2+s3+$0x0], $0xffff  }
0x22f: {  	v9 =	vld [tilespmem:s20+$0x1A710]  }
0x230: {  	v11 =	vld [tilespmem:s20+$0x1CF40];
	v2 =	vadd.f32 v4, v8;
	v3 =	vmul.f32 v3, v5  }
0x231: {  	v5 =	vld [tilespmem:s20+$0x1A720]  }
0x232: {  	v4 =	vmul.f32 v6, v1;
	v3 =	vadd.f32 v3, v2;
	v1 =	vld [tilespmem:s20+$0x1CF30]  }
0x233: {  	v6 =	vld [tilespmem:s20+$0x1A730]  }
0x234: {  	v2 =	vld [tilespmem:s20+$0x1A740];
	v3 =	vadd.f32 v4, v3;
	v4 =	vmul.f32 v7, v0  }
0x235: {  	v10 =	vld.idx.msk [tilespmem:v10+s3+$0x0], $0xffff;
	v0 =	vmov v11  }
0x236: {  	v11 =	vld [tilespmem:s20+$0x1CF00];
	v8 =	vadd.f32 v4, v3  }
.Ltmp10:
0x237: {  	v4 =	vld.idx.msk [tilespmem:v9+s3+$0x0], $0xffff;
	(pc) =	sbr.rel @p0 .LBB2_22-.Ltmp10, $4  }
0x238: {  	v7 =	vld [tilespmem:s20+$0x1CF10]  }
0x239: {  	v3 =	vld.idx.msk [tilespmem:v5+s3+$0x0], $0xffff  }
0x23a: {  	v5 =	vld [tilespmem:s20+$0x1CF20]  }
0x23b: {  	s20 =	sshra.s32 s18, $0x2;
	s18 =	sadd.s32 $0x140, s18;
	v9 =	vmul.f32 v10, v11;
	v6 =	vld.idx.msk [tilespmem:v6+s3+$0x0], $0xffff  }
0x23c: {  	v10 =	vld [tilespmem:s20+$0x1A700];
	_ =	sdelay $0x1  }
0x23d: {  	v11 =	vld [tilespmem:s20+$0x1A710]  }
0x23e: {  	v12 =	vld [tilespmem:s20+$0x1A720]  }
0x23f: {  	v2 =	vld.idx.msk [tilespmem:v2+s3+$0x0], $0xffff  }
0x240: {  	v47 =	vld [tilespmem:s20+$0x1A730];
	v8 =	vadd.f32 v9, v8;
	v4 =	vmul.f32 v4, v7  }
0x241: {  	v48 =	vld [tilespmem:s20+$0x1A740]  }
0x242: {  	v50 =	vld [tilespmem:s20+$0x1CF00];
	v4 =	vadd.f32 v4, v8;
	v3 =	vmul.f32 v3, v5  }
0x243: {  	v49 =	vld.idx.msk [tilespmem:v10+s3+$0x0], $0xffff  }
0x244: {  	v52 =	vld [tilespmem:s20+$0x1CF10];
	v1 =	vmul.f32 v6, v1;
	v3 =	vadd.f32 v3, v4  }
0x245: {  	v51 =	vld.idx.msk [tilespmem:v11+s3+$0x0], $0xffff  }
0x246: {  	v54 =	vld [tilespmem:s20+$0x1CF20];
	v0 =	vmul.f32 v2, v0;
	v1 =	vadd.f32 v1, v3  }
0x247: {  	v53 =	vld.idx.msk [tilespmem:v12+s3+$0x0], $0xffff  }
0x248: {  	v55 =	vld [tilespmem:s20+$0x1CF30];
	v0 =	vadd.f32 v0, v1;
	v56 =	vmul.f32 v49, v50  }
0x249: {  	v57 =	vld.idx.msk [tilespmem:v47+s3+$0x0], $0xffff  }
0x24a: {  	v58 =	vld [tilespmem:s20+$0x1CF40];
	v59 =	vmul.f32 v51, v52;
	v0 =	vadd.f32 v56, v0  }
0x24b: {  	v60 =	vld.idx.msk [tilespmem:v48+s3+$0x0], $0xffff  }
0x24c: {  	v61 =	vmul.f32 v53, v54;
	v0 =	vadd.f32 v59, v0;
	_ =	sdelay $0x1  }
0x24d: {  	v62 =	vmul.f32 v57, v55;
	v0 =	vadd.f32 v61, v0;
	_ =	sdelay $0x1  }
0x24e: {  	v63 =	vmul.f32 v60, v58;
	v0 =	vadd.f32 v62, v0;
	_ =	sdelay $0x1  }
0x24f: {  	v0 =	vadd.f32 v63, v0;
	_ =	sdelay $0x1  }
0x250: {  	s9 =	rddreg [dreg:$0x10];
	s18 =	simm.s32 $0x1D700;
	s26 =	simm.s32 $0x7;
	[tilespmem:$0x1D700] =	vst v0  }
0x251: {  	[hbm4b:s9+s3] =	stream.linear.scatter [tilespmem:s18], [sflag:$0x7], $0x80, $0x38;
	[tilespmem:$0x1D780] =	vst v63  }
0x252: {  	_ =	swait.ge [sflag:s26], $0x80  }
0x253: {  	s19 =	sadd.s32 $0x1, s19;
	s28 =	rddreg [dreg:$0x11]  }
0x254: {  	p0 =	sne.s32 s19, s28  }
.Ltmp11:
0x255: {  	_ = 	snop;
	(pc) =	sbr.rel @p0 .LBB2_1-.Ltmp11, $3  }
0x256: {  	_ =	sdelay $0x1  }
0x257: {  	[sflag:s26] =	ssyncset.done $0x0  }
0x258: {  	[sflag:s26] =	ssyncadd.s32 $0xFFFFFF80  }
0x259: {  	_ =	sfence.sel $0x180000  }
0x25a: {  	[bflag:$0x0] =	sbarrier.arrive $0xFFFF  }
0x25b: {  	_ =	strace $0x90000047  }
0x25c: {  	s0 =	stileid.u32;
	[bflag:$0x2] =	sbarrier.arrive $0xFFFF  }
0x25d: {  	p0 =	sne.s32 s0, $0x0;
	s0 =	rddreg [dreg:$0x1]  }
0x25e: {  	s0 =	sadd.s32 @!p0 $0x100000, s0  }
0x25f: {  	[sflag:s0] =	ssyncadd.tile.s32 @!p0 $0x1;
	_ =	shalt  }
.Lfunc_end2:
_tile_overlayer_lowered:
.L_overlay_start_2:
0x260: {  	(tag) =	ssettag $0x2  }
0x261: {  	s0 =	rddreg [dreg:$0x0];
	s2 =	stileid.u32  }
0x262: {  	s1 =	rddreg [dreg:$0x1];
	p0 =	sne.s32 s2, $0x0  }
0x263: {  	s3 =	rddreg [dreg:$0x2];
	[bflag:$0x3] =	sbarrier.arrive $0xFFFF;
	s2 =	simm.s32 @!p0 $0x1C07  }
0x264: {  	[timem:s3], [sflag:s2] =	dma.local @!p0 [hbm:s0], s1  }
0x265: {  	s0 =	simm.s32 @!p0 $0x7  }
0x266: {  	_ =	swait.ge @!p0 [sflag:s0], s1  }
0x267: {  	s1 =	ssub.s32 @!p0 $0x0, s1;
	[sflag:s0] =	ssyncset.done @!p0 $0x0  }
0x268: {  	[sflag:s0] =	ssyncadd.s32 @!p0 s1  }
0x269: {  	[bflag:$0x3] =	sbarrier.arrive $0xFFFF  }
0x26a: {  	_ =	shalt  }

</sc_bundles>
